<compile_context>
chip_gen: v7x
topology: tpu7x:2x2x1
jax: 0.10.2.dev20260603
libtpu: 0.0.44.dev20260713+nightly
codegen_flags: <defaults>
</compile_context>

<pallas_src>
import functools

import jax
import jax.numpy as jnp
from jax import lax
from jax.experimental import pallas as pl
from jax.experimental.pallas import tpu as pltpu
from jax.experimental.pallas import tpu_sc as plsc

N_NODES = 10000
N_PAD = 10112
E = 640000
NC, NS = 2, 16
NW = NC * NS
CHUNK = 128
N_CHUNKS = 160
E_PAD = NW * N_CHUNKS * CHUNK
H = 4
NBLK = N_CHUNKS // H
ROWS_T = N_PAD // NS

_MESH = plsc.VectorSubcoreMesh(
    core_axis_name="c", subcore_axis_name="s", num_cores=NC, num_subcores=NS)
_SC_PARAMS = pltpu.CompilerParams(
    needs_layout_passes=False, use_tc_tiling_on_sc=False)



def _make_prop(w):
    def body(g_hbm, e_hbm, z_hbm, out_hbm,
             src_v, dst_v, rows_v, bb_v, g_sh, acc_sh, sem_g, sem_s):
        c = lax.axis_index("c")
        s = lax.axis_index("s")
        wid = c * NS + s
        r0 = s * ROWS_T
        pltpu.sync_copy(z_hbm.at[pl.ds(r0, ROWS_T)], bb_v)
        pltpu.sync_copy(bb_v, acc_sh.at[pl.ds(r0, ROWS_T)])
        pltpu.sync_copy(g_hbm.at[pl.ds(r0, ROWS_T)], bb_v)
        pltpu.sync_copy(bb_v, g_sh.at[pl.ds(r0, ROWS_T)])
        pltpu.sync_copy(e_hbm.at[wid], src_v)
        pltpu.sync_copy(e_hbm.at[NW + wid], dst_v)
        plsc.subcore_barrier()

        def issue_gathers(blk, half):
            for b in range(H):
                pltpu.async_copy(g_sh.at[src_v.at[blk * H + b]],
                                 rows_v.at[half * H + b], sem_g)

        def issue_scatters(blk, half):
            for b in range(H):
                pltpu.async_copy(rows_v.at[half * H + b],
                                 acc_sh.at[dst_v.at[blk * H + b]],
                                 sem_s, add=True)

        def drain(sem, n):
            for _ in range(n):
                pltpu.make_async_copy(g_sh.at[src_v.at[0]],
                                      rows_v.at[0], sem).wait()

        issue_gathers(0, 0)

        def loop(p, carry):
            blk_a = 2 * p
            blk_b = 2 * p + 1

            @pl.when(p >= 1)
            def _():
                drain(sem_s, H)

            issue_gathers(blk_b, 1)
            drain(sem_g, H)
            issue_scatters(blk_a, 0)
            drain(sem_s, H)

            @pl.when(blk_a + 2 < NBLK)
            def _():
                issue_gathers(blk_a + 2, 0)

            drain(sem_g, H)
            issue_scatters(blk_b, 1)
            return carry

        lax.fori_loop(0, NBLK // 2, loop, 0)
        drain(sem_s, H)
        plsc.subcore_barrier()
        pltpu.sync_copy(acc_sh.at[pl.ds(r0, ROWS_T)], bb_v)
        pltpu.sync_copy(bb_v, out_hbm.at[c, pl.ds(r0, ROWS_T)])

    return functools.partial(
        pl.kernel,
        out_type=jax.ShapeDtypeStruct((NC, N_PAD, w), jnp.float32),
        mesh=_MESH,
        compiler_params=_SC_PARAMS,
        scratch_types=[
            pltpu.VMEM((N_CHUNKS, CHUNK), jnp.int32),
            pltpu.VMEM((N_CHUNKS, CHUNK), jnp.int32),
            pltpu.VMEM((2 * H, CHUNK, w), jnp.float32),
            pltpu.VMEM((ROWS_T, w), jnp.float32),
            pltpu.VMEM_SHARED((N_PAD, w), jnp.float32),
            pltpu.VMEM_SHARED((N_PAD, w), jnp.float32),
            pltpu.SemaphoreType.DMA,
            pltpu.SemaphoreType.DMA,
        ],
    )(body)


_prop16 = _make_prop(16)
_prop8 = _make_prop(8)
_prop1 = _make_prop(1)


E_TILE = N_CHUNKS * CHUNK


def _deg_body(dstF_hbm, out_hbm, dstf_v, deg_v):
    c = lax.axis_index("c")
    s = lax.axis_index("s")
    wid = c * NS + s
    pltpu.sync_copy(dstF_hbm.at[wid], dstf_v)
    zeros = jnp.zeros((16,), jnp.float32)
    ones = jnp.ones((16,), jnp.float32)

    def zero_body(i, carry):
        deg_v[pl.ds(i * 16, 16)] = zeros
        return carry

    lax.fori_loop(0, N_PAD // 16, zero_body, 0)

    def body(i, carry):
        idx = dstf_v[pl.ds(i * 16, 16)]
        plsc.addupdate_scatter(deg_v, [idx], ones)
        return carry

    lax.fori_loop(0, E_TILE // 16, body, 0)
    pltpu.sync_copy(deg_v, out_hbm.at[wid])


_deg_kernel = functools.partial(
    pl.kernel,
    out_type=jax.ShapeDtypeStruct((NW, N_PAD), jnp.float32),
    mesh=_MESH,
    compiler_params=_SC_PARAMS,
    scratch_types=[
        pltpu.VMEM((E_TILE,), jnp.int32),
        pltpu.VMEM((N_PAD,), jnp.float32),
    ],
)(_deg_body)


def _prop1r_body(g_hbm, srcF_hbm, dstF_hbm, out_hbm, srcf_v, dstf_v, g_v, acc_v):
    c = lax.axis_index("c")
    s = lax.axis_index("s")
    wid = c * NS + s
    pltpu.sync_copy(g_hbm, g_v)
    pltpu.sync_copy(srcF_hbm.at[wid], srcf_v)
    pltpu.sync_copy(dstF_hbm.at[wid], dstf_v)
    zeros = jnp.zeros((16,), jnp.float32)

    def zero_body(i, carry):
        acc_v[pl.ds(i * 16, 16)] = zeros
        return carry

    lax.fori_loop(0, N_PAD // 16, zero_body, 0)

    def body(i, carry):
        sidx = srcf_v[pl.ds(i * 16, 16)]
        vals = plsc.load_gather(g_v, [sidx])
        didx = dstf_v[pl.ds(i * 16, 16)]
        plsc.addupdate_scatter(acc_v, [didx], vals)
        return carry

    lax.fori_loop(0, E_TILE // 16, body, 0)
    pltpu.sync_copy(acc_v, out_hbm.at[wid])


_prop1r = functools.partial(
    pl.kernel,
    out_type=jax.ShapeDtypeStruct((NW, N_PAD), jnp.float32),
    mesh=_MESH,
    compiler_params=_SC_PARAMS,
    scratch_types=[
        pltpu.VMEM((E_TILE,), jnp.int32),
        pltpu.VMEM((E_TILE,), jnp.int32),
        pltpu.VMEM((N_PAD,), jnp.float32),
        pltpu.VMEM((N_PAD,), jnp.float32),
    ],
)(_prop1r_body)





def _dec_body(x_ref, w_ref, b_ref, o_ref):
    acc = jnp.dot(x_ref[...], w_ref[...], preferred_element_type=jnp.float32)
    o_ref[...] = jnp.maximum(acc + b_ref[...], 0.0)


def _tc_decoder(x, W_dec, b_dec):
    bk = 6400
    grid = W_dec.shape[1] // bk
    return pl.pallas_call(
        _dec_body,
        grid=(grid,),
        in_specs=[
            pl.BlockSpec((1, 64), lambda i: (0, 0)),
            pl.BlockSpec((64, bk), lambda i: (0, i)),
            pl.BlockSpec((1, bk), lambda i: (0, i)),
        ],
        out_specs=pl.BlockSpec((1, bk), lambda i: (0, i)),
        out_shape=jax.ShapeDtypeStruct((1, W_dec.shape[1]), jnp.float32),
    )(x, W_dec, b_dec.reshape(1, -1))


def _norm_body(dacc_ref, h_ref, w_ref, g_ref, dinv_ref):
    deg = jnp.sum(dacc_ref[...], axis=1, keepdims=True) + 1.0
    dinv = lax.rsqrt(deg)
    dinv_ref[...] = dinv
    hw = jnp.dot(h_ref[...], w_ref[...], preferred_element_type=jnp.float32)
    g_ref[...] = dinv * hw


def _tc_norm(dacc, h0p, W4):
    return pl.pallas_call(
        _norm_body,
        out_shape=[
            jax.ShapeDtypeStruct((N_PAD, 16), jnp.float32),
            jax.ShapeDtypeStruct((N_PAD, 1), jnp.float32),
        ],
    )(dacc, h0p, W4)


def _mid_body(acc_ref, g_ref, dinv_ref, b_ref, w_ref, o_ref):
    dinv = dinv_ref[...]
    pre = dinv * (acc_ref[0] + acc_ref[1] + g_ref[...]) + b_ref[...]
    h = jnp.maximum(pre, 0.0)
    o_ref[...] = dinv * jnp.dot(h, w_ref[...], preferred_element_type=jnp.float32)


def _tc_mid(acc, g, dinv, b, W, w_out):
    return pl.pallas_call(
        _mid_body,
        out_shape=jax.ShapeDtypeStruct((N_PAD, w_out), jnp.float32),
    )(acc, g, dinv, b.reshape(1, -1), W)


def _fin_body(acc_ref, g_ref, dinv_ref, b_ref, o_ref):
    accsum = jnp.sum(acc_ref[...], axis=1, keepdims=True)
    pre = dinv_ref[...] * (accsum + g_ref[...]) + b_ref[...]
    o_ref[...] = jax.nn.sigmoid(pre)


def _tc_final(acc, g2, dinv, b6):
    return pl.pallas_call(
        _fin_body,
        out_shape=jax.ShapeDtypeStruct((N_PAD, 1), jnp.float32),
    )(acc, g2, dinv, b6.reshape(1, 1))



def kernel(x, edge_index, W_dec, b_dec, W4, b4, W5, b5, W6, b6):
    ei = jnp.pad(edge_index, ((0, 0), (0, E_PAD - E)),
                 constant_values=N_PAD - 1)
    e4 = ei.reshape(2 * NW, N_CHUNKS, CHUNK)

    srcF = ei[0].reshape(NW, E_TILE)
    dstF = ei[1].reshape(NW, E_TILE)
    z8 = jnp.zeros((N_PAD, 8), jnp.float32)
    z16 = jnp.zeros((N_PAD, 16), jnp.float32)

    dacc = _deg_kernel(dstF).T
    h0 = _tc_decoder(x, W_dec, b_dec)
    h0p = jnp.pad(h0.reshape(N_NODES, 16), ((0, N_PAD - N_NODES), (0, 0)))

    g0, dinv = _tc_norm(dacc, h0p, W4)

    acc1 = _prop16(g0, e4, z16)
    g1 = _tc_mid(acc1, g0, dinv, b4, W5, 8)

    acc2 = _prop8(g1, e4, z8)
    g2 = _tc_mid(acc2, g1, dinv, b5, W6, 1)

    acc3 = _prop1r(g2.reshape(N_PAD), srcF, dstF).T
    out = _tc_final(acc3, g2, dinv, b6)
    return out[:N_NODES, 0].reshape(1, N_NODES)

# --- scband reference (transcript-rebuilt; emitter-appended) ---
"""Pipeline reference for scband-gcn-decoder-2104533975392 (READ-ONLY COPY).

The authoritative reference and input builder live on the scoring server;
editing this copy changes nothing except your own understanding.
"""

import jax, jax.numpy as jnp
import numpy as np

NUM_NODES = 10000
EMB = [256, 128, 64, 16, 16, 8]
LATENT = 64
N_EDGES = 640000


def setup_inputs(seed: int = 0) -> dict:
    key = jax.random.key(seed)
    ks = jax.random.split(key, 12)
    x = jax.random.normal(ks[0], (1, LATENT), dtype=jnp.float32)
    edge_index = jax.random.randint(ks[1], (2, N_EDGES), 0, NUM_NODES, dtype=jnp.int32)
    dec_out = NUM_NODES * EMB[3]
    W_dec = jax.random.normal(ks[2], (LATENT, dec_out), dtype=jnp.float32) * 0.02
    b_dec = jnp.zeros((dec_out,), dtype=jnp.float32)
    W4 = jax.random.normal(ks[3], (EMB[3], EMB[4]), dtype=jnp.float32) * 0.1
    b4 = jnp.zeros((EMB[4],), dtype=jnp.float32)
    W5 = jax.random.normal(ks[4], (EMB[4], EMB[5]), dtype=jnp.float32) * 0.1
    b5 = jnp.zeros((EMB[5],), dtype=jnp.float32)
    W6 = jax.random.normal(ks[5], (EMB[5], 1), dtype=jnp.float32) * 0.1
    b6 = jnp.zeros((1,), dtype=jnp.float32)
    return {"x": x, "edge_index": edge_index, "W_dec": W_dec, "b_dec": b_dec,
            "W4": W4, "b4": b4, "W5": W5, "b5": b5, "W6": W6, "b6": b6}


def _gcn_conv(h, edge_index, W, b):
    # GCNConv with symmetric normalization and self-loops (PyG default)
    src = edge_index[0]
    dst = edge_index[1]
    loop = jnp.arange(NUM_NODES, dtype=src.dtype)
    src = jnp.concatenate([src, loop])
    dst = jnp.concatenate([dst, loop])
    deg = jnp.zeros((NUM_NODES,), dtype=jnp.float32).at[dst].add(1.0)
    dinv = jax.lax.rsqrt(deg)  # deg >= 1 due to self loops
    norm = dinv[src] * dinv[dst]
    hw = h @ W
    msg = hw[src] * norm[:, None]
    out = jnp.zeros((NUM_NODES, W.shape[1]), dtype=jnp.float32).at[dst].add(msg)
    return out + b


def reference(x, edge_index, W_dec, b_dec, W4, b4, W5, b5, W6, b6):
    # Decoder: latent -> num_nodes * emb3 (Linear + ReLU)
    h = jax.nn.relu(x @ W_dec + b_dec)
    h = h.reshape(-1, EMB[3])
    h = jax.nn.relu(_gcn_conv(h, edge_index, W4, b4))
    h = jax.nn.relu(_gcn_conv(h, edge_index, W5, b5))
    h = _gcn_conv(h, edge_index, W6, b6)
    h = h.reshape(-1, NUM_NODES)
    return jax.nn.sigmoid(h)

if __name__ == "__main__":
    import jax
    _d = setup_inputs()
    print(jax.jit(kernel)(*tuple(_d.values())))

</pallas_src>

<mosaic_0001>
#map = affine_map<(d0, d1) -> (0, 0)>
module attributes {stable_mosaic.version = 14 : i64} {
  func.func @_deg_body(%arg0: i32, %arg1: i32, %arg2: memref<32x20480xi32, #tpu.memory_space<hbm>>, %arg3: memref<32x10112xf32, #tpu.memory_space<hbm>>, %arg4: memref<20480xi32, #tpu.memory_space<vmem>>, %arg5: memref<10112xf32, #tpu.memory_space<vmem>>) attributes {dimension_semantics = [#tpu.dimension_semantics<core_parallel>, #tpu.dimension_semantics<subcore_parallel>], iteration_bounds = array<i64: 2, 16>, scalar_prefetch = 0 : i64, scratch_operands = 2 : i64, tpu.core_type = #tpu.core_type<sc_vector_subcore>, window_params = [{transform_indices = #map}, {transform_indices = #map}]} {
    %mul3A = arith.constant 16 : i32
    %mul3A_0 = arith.muli %arg0, %mul3A : i32
    %add3A = arith.addi %mul3A_0, %arg1 : i32
    "tpu.region"() ({
      %run_scoped3A = tpu.sem_alloc : memref<!tpu.dma_semaphore, #tpu.memory_space<semaphore_mem>>
      %dma_start3A = arith.constant 0 : i32
      %dma_start3A_15 = tpu.memref_slice %arg2[%add3A, %dma_start3A] : memref<32x20480xi32, #tpu.memory_space<hbm>> -> memref<1x20480xi32, #tpu.memory_space<hbm>>
      %dma_start3A_16 = tpu.memref_squeeze %dma_start3A_15 : memref<1x20480xi32, #tpu.memory_space<hbm>> -> memref<20480xi32, #tpu.memory_space<hbm>>
      %dma_start3A_17 = arith.constant 0 : i32
      %dma_start3A_18 = tpu.memref_slice %arg2[%add3A, %dma_start3A_17] : memref<32x20480xi32, #tpu.memory_space<hbm>> -> memref<1x20480xi32, #tpu.memory_space<hbm>>
      %dma_start3A_19 = tpu.memref_squeeze %dma_start3A_18 : memref<1x20480xi32, #tpu.memory_space<hbm>> -> memref<20480xi32, #tpu.memory_space<hbm>>
      tpu.enqueue_dma source(%dma_start3A_19 : memref<20480xi32, #tpu.memory_space<hbm>>) target(%arg4 : memref<20480xi32, #tpu.memory_space<vmem>>) target_semaphore(%run_scoped3A : memref<!tpu.dma_semaphore, #tpu.memory_space<semaphore_mem>>)
      %dma_wait3A = arith.constant 0 : i32
      %dma_wait3A_20 = tpu.memref_slice %arg2[%add3A, %dma_wait3A] : memref<32x20480xi32, #tpu.memory_space<hbm>> -> memref<1x20480xi32, #tpu.memory_space<hbm>>
      %dma_wait3A_21 = tpu.memref_squeeze %dma_wait3A_20 : memref<1x20480xi32, #tpu.memory_space<hbm>> -> memref<20480xi32, #tpu.memory_space<hbm>>
      %dma_wait3A_22 = arith.constant 0 : i32
      %dma_wait3A_23 = tpu.memref_slice %arg2[%add3A, %dma_wait3A_22] : memref<32x20480xi32, #tpu.memory_space<hbm>> -> memref<1x20480xi32, #tpu.memory_space<hbm>>
      %dma_wait3A_24 = tpu.memref_squeeze %dma_wait3A_23 : memref<1x20480xi32, #tpu.memory_space<hbm>> -> memref<20480xi32, #tpu.memory_space<hbm>>
      tpu.wait_dma2 semaphore(%run_scoped3A : memref<!tpu.dma_semaphore, #tpu.memory_space<semaphore_mem>>) src(%dma_wait3A_24 : memref<20480xi32, #tpu.memory_space<hbm>>) dst(%arg4 : memref<20480xi32, #tpu.memory_space<vmem>>)
      tpu.yield
    }) : () -> ()
    %broadcast_in_dim3A = arith.constant 0.000000e+00 : f32
    %broadcast_in_dim3A_1 = vector.broadcast %broadcast_in_dim3A : f32 to vector<16xf32>
    %broadcast_in_dim3A_2 = arith.constant 1.000000e+00 : f32
    %broadcast_in_dim3A_3 = vector.broadcast %broadcast_in_dim3A_2 : f32 to vector<16xf32>
    %scan3A = arith.constant 0 : i32
    %scan3A_4 = arith.constant 0 : i32
    %scan3A_5 = arith.constant 632 : i32
    %scan3A_6 = arith.addi %scan3A_4, %scan3A_5 : i32
    %scan3A_7 = arith.constant 1 : i32
    scf.for %scan3A_15 = %scan3A_4 to %scan3A_6 step %scan3A_7  : i32 {
      %mul3A_16 = arith.constant 16 : i32
      %mul3A_17 = arith.muli %scan3A_15, %mul3A_16 : i32
      %swap3A = arith.index_cast %mul3A_17 : i32 to index
      %swap3A_18 = tpu.vector_load %arg5[%swap3A] {strides = array<i32>} : memref<10112xf32, #tpu.memory_space<vmem>>, vector<16xf32>,
      tpu.vector_store %arg5[%swap3A], %broadcast_in_dim3A_1 {strides = array<i32>} : memref<10112xf32, #tpu.memory_space<vmem>>, vector<16xf32>,
    }
    %scan3A_8 = arith.constant 632 : i32
    %scan3A_9 = arith.constant 0 : i32
    %scan3A_10 = arith.constant 0 : i32
    %scan3A_11 = arith.constant 1280 : i32
    %scan3A_12 = arith.addi %scan3A_10, %scan3A_11 : i32
    %scan3A_13 = arith.constant 1 : i32
    scf.for %scan3A_15 = %scan3A_10 to %scan3A_12 step %scan3A_13  : i32 {
      %mul3A_16 = arith.constant 16 : i32
      %mul3A_17 = arith.muli %scan3A_15, %mul3A_16 : i32
      %get3A = arith.index_cast %mul3A_17 : i32 to index
      %get3A_18 = tpu.vector_load %arg4[%get3A] {strides = array<i32>} : memref<20480xi32, #tpu.memory_space<vmem>>, vector<16xi32>,
      tpu.vector_store_idx %arg5[%get3A_18], %broadcast_in_dim3A_3 {add = true} : memref<10112xf32, #tpu.memory_space<vmem>>[vector<16xi32>], vector<16xf32>,
    }
    %scan3A_14 = arith.constant 1280 : i32
    "tpu.region"() ({
      %run_scoped3A = tpu.sem_alloc : memref<!tpu.dma_semaphore, #tpu.memory_space<semaphore_mem>>
      %dma_start3A = arith.constant 0 : i32
      %dma_start3A_15 = tpu.memref_slice %arg3[%add3A, %dma_start3A] : memref<32x10112xf32, #tpu.memory_space<hbm>> -> memref<1x10112xf32, #tpu.memory_space<hbm>>
      %dma_start3A_16 = tpu.memref_squeeze %dma_start3A_15 : memref<1x10112xf32, #tpu.memory_space<hbm>> -> memref<10112xf32, #tpu.memory_space<hbm>>
      %dma_start3A_17 = arith.constant 0 : i32
      %dma_start3A_18 = tpu.memref_slice %arg3[%add3A, %dma_start3A_17] : memref<32x10112xf32, #tpu.memory_space<hbm>> -> memref<1x10112xf32, #tpu.memory_space<hbm>>
      %dma_start3A_19 = tpu.memref_squeeze %dma_start3A_18 : memref<1x10112xf32, #tpu.memory_space<hbm>> -> memref<10112xf32, #tpu.memory_space<hbm>>
      tpu.enqueue_dma source(%arg5 : memref<10112xf32, #tpu.memory_space<vmem>>) target(%dma_start3A_19 : memref<10112xf32, #tpu.memory_space<hbm>>) target_semaphore(%run_scoped3A : memref<!tpu.dma_semaphore, #tpu.memory_space<semaphore_mem>>)
      %dma_wait3A = arith.constant 0 : i32
      %dma_wait3A_20 = tpu.memref_slice %arg3[%add3A, %dma_wait3A] : memref<32x10112xf32, #tpu.memory_space<hbm>> -> memref<1x10112xf32, #tpu.memory_space<hbm>>
      %dma_wait3A_21 = tpu.memref_squeeze %dma_wait3A_20 : memref<1x10112xf32, #tpu.memory_space<hbm>> -> memref<10112xf32, #tpu.memory_space<hbm>>
      %dma_wait3A_22 = arith.constant 0 : i32
      %dma_wait3A_23 = tpu.memref_slice %arg3[%add3A, %dma_wait3A_22] : memref<32x10112xf32, #tpu.memory_space<hbm>> -> memref<1x10112xf32, #tpu.memory_space<hbm>>
      %dma_wait3A_24 = tpu.memref_squeeze %dma_wait3A_23 : memref<1x10112xf32, #tpu.memory_space<hbm>> -> memref<10112xf32, #tpu.memory_space<hbm>>
      tpu.wait_dma2 semaphore(%run_scoped3A : memref<!tpu.dma_semaphore, #tpu.memory_space<semaphore_mem>>) src(%arg5 : memref<10112xf32, #tpu.memory_space<vmem>>) dst(%dma_wait3A_24 : memref<10112xf32, #tpu.memory_space<hbm>>)
      tpu.yield
    }) : () -> ()
    return
  }
}

#map = affine_map<(d0, d1) -> (0)>
#map1 = affine_map<(d0, d1) -> (0, 0)>
module attributes {stable_mosaic.version = 14 : i64} {
  func.func @_prop1r_body(%arg0: i32, %arg1: i32, %arg2: memref<10112xf32, #tpu.memory_space<hbm>>, %arg3: memref<32x20480xi32, #tpu.memory_space<hbm>>, %arg4: memref<32x20480xi32, #tpu.memory_space<hbm>>, %arg5: memref<32x10112xf32, #tpu.memory_space<hbm>>, %arg6: memref<20480xi32, #tpu.memory_space<vmem>>, %arg7: memref<20480xi32, #tpu.memory_space<vmem>>, %arg8: memref<10112xf32, #tpu.memory_space<vmem>>, %arg9: memref<10112xf32, #tpu.memory_space<vmem>>) attributes {dimension_semantics = [#tpu.dimension_semantics<core_parallel>, #tpu.dimension_semantics<subcore_parallel>], iteration_bounds = array<i64: 2, 16>, scalar_prefetch = 0 : i64, scratch_operands = 4 : i64, tpu.core_type = #tpu.core_type<sc_vector_subcore>, window_params = [{transform_indices = #map}, {transform_indices = #map1}, {transform_indices = #map1}, {transform_indices = #map1}]} {
    %mul3A = arith.constant 16 : i32
    %mul3A_0 = arith.muli %arg0, %mul3A : i32
    %add3A = arith.addi %mul3A_0, %arg1 : i32
    "tpu.region"() ({
      %run_scoped3A = tpu.sem_alloc : memref<!tpu.dma_semaphore, #tpu.memory_space<semaphore_mem>>
      tpu.enqueue_dma source(%arg2 : memref<10112xf32, #tpu.memory_space<hbm>>) target(%arg8 : memref<10112xf32, #tpu.memory_space<vmem>>) target_semaphore(%run_scoped3A : memref<!tpu.dma_semaphore, #tpu.memory_space<semaphore_mem>>)
      tpu.wait_dma2 semaphore(%run_scoped3A : memref<!tpu.dma_semaphore, #tpu.memory_space<semaphore_mem>>) src(%arg2 : memref<10112xf32, #tpu.memory_space<hbm>>) dst(%arg8 : memref<10112xf32, #tpu.memory_space<vmem>>)
      tpu.yield
    }) : () -> ()
    "tpu.region"() ({
      %run_scoped3A = tpu.sem_alloc : memref<!tpu.dma_semaphore, #tpu.memory_space<semaphore_mem>>
      %dma_start3A = arith.constant 0 : i32
      %dma_start3A_13 = tpu.memref_slice %arg3[%add3A, %dma_start3A] : memref<32x20480xi32, #tpu.memory_space<hbm>> -> memref<1x20480xi32, #tpu.memory_space<hbm>>
      %dma_start3A_14 = tpu.memref_squeeze %dma_start3A_13 : memref<1x20480xi32, #tpu.memory_space<hbm>> -> memref<20480xi32, #tpu.memory_space<hbm>>
      %dma_start3A_15 = arith.constant 0 : i32
      %dma_start3A_16 = tpu.memref_slice %arg3[%add3A, %dma_start3A_15] : memref<32x20480xi32, #tpu.memory_space<hbm>> -> memref<1x20480xi32, #tpu.memory_space<hbm>>
      %dma_start3A_17 = tpu.memref_squeeze %dma_start3A_16 : memref<1x20480xi32, #tpu.memory_space<hbm>> -> memref<20480xi32, #tpu.memory_space<hbm>>
      tpu.enqueue_dma source(%dma_start3A_17 : memref<20480xi32, #tpu.memory_space<hbm>>) target(%arg6 : memref<20480xi32, #tpu.memory_space<vmem>>) target_semaphore(%run_scoped3A : memref<!tpu.dma_semaphore, #tpu.memory_space<semaphore_mem>>)
      %dma_wait3A = arith.constant 0 : i32
      %dma_wait3A_18 = tpu.memref_slice %arg3[%add3A, %dma_wait3A] : memref<32x20480xi32, #tpu.memory_space<hbm>> -> memref<1x20480xi32, #tpu.memory_space<hbm>>
      %dma_wait3A_19 = tpu.memref_squeeze %dma_wait3A_18 : memref<1x20480xi32, #tpu.memory_space<hbm>> -> memref<20480xi32, #tpu.memory_space<hbm>>
      %dma_wait3A_20 = arith.constant 0 : i32
      %dma_wait3A_21 = tpu.memref_slice %arg3[%add3A, %dma_wait3A_20] : memref<32x20480xi32, #tpu.memory_space<hbm>> -> memref<1x20480xi32, #tpu.memory_space<hbm>>
      %dma_wait3A_22 = tpu.memref_squeeze %dma_wait3A_21 : memref<1x20480xi32, #tpu.memory_space<hbm>> -> memref<20480xi32, #tpu.memory_space<hbm>>
      tpu.wait_dma2 semaphore(%run_scoped3A : memref<!tpu.dma_semaphore, #tpu.memory_space<semaphore_mem>>) src(%dma_wait3A_22 : memref<20480xi32, #tpu.memory_space<hbm>>) dst(%arg6 : memref<20480xi32, #tpu.memory_space<vmem>>)
      tpu.yield
    }) : () -> ()
    "tpu.region"() ({
      %run_scoped3A = tpu.sem_alloc : memref<!tpu.dma_semaphore, #tpu.memory_space<semaphore_mem>>
      %dma_start3A = arith.constant 0 : i32
      %dma_start3A_13 = tpu.memref_slice %arg4[%add3A, %dma_start3A] : memref<32x20480xi32, #tpu.memory_space<hbm>> -> memref<1x20480xi32, #tpu.memory_space<hbm>>
      %dma_start3A_14 = tpu.memref_squeeze %dma_start3A_13 : memref<1x20480xi32, #tpu.memory_space<hbm>> -> memref<20480xi32, #tpu.memory_space<hbm>>
      %dma_start3A_15 = arith.constant 0 : i32
      %dma_start3A_16 = tpu.memref_slice %arg4[%add3A, %dma_start3A_15] : memref<32x20480xi32, #tpu.memory_space<hbm>> -> memref<1x20480xi32, #tpu.memory_space<hbm>>
      %dma_start3A_17 = tpu.memref_squeeze %dma_start3A_16 : memref<1x20480xi32, #tpu.memory_space<hbm>> -> memref<20480xi32, #tpu.memory_space<hbm>>
      tpu.enqueue_dma source(%dma_start3A_17 : memref<20480xi32, #tpu.memory_space<hbm>>) target(%arg7 : memref<20480xi32, #tpu.memory_space<vmem>>) target_semaphore(%run_scoped3A : memref<!tpu.dma_semaphore, #tpu.memory_space<semaphore_mem>>)
      %dma_wait3A = arith.constant 0 : i32
      %dma_wait3A_18 = tpu.memref_slice %arg4[%add3A, %dma_wait3A] : memref<32x20480xi32, #tpu.memory_space<hbm>> -> memref<1x20480xi32, #tpu.memory_space<hbm>>
      %dma_wait3A_19 = tpu.memref_squeeze %dma_wait3A_18 : memref<1x20480xi32, #tpu.memory_space<hbm>> -> memref<20480xi32, #tpu.memory_space<hbm>>
      %dma_wait3A_20 = arith.constant 0 : i32
      %dma_wait3A_21 = tpu.memref_slice %arg4[%add3A, %dma_wait3A_20] : memref<32x20480xi32, #tpu.memory_space<hbm>> -> memref<1x20480xi32, #tpu.memory_space<hbm>>
      %dma_wait3A_22 = tpu.memref_squeeze %dma_wait3A_21 : memref<1x20480xi32, #tpu.memory_space<hbm>> -> memref<20480xi32, #tpu.memory_space<hbm>>
      tpu.wait_dma2 semaphore(%run_scoped3A : memref<!tpu.dma_semaphore, #tpu.memory_space<semaphore_mem>>) src(%dma_wait3A_22 : memref<20480xi32, #tpu.memory_space<hbm>>) dst(%arg7 : memref<20480xi32, #tpu.memory_space<vmem>>)
      tpu.yield
    }) : () -> ()
    %broadcast_in_dim3A = arith.constant 0.000000e+00 : f32
    %broadcast_in_dim3A_1 = vector.broadcast %broadcast_in_dim3A : f32 to vector<16xf32>
    %scan3A = arith.constant 0 : i32
    %scan3A_2 = arith.constant 0 : i32
    %scan3A_3 = arith.constant 632 : i32
    %scan3A_4 = arith.addi %scan3A_2, %scan3A_3 : i32
    %scan3A_5 = arith.constant 1 : i32
    scf.for %scan3A_13 = %scan3A_2 to %scan3A_4 step %scan3A_5  : i32 {
      %mul3A_14 = arith.constant 16 : i32
      %mul3A_15 = arith.muli %scan3A_13, %mul3A_14 : i32
      %swap3A = arith.index_cast %mul3A_15 : i32 to index
      %swap3A_16 = tpu.vector_load %arg9[%swap3A] {strides = array<i32>} : memref<10112xf32, #tpu.memory_space<vmem>>, vector<16xf32>,
      tpu.vector_store %arg9[%swap3A], %broadcast_in_dim3A_1 {strides = array<i32>} : memref<10112xf32, #tpu.memory_space<vmem>>, vector<16xf32>,
    }
    %scan3A_6 = arith.constant 632 : i32
    %scan3A_7 = arith.constant 0 : i32
    %scan3A_8 = arith.constant 0 : i32
    %scan3A_9 = arith.constant 1280 : i32
    %scan3A_10 = arith.addi %scan3A_8, %scan3A_9 : i32
    %scan3A_11 = arith.constant 1 : i32
    scf.for %scan3A_13 = %scan3A_8 to %scan3A_10 step %scan3A_11  : i32 {
      %mul3A_14 = arith.constant 16 : i32
      %mul3A_15 = arith.muli %scan3A_13, %mul3A_14 : i32
      %get3A = arith.index_cast %mul3A_15 : i32 to index
      %get3A_16 = tpu.vector_load %arg6[%get3A] {strides = array<i32>} : memref<20480xi32, #tpu.memory_space<vmem>>, vector<16xi32>,
      %gather3A = tpu.vector_load_idx %arg8[%get3A_16] : memref<10112xf32, #tpu.memory_space<vmem>>[vector<16xi32>], vector<16xf32>,
      %mul3A_17 = arith.constant 16 : i32
      %mul3A_18 = arith.muli %scan3A_13, %mul3A_17 : i32
      %get3A_19 = arith.index_cast %mul3A_18 : i32 to index
      %get3A_20 = tpu.vector_load %arg7[%get3A_19] {strides = array<i32>} : memref<20480xi32, #tpu.memory_space<vmem>>, vector<16xi32>,
      tpu.vector_store_idx %arg9[%get3A_20], %gather3A {add = true} : memref<10112xf32, #tpu.memory_space<vmem>>[vector<16xi32>], vector<16xf32>,
    }
    %scan3A_12 = arith.constant 1280 : i32
    "tpu.region"() ({
      %run_scoped3A = tpu.sem_alloc : memref<!tpu.dma_semaphore, #tpu.memory_space<semaphore_mem>>
      %dma_start3A = arith.constant 0 : i32
      %dma_start3A_13 = tpu.memref_slice %arg5[%add3A, %dma_start3A] : memref<32x10112xf32, #tpu.memory_space<hbm>> -> memref<1x10112xf32, #tpu.memory_space<hbm>>
      %dma_start3A_14 = tpu.memref_squeeze %dma_start3A_13 : memref<1x10112xf32, #tpu.memory_space<hbm>> -> memref<10112xf32, #tpu.memory_space<hbm>>
      %dma_start3A_15 = arith.constant 0 : i32
      %dma_start3A_16 = tpu.memref_slice %arg5[%add3A, %dma_start3A_15] : memref<32x10112xf32, #tpu.memory_space<hbm>> -> memref<1x10112xf32, #tpu.memory_space<hbm>>
      %dma_start3A_17 = tpu.memref_squeeze %dma_start3A_16 : memref<1x10112xf32, #tpu.memory_space<hbm>> -> memref<10112xf32, #tpu.memory_space<hbm>>
      tpu.enqueue_dma source(%arg9 : memref<10112xf32, #tpu.memory_space<vmem>>) target(%dma_start3A_17 : memref<10112xf32, #tpu.memory_space<hbm>>) target_semaphore(%run_scoped3A : memref<!tpu.dma_semaphore, #tpu.memory_space<semaphore_mem>>)
      %dma_wait3A = arith.constant 0 : i32
      %dma_wait3A_18 = tpu.memref_slice %arg5[%add3A, %dma_wait3A] : memref<32x10112xf32, #tpu.memory_space<hbm>> -> memref<1x10112xf32, #tpu.memory_space<hbm>>
      %dma_wait3A_19 = tpu.memref_squeeze %dma_wait3A_18 : memref<1x10112xf32, #tpu.memory_space<hbm>> -> memref<10112xf32, #tpu.memory_space<hbm>>
      %dma_wait3A_20 = arith.constant 0 : i32
      %dma_wait3A_21 = tpu.memref_slice %arg5[%add3A, %dma_wait3A_20] : memref<32x10112xf32, #tpu.memory_space<hbm>> -> memref<1x10112xf32, #tpu.memory_space<hbm>>
      %dma_wait3A_22 = tpu.memref_squeeze %dma_wait3A_21 : memref<1x10112xf32, #tpu.memory_space<hbm>> -> memref<10112xf32, #tpu.memory_space<hbm>>
      tpu.wait_dma2 semaphore(%run_scoped3A : memref<!tpu.dma_semaphore, #tpu.memory_space<semaphore_mem>>) src(%arg9 : memref<10112xf32, #tpu.memory_space<vmem>>) dst(%dma_wait3A_22 : memref<10112xf32, #tpu.memory_space<hbm>>)
      tpu.yield
    }) : () -> ()
    return
  }
}

#map = affine_map<(d0, d1) -> (0, 0)>
#map1 = affine_map<(d0, d1) -> (0, 0, 0)>
module attributes {stable_mosaic.version = 14 : i64} {
  func.func @body(%arg0: i32, %arg1: i32, %arg2: memref<10112x16xf32, #tpu.memory_space<hbm>>, %arg3: memref<64x160x128xi32, #tpu.memory_space<hbm>>, %arg4: memref<10112x16xf32, #tpu.memory_space<hbm>>, %arg5: memref<2x10112x16xf32, #tpu.memory_space<hbm>>, %arg6: memref<160x128xi32, #tpu.memory_space<vmem>>, %arg7: memref<160x128xi32, #tpu.memory_space<vmem>>, %arg8: memref<8x128x16xf32, #tpu.memory_space<vmem>>, %arg9: memref<632x16xf32, #tpu.memory_space<vmem>>, %arg10: memref<10112x16xf32, #tpu.memory_space<vmem_shared>>, %arg11: memref<10112x16xf32, #tpu.memory_space<vmem_shared>>, %arg12: memref<!tpu.dma_semaphore, #tpu.memory_space<semaphore_mem>>, %arg13: memref<!tpu.dma_semaphore, #tpu.memory_space<semaphore_mem>>) attributes {dimension_semantics = [#tpu.dimension_semantics<core_parallel>, #tpu.dimension_semantics<subcore_parallel>], iteration_bounds = array<i64: 2, 16>, scalar_prefetch = 0 : i64, scratch_operands = 8 : i64, tpu.core_type = #tpu.core_type<sc_vector_subcore>, window_params = [{transform_indices = #map}, {transform_indices = #map1}, {transform_indices = #map}, {transform_indices = #map1}]} {
    %mul3A = arith.constant 16 : i32
    %mul3A_0 = arith.muli %arg0, %mul3A : i32
    %add3A = arith.addi %mul3A_0, %arg1 : i32
    %mul3A_1 = arith.constant 632 : i32
    %mul3A_2 = arith.muli %arg1, %mul3A_1 : i32
    "tpu.region"() ({
      %run_scoped3A = tpu.sem_alloc : memref<!tpu.dma_semaphore, #tpu.memory_space<semaphore_mem>>
      %dma_start3A_105 = arith.constant 0 : i32
      %dma_start3A_106 = tpu.memref_slice %arg4[%mul3A_2, %dma_start3A_105] : memref<10112x16xf32, #tpu.memory_space<hbm>> -> memref<632x16xf32, #tpu.memory_space<hbm>>
      %dma_start3A_107 = arith.constant 0 : i32
      %dma_start3A_108 = tpu.memref_slice %arg4[%mul3A_2, %dma_start3A_107] : memref<10112x16xf32, #tpu.memory_space<hbm>> -> memref<632x16xf32, #tpu.memory_space<hbm>>
      tpu.enqueue_dma source(%dma_start3A_108 : memref<632x16xf32, #tpu.memory_space<hbm>>) target(%arg9 : memref<632x16xf32, #tpu.memory_space<vmem>>) target_semaphore(%run_scoped3A : memref<!tpu.dma_semaphore, #tpu.memory_space<semaphore_mem>>)
      %dma_wait3A_109 = arith.constant 0 : i32
      %dma_wait3A_110 = tpu.memref_slice %arg4[%mul3A_2, %dma_wait3A_109] : memref<10112x16xf32, #tpu.memory_space<hbm>> -> memref<632x16xf32, #tpu.memory_space<hbm>>
      %dma_wait3A_111 = arith.constant 0 : i32
      %dma_wait3A_112 = tpu.memref_slice %arg4[%mul3A_2, %dma_wait3A_111] : memref<10112x16xf32, #tpu.memory_space<hbm>> -> memref<632x16xf32, #tpu.memory_space<hbm>>
      tpu.wait_dma2 semaphore(%run_scoped3A : memref<!tpu.dma_semaphore, #tpu.memory_space<semaphore_mem>>) src(%dma_wait3A_112 : memref<632x16xf32, #tpu.memory_space<hbm>>) dst(%arg9 : memref<632x16xf32, #tpu.memory_space<vmem>>)
      tpu.yield
    }) : () -> ()
    "tpu.region"() ({
      %run_scoped3A = tpu.sem_alloc : memref<!tpu.dma_semaphore, #tpu.memory_space<semaphore_mem>>
      %dma_start3A_105 = arith.constant 0 : i32
      %dma_start3A_106 = tpu.memref_slice %arg11[%mul3A_2, %dma_start3A_105] : memref<10112x16xf32, #tpu.memory_space<vmem_shared>> -> memref<632x16xf32, #tpu.memory_space<vmem_shared>>
      %dma_start3A_107 = arith.constant 0 : i32
      %dma_start3A_108 = tpu.memref_slice %arg11[%mul3A_2, %dma_start3A_107] : memref<10112x16xf32, #tpu.memory_space<vmem_shared>> -> memref<632x16xf32, #tpu.memory_space<vmem_shared>>
      tpu.enqueue_dma source(%arg9 : memref<632x16xf32, #tpu.memory_space<vmem>>) target(%dma_start3A_108 : memref<632x16xf32, #tpu.memory_space<vmem_shared>>) target_semaphore(%run_scoped3A : memref<!tpu.dma_semaphore, #tpu.memory_space<semaphore_mem>>)
      %dma_wait3A_109 = arith.constant 0 : i32
      %dma_wait3A_110 = tpu.memref_slice %arg11[%mul3A_2, %dma_wait3A_109] : memref<10112x16xf32, #tpu.memory_space<vmem_shared>> -> memref<632x16xf32, #tpu.memory_space<vmem_shared>>
      %dma_wait3A_111 = arith.constant 0 : i32
      %dma_wait3A_112 = tpu.memref_slice %arg11[%mul3A_2, %dma_wait3A_111] : memref<10112x16xf32, #tpu.memory_space<vmem_shared>> -> memref<632x16xf32, #tpu.memory_space<vmem_shared>>
      tpu.wait_dma2 semaphore(%run_scoped3A : memref<!tpu.dma_semaphore, #tpu.memory_space<semaphore_mem>>) src(%arg9 : memref<632x16xf32, #tpu.memory_space<vmem>>) dst(%dma_wait3A_112 : memref<632x16xf32, #tpu.memory_space<vmem_shared>>)
      tpu.yield
    }) : () -> ()
    "tpu.region"() ({
      %run_scoped3A = tpu.sem_alloc : memref<!tpu.dma_semaphore, #tpu.memory_space<semaphore_mem>>
      %dma_start3A_105 = arith.constant 0 : i32
      %dma_start3A_106 = tpu.memref_slice %arg2[%mul3A_2, %dma_start3A_105] : memref<10112x16xf32, #tpu.memory_space<hbm>> -> memref<632x16xf32, #tpu.memory_space<hbm>>
      %dma_start3A_107 = arith.constant 0 : i32
      %dma_start3A_108 = tpu.memref_slice %arg2[%mul3A_2, %dma_start3A_107] : memref<10112x16xf32, #tpu.memory_space<hbm>> -> memref<632x16xf32, #tpu.memory_space<hbm>>
      tpu.enqueue_dma source(%dma_start3A_108 : memref<632x16xf32, #tpu.memory_space<hbm>>) target(%arg9 : memref<632x16xf32, #tpu.memory_space<vmem>>) target_semaphore(%run_scoped3A : memref<!tpu.dma_semaphore, #tpu.memory_space<semaphore_mem>>)
      %dma_wait3A_109 = arith.constant 0 : i32
      %dma_wait3A_110 = tpu.memref_slice %arg2[%mul3A_2, %dma_wait3A_109] : memref<10112x16xf32, #tpu.memory_space<hbm>> -> memref<632x16xf32, #tpu.memory_space<hbm>>
      %dma_wait3A_111 = arith.constant 0 : i32
      %dma_wait3A_112 = tpu.memref_slice %arg2[%mul3A_2, %dma_wait3A_111] : memref<10112x16xf32, #tpu.memory_space<hbm>> -> memref<632x16xf32, #tpu.memory_space<hbm>>
      tpu.wait_dma2 semaphore(%run_scoped3A : memref<!tpu.dma_semaphore, #tpu.memory_space<semaphore_mem>>) src(%dma_wait3A_112 : memref<632x16xf32, #tpu.memory_space<hbm>>) dst(%arg9 : memref<632x16xf32, #tpu.memory_space<vmem>>)
      tpu.yield
    }) : () -> ()
    "tpu.region"() ({
      %run_scoped3A = tpu.sem_alloc : memref<!tpu.dma_semaphore, #tpu.memory_space<semaphore_mem>>
      %dma_start3A_105 = arith.constant 0 : i32
      %dma_start3A_106 = tpu.memref_slice %arg10[%mul3A_2, %dma_start3A_105] : memref<10112x16xf32, #tpu.memory_space<vmem_shared>> -> memref<632x16xf32, #tpu.memory_space<vmem_shared>>
      %dma_start3A_107 = arith.constant 0 : i32
      %dma_start3A_108 = tpu.memref_slice %arg10[%mul3A_2, %dma_start3A_107] : memref<10112x16xf32, #tpu.memory_space<vmem_shared>> -> memref<632x16xf32, #tpu.memory_space<vmem_shared>>
      tpu.enqueue_dma source(%arg9 : memref<632x16xf32, #tpu.memory_space<vmem>>) target(%dma_start3A_108 : memref<632x16xf32, #tpu.memory_space<vmem_shared>>) target_semaphore(%run_scoped3A : memref<!tpu.dma_semaphore, #tpu.memory_space<semaphore_mem>>)
      %dma_wait3A_109 = arith.constant 0 : i32
      %dma_wait3A_110 = tpu.memref_slice %arg10[%mul3A_2, %dma_wait3A_109] : memref<10112x16xf32, #tpu.memory_space<vmem_shared>> -> memref<632x16xf32, #tpu.memory_space<vmem_shared>>
      %dma_wait3A_111 = arith.constant 0 : i32
      %dma_wait3A_112 = tpu.memref_slice %arg10[%mul3A_2, %dma_wait3A_111] : memref<10112x16xf32, #tpu.memory_space<vmem_shared>> -> memref<632x16xf32, #tpu.memory_space<vmem_shared>>
      tpu.wait_dma2 semaphore(%run_scoped3A : memref<!tpu.dma_semaphore, #tpu.memory_space<semaphore_mem>>) src(%arg9 : memref<632x16xf32, #tpu.memory_space<vmem>>) dst(%dma_wait3A_112 : memref<632x16xf32, #tpu.memory_space<vmem_shared>>)
      tpu.yield
    }) : () -> ()
    "tpu.region"() ({
      %run_scoped3A = tpu.sem_alloc : memref<!tpu.dma_semaphore, #tpu.memory_space<semaphore_mem>>
      %dma_start3A_105 = arith.constant 0 : i32
      %dma_start3A_106 = arith.constant 0 : i32
      %dma_start3A_107 = tpu.memref_slice %arg3[%add3A, %dma_start3A_105, %dma_start3A_106] : memref<64x160x128xi32, #tpu.memory_space<hbm>> -> memref<1x160x128xi32, #tpu.memory_space<hbm>>
      %dma_start3A_108 = tpu.memref_squeeze %dma_start3A_107 : memref<1x160x128xi32, #tpu.memory_space<hbm>> -> memref<160x128xi32, #tpu.memory_space<hbm>>
      %dma_start3A_109 = arith.constant 0 : i32
      %dma_start3A_110 = arith.constant 0 : i32
      %dma_start3A_111 = tpu.memref_slice %arg3[%add3A, %dma_start3A_109, %dma_start3A_110] : memref<64x160x128xi32, #tpu.memory_space<hbm>> -> memref<1x160x128xi32, #tpu.memory_space<hbm>>
      %dma_start3A_112 = tpu.memref_squeeze %dma_start3A_111 : memref<1x160x128xi32, #tpu.memory_space<hbm>> -> memref<160x128xi32, #tpu.memory_space<hbm>>
      tpu.enqueue_dma source(%dma_start3A_112 : memref<160x128xi32, #tpu.memory_space<hbm>>) target(%arg6 : memref<160x128xi32, #tpu.memory_space<vmem>>) target_semaphore(%run_scoped3A : memref<!tpu.dma_semaphore, #tpu.memory_space<semaphore_mem>>)
      %dma_wait3A_113 = arith.constant 0 : i32
      %dma_wait3A_114 = arith.constant 0 : i32
      %dma_wait3A_115 = tpu.memref_slice %arg3[%add3A, %dma_wait3A_113, %dma_wait3A_114] : memref<64x160x128xi32, #tpu.memory_space<hbm>> -> memref<1x160x128xi32, #tpu.memory_space<hbm>>
      %dma_wait3A_116 = tpu.memref_squeeze %dma_wait3A_115 : memref<1x160x128xi32, #tpu.memory_space<hbm>> -> memref<160x128xi32, #tpu.memory_space<hbm>>
      %dma_wait3A_117 = arith.constant 0 : i32
      %dma_wait3A_118 = arith.constant 0 : i32
      %dma_wait3A_119 = tpu.memref_slice %arg3[%add3A, %dma_wait3A_117, %dma_wait3A_118] : memref<64x160x128xi32, #tpu.memory_space<hbm>> -> memref<1x160x128xi32, #tpu.memory_space<hbm>>
      %dma_wait3A_120 = tpu.memref_squeeze %dma_wait3A_119 : memref<1x160x128xi32, #tpu.memory_space<hbm>> -> memref<160x128xi32, #tpu.memory_space<hbm>>
      tpu.wait_dma2 semaphore(%run_scoped3A : memref<!tpu.dma_semaphore, #tpu.memory_space<semaphore_mem>>) src(%dma_wait3A_120 : memref<160x128xi32, #tpu.memory_space<hbm>>) dst(%arg6 : memref<160x128xi32, #tpu.memory_space<vmem>>)
      tpu.yield
    }) : () -> ()
    %add3A_3 = arith.constant 32 : i32
    %add3A_4 = arith.addi %add3A_3, %add3A : i32
    "tpu.region"() ({
      %run_scoped3A = tpu.sem_alloc : memref<!tpu.dma_semaphore, #tpu.memory_space<semaphore_mem>>
      %dma_start3A_105 = arith.constant 0 : i32
      %dma_start3A_106 = arith.constant 0 : i32
      %dma_start3A_107 = tpu.memref_slice %arg3[%add3A_4, %dma_start3A_105, %dma_start3A_106] : memref<64x160x128xi32, #tpu.memory_space<hbm>> -> memref<1x160x128xi32, #tpu.memory_space<hbm>>
      %dma_start3A_108 = tpu.memref_squeeze %dma_start3A_107 : memref<1x160x128xi32, #tpu.memory_space<hbm>> -> memref<160x128xi32, #tpu.memory_space<hbm>>
      %dma_start3A_109 = arith.constant 0 : i32
      %dma_start3A_110 = arith.constant 0 : i32
      %dma_start3A_111 = tpu.memref_slice %arg3[%add3A_4, %dma_start3A_109, %dma_start3A_110] : memref<64x160x128xi32, #tpu.memory_space<hbm>> -> memref<1x160x128xi32, #tpu.memory_space<hbm>>
      %dma_start3A_112 = tpu.memref_squeeze %dma_start3A_111 : memref<1x160x128xi32, #tpu.memory_space<hbm>> -> memref<160x128xi32, #tpu.memory_space<hbm>>
      tpu.enqueue_dma source(%dma_start3A_112 : memref<160x128xi32, #tpu.memory_space<hbm>>) target(%arg7 : memref<160x128xi32, #tpu.memory_space<vmem>>) target_semaphore(%run_scoped3A : memref<!tpu.dma_semaphore, #tpu.memory_space<semaphore_mem>>)
      %dma_wait3A_113 = arith.constant 0 : i32
      %dma_wait3A_114 = arith.constant 0 : i32
      %dma_wait3A_115 = tpu.memref_slice %arg3[%add3A_4, %dma_wait3A_113, %dma_wait3A_114] : memref<64x160x128xi32, #tpu.memory_space<hbm>> -> memref<1x160x128xi32, #tpu.memory_space<hbm>>
      %dma_wait3A_116 = tpu.memref_squeeze %dma_wait3A_115 : memref<1x160x128xi32, #tpu.memory_space<hbm>> -> memref<160x128xi32, #tpu.memory_space<hbm>>
      %dma_wait3A_117 = arith.constant 0 : i32
      %dma_wait3A_118 = arith.constant 0 : i32
      %dma_wait3A_119 = tpu.memref_slice %arg3[%add3A_4, %dma_wait3A_117, %dma_wait3A_118] : memref<64x160x128xi32, #tpu.memory_space<hbm>> -> memref<1x160x128xi32, #tpu.memory_space<hbm>>
      %dma_wait3A_120 = tpu.memref_squeeze %dma_wait3A_119 : memref<1x160x128xi32, #tpu.memory_space<hbm>> -> memref<160x128xi32, #tpu.memory_space<hbm>>
      tpu.wait_dma2 semaphore(%run_scoped3A : memref<!tpu.dma_semaphore, #tpu.memory_space<semaphore_mem>>) src(%dma_wait3A_120 : memref<160x128xi32, #tpu.memory_space<hbm>>) dst(%arg7 : memref<160x128xi32, #tpu.memory_space<vmem>>)
      tpu.yield
    }) : () -> ()
    %barrier3A = arith.constant 0 : index
    tpu.barrier barrier_id(%barrier3A)
    %dma_start3A = arith.constant 0 : i32
    %dma_start3A_5 = arith.constant 0 : i32
    %dma_start3A_6 = arith.constant 0 : i32
    %dma_start3A_7 = arith.constant 0 : i32
    %dma_start3A_8 = tpu.memref_slice %arg8[%dma_start3A_5, %dma_start3A_6, %dma_start3A_7] : memref<8x128x16xf32, #tpu.memory_space<vmem>> -> memref<1x128x16xf32, #tpu.memory_space<vmem>>
    %dma_start3A_9 = tpu.memref_squeeze %dma_start3A_8 : memref<1x128x16xf32, #tpu.memory_space<vmem>> -> memref<128x16xf32, #tpu.memory_space<vmem>>
    %dma_start3A_10 = arith.constant 0 : i32
    %dma_start3A_11 = tpu.memref_slice %arg6[%dma_start3A, %dma_start3A_10] : memref<160x128xi32, #tpu.memory_space<vmem>> -> memref<1x128xi32, #tpu.memory_space<vmem>>
    %dma_start3A_12 = tpu.memref_squeeze %dma_start3A_11 : memref<1x128xi32, #tpu.memory_space<vmem>> -> memref<128xi32, #tpu.memory_space<vmem>>
    %dma_start3A_13 = arith.constant 0 : i32
    %dma_start3A_14 = arith.constant 0 : i32
    %dma_start3A_15 = tpu.memref_slice %arg10[%dma_start3A_13, %dma_start3A_14] : memref<10112x16xf32, #tpu.memory_space<vmem_shared>> -> memref<10112x16xf32, #tpu.memory_space<vmem_shared>>
    tpu.enqueue_indirect_dma source(%dma_start3A_15 : memref<10112x16xf32, #tpu.memory_space<vmem_shared>>) target(%dma_start3A_9 : memref<128x16xf32, #tpu.memory_space<vmem>>) offsets(%dma_start3A_12 : memref<128xi32, #tpu.memory_space<vmem>>) semaphore(%arg12 : memref<!tpu.dma_semaphore, #tpu.memory_space<semaphore_mem>>)
    %dma_start3A_16 = arith.constant 1 : i32
    %dma_start3A_17 = arith.constant 1 : i32
    %dma_start3A_18 = arith.constant 0 : i32
    %dma_start3A_19 = arith.constant 0 : i32
    %dma_start3A_20 = tpu.memref_slice %arg8[%dma_start3A_17, %dma_start3A_18, %dma_start3A_19] : memref<8x128x16xf32, #tpu.memory_space<vmem>> -> memref<1x128x16xf32, #tpu.memory_space<vmem>>
    %dma_start3A_21 = tpu.memref_squeeze %dma_start3A_20 : memref<1x128x16xf32, #tpu.memory_space<vmem>> -> memref<128x16xf32, #tpu.memory_space<vmem>>
    %dma_start3A_22 = arith.constant 0 : i32
    %dma_start3A_23 = tpu.memref_slice %arg6[%dma_start3A_16, %dma_start3A_22] : memref<160x128xi32, #tpu.memory_space<vmem>> -> memref<1x128xi32, #tpu.memory_space<vmem>>
    %dma_start3A_24 = tpu.memref_squeeze %dma_start3A_23 : memref<1x128xi32, #tpu.memory_space<vmem>> -> memref<128xi32, #tpu.memory_space<vmem>>
    %dma_start3A_25 = arith.constant 0 : i32
    %dma_start3A_26 = arith.constant 0 : i32
    %dma_start3A_27 = tpu.memref_slice %arg10[%dma_start3A_25, %dma_start3A_26] : memref<10112x16xf32, #tpu.memory_space<vmem_shared>> -> memref<10112x16xf32, #tpu.memory_space<vmem_shared>>
    tpu.enqueue_indirect_dma source(%dma_start3A_27 : memref<10112x16xf32, #tpu.memory_space<vmem_shared>>) target(%dma_start3A_21 : memref<128x16xf32, #tpu.memory_space<vmem>>) offsets(%dma_start3A_24 : memref<128xi32, #tpu.memory_space<vmem>>) semaphore(%arg12 : memref<!tpu.dma_semaphore, #tpu.memory_space<semaphore_mem>>)
    %dma_start3A_28 = arith.constant 2 : i32
    %dma_start3A_29 = arith.constant 2 : i32
    %dma_start3A_30 = arith.constant 0 : i32
    %dma_start3A_31 = arith.constant 0 : i32
    %dma_start3A_32 = tpu.memref_slice %arg8[%dma_start3A_29, %dma_start3A_30, %dma_start3A_31] : memref<8x128x16xf32, #tpu.memory_space<vmem>> -> memref<1x128x16xf32, #tpu.memory_space<vmem>>
    %dma_start3A_33 = tpu.memref_squeeze %dma_start3A_32 : memref<1x128x16xf32, #tpu.memory_space<vmem>> -> memref<128x16xf32, #tpu.memory_space<vmem>>
    %dma_start3A_34 = arith.constant 0 : i32
    %dma_start3A_35 = tpu.memref_slice %arg6[%dma_start3A_28, %dma_start3A_34] : memref<160x128xi32, #tpu.memory_space<vmem>> -> memref<1x128xi32, #tpu.memory_space<vmem>>
    %dma_start3A_36 = tpu.memref_squeeze %dma_start3A_35 : memref<1x128xi32, #tpu.memory_space<vmem>> -> memref<128xi32, #tpu.memory_space<vmem>>
    %dma_start3A_37 = arith.constant 0 : i32
    %dma_start3A_38 = arith.constant 0 : i32
    %dma_start3A_39 = tpu.memref_slice %arg10[%dma_start3A_37, %dma_start3A_38] : memref<10112x16xf32, #tpu.memory_space<vmem_shared>> -> memref<10112x16xf32, #tpu.memory_space<vmem_shared>>
    tpu.enqueue_indirect_dma source(%dma_start3A_39 : memref<10112x16xf32, #tpu.memory_space<vmem_shared>>) target(%dma_start3A_33 : memref<128x16xf32, #tpu.memory_space<vmem>>) offsets(%dma_start3A_36 : memref<128xi32, #tpu.memory_space<vmem>>) semaphore(%arg12 : memref<!tpu.dma_semaphore, #tpu.memory_space<semaphore_mem>>)
    %dma_start3A_40 = arith.constant 3 : i32
    %dma_start3A_41 = arith.constant 3 : i32
    %dma_start3A_42 = arith.constant 0 : i32
    %dma_start3A_43 = arith.constant 0 : i32
    %dma_start3A_44 = tpu.memref_slice %arg8[%dma_start3A_41, %dma_start3A_42, %dma_start3A_43] : memref<8x128x16xf32, #tpu.memory_space<vmem>> -> memref<1x128x16xf32, #tpu.memory_space<vmem>>
    %dma_start3A_45 = tpu.memref_squeeze %dma_start3A_44 : memref<1x128x16xf32, #tpu.memory_space<vmem>> -> memref<128x16xf32, #tpu.memory_space<vmem>>
    %dma_start3A_46 = arith.constant 0 : i32
    %dma_start3A_47 = tpu.memref_slice %arg6[%dma_start3A_40, %dma_start3A_46] : memref<160x128xi32, #tpu.memory_space<vmem>> -> memref<1x128xi32, #tpu.memory_space<vmem>>
    %dma_start3A_48 = tpu.memref_squeeze %dma_start3A_47 : memref<1x128xi32, #tpu.memory_space<vmem>> -> memref<128xi32, #tpu.memory_space<vmem>>
    %dma_start3A_49 = arith.constant 0 : i32
    %dma_start3A_50 = arith.constant 0 : i32
    %dma_start3A_51 = tpu.memref_slice %arg10[%dma_start3A_49, %dma_start3A_50] : memref<10112x16xf32, #tpu.memory_space<vmem_shared>> -> memref<10112x16xf32, #tpu.memory_space<vmem_shared>>
    tpu.enqueue_indirect_dma source(%dma_start3A_51 : memref<10112x16xf32, #tpu.memory_space<vmem_shared>>) target(%dma_start3A_45 : memref<128x16xf32, #tpu.memory_space<vmem>>) offsets(%dma_start3A_48 : memref<128xi32, #tpu.memory_space<vmem>>) semaphore(%arg12 : memref<!tpu.dma_semaphore, #tpu.memory_space<semaphore_mem>>)
    %scan3A = arith.constant 0 : i32
    %scan3A_52 = arith.constant 0 : i32
    %scan3A_53 = arith.constant 20 : i32
    %scan3A_54 = arith.addi %scan3A_52, %scan3A_53 : i32
    %scan3A_55 = arith.constant 1 : i32
    scf.for %scan3A_105 = %scan3A_52 to %scan3A_54 step %scan3A_55  : i32 {
      %mul3A_106 = arith.constant 2 : i32
      %mul3A_107 = arith.muli %mul3A_106, %scan3A_105 : i32
      %mul3A_108 = arith.constant 2 : i32
      %mul3A_109 = arith.muli %mul3A_108, %scan3A_105 : i32
      %add3A_110 = arith.constant 1 : i32
      %add3A_111 = arith.addi %mul3A_109, %add3A_110 : i32
      %ge3A = arith.constant 1 : i32
      %ge3A_112 = arith.cmpi sge, %scan3A_105, %ge3A : i32
      %convert_element_type3A = arith.extui %ge3A_112 : i1 to i32
      %cond3A = arith.constant 0 : i32
      %cond3A_113 = arith.cmpi ne, %convert_element_type3A, %cond3A : i32
      scf.if %cond3A_113 {
        %dma_wait3A_444 = arith.constant 0 : i32
        %dma_wait3A_445 = arith.constant 0 : i32
        %dma_wait3A_446 = arith.constant 0 : i32
        %dma_wait3A_447 = arith.constant 0 : i32
        %dma_wait3A_448 = tpu.memref_slice %arg8[%dma_wait3A_445, %dma_wait3A_446, %dma_wait3A_447] : memref<8x128x16xf32, #tpu.memory_space<vmem>> -> memref<1x128x16xf32, #tpu.memory_space<vmem>>
        %dma_wait3A_449 = tpu.memref_squeeze %dma_wait3A_448 : memref<1x128x16xf32, #tpu.memory_space<vmem>> -> memref<128x16xf32, #tpu.memory_space<vmem>>
        %dma_wait3A_450 = arith.constant 0 : i32
        %dma_wait3A_451 = tpu.memref_slice %arg6[%dma_wait3A_444, %dma_wait3A_450] : memref<160x128xi32, #tpu.memory_space<vmem>> -> memref<1x128xi32, #tpu.memory_space<vmem>>
        %dma_wait3A_452 = tpu.memref_squeeze %dma_wait3A_451 : memref<1x128xi32, #tpu.memory_space<vmem>> -> memref<128xi32, #tpu.memory_space<vmem>>
        %dma_wait3A_453 = arith.constant 0 : i32
        %dma_wait3A_454 = arith.constant 0 : i32
        %dma_wait3A_455 = tpu.memref_slice %arg10[%dma_wait3A_453, %dma_wait3A_454] : memref<10112x16xf32, #tpu.memory_space<vmem_shared>> -> memref<10112x16xf32, #tpu.memory_space<vmem_shared>>
        tpu.wait_indirect_dma semaphore(%arg13 : memref<!tpu.dma_semaphore, #tpu.memory_space<semaphore_mem>>) src(%dma_wait3A_455 : memref<10112x16xf32, #tpu.memory_space<vmem_shared>>) dst(%dma_wait3A_449 : memref<128x16xf32, #tpu.memory_space<vmem>>)
        %dma_wait3A_456 = arith.constant 0 : i32
        %dma_wait3A_457 = arith.constant 0 : i32
        %dma_wait3A_458 = arith.constant 0 : i32
        %dma_wait3A_459 = arith.constant 0 : i32
        %dma_wait3A_460 = tpu.memref_slice %arg8[%dma_wait3A_457, %dma_wait3A_458, %dma_wait3A_459] : memref<8x128x16xf32, #tpu.memory_space<vmem>> -> memref<1x128x16xf32, #tpu.memory_space<vmem>>
        %dma_wait3A_461 = tpu.memref_squeeze %dma_wait3A_460 : memref<1x128x16xf32, #tpu.memory_space<vmem>> -> memref<128x16xf32, #tpu.memory_space<vmem>>
        %dma_wait3A_462 = arith.constant 0 : i32
        %dma_wait3A_463 = tpu.memref_slice %arg6[%dma_wait3A_456, %dma_wait3A_462] : memref<160x128xi32, #tpu.memory_space<vmem>> -> memref<1x128xi32, #tpu.memory_space<vmem>>
        %dma_wait3A_464 = tpu.memref_squeeze %dma_wait3A_463 : memref<1x128xi32, #tpu.memory_space<vmem>> -> memref<128xi32, #tpu.memory_space<vmem>>
        %dma_wait3A_465 = arith.constant 0 : i32
        %dma_wait3A_466 = arith.constant 0 : i32
        %dma_wait3A_467 = tpu.memref_slice %arg10[%dma_wait3A_465, %dma_wait3A_466] : memref<10112x16xf32, #tpu.memory_space<vmem_shared>> -> memref<10112x16xf32, #tpu.memory_space<vmem_shared>>
        tpu.wait_indirect_dma semaphore(%arg13 : memref<!tpu.dma_semaphore, #tpu.memory_space<semaphore_mem>>) src(%dma_wait3A_467 : memref<10112x16xf32, #tpu.memory_space<vmem_shared>>) dst(%dma_wait3A_461 : memref<128x16xf32, #tpu.memory_space<vmem>>)
        %dma_wait3A_468 = arith.constant 0 : i32
        %dma_wait3A_469 = arith.constant 0 : i32
        %dma_wait3A_470 = arith.constant 0 : i32
        %dma_wait3A_471 = arith.constant 0 : i32
        %dma_wait3A_472 = tpu.memref_slice %arg8[%dma_wait3A_469, %dma_wait3A_470, %dma_wait3A_471] : memref<8x128x16xf32, #tpu.memory_space<vmem>> -> memref<1x128x16xf32, #tpu.memory_space<vmem>>
        %dma_wait3A_473 = tpu.memref_squeeze %dma_wait3A_472 : memref<1x128x16xf32, #tpu.memory_space<vmem>> -> memref<128x16xf32, #tpu.memory_space<vmem>>
        %dma_wait3A_474 = arith.constant 0 : i32
        %dma_wait3A_475 = tpu.memref_slice %arg6[%dma_wait3A_468, %dma_wait3A_474] : memref<160x128xi32, #tpu.memory_space<vmem>> -> memref<1x128xi32, #tpu.memory_space<vmem>>
        %dma_wait3A_476 = tpu.memref_squeeze %dma_wait3A_475 : memref<1x128xi32, #tpu.memory_space<vmem>> -> memref<128xi32, #tpu.memory_space<vmem>>
        %dma_wait3A_477 = arith.constant 0 : i32
        %dma_wait3A_478 = arith.constant 0 : i32
        %dma_wait3A_479 = tpu.memref_slice %arg10[%dma_wait3A_477, %dma_wait3A_478] : memref<10112x16xf32, #tpu.memory_space<vmem_shared>> -> memref<10112x16xf32, #tpu.memory_space<vmem_shared>>
        tpu.wait_indirect_dma semaphore(%arg13 : memref<!tpu.dma_semaphore, #tpu.memory_space<semaphore_mem>>) src(%dma_wait3A_479 : memref<10112x16xf32, #tpu.memory_space<vmem_shared>>) dst(%dma_wait3A_473 : memref<128x16xf32, #tpu.memory_space<vmem>>)
        %dma_wait3A_480 = arith.constant 0 : i32
        %dma_wait3A_481 = arith.constant 0 : i32
        %dma_wait3A_482 = arith.constant 0 : i32
        %dma_wait3A_483 = arith.constant 0 : i32
        %dma_wait3A_484 = tpu.memref_slice %arg8[%dma_wait3A_481, %dma_wait3A_482, %dma_wait3A_483] : memref<8x128x16xf32, #tpu.memory_space<vmem>> -> memref<1x128x16xf32, #tpu.memory_space<vmem>>
        %dma_wait3A_485 = tpu.memref_squeeze %dma_wait3A_484 : memref<1x128x16xf32, #tpu.memory_space<vmem>> -> memref<128x16xf32, #tpu.memory_space<vmem>>
        %dma_wait3A_486 = arith.constant 0 : i32
        %dma_wait3A_487 = tpu.memref_slice %arg6[%dma_wait3A_480, %dma_wait3A_486] : memref<160x128xi32, #tpu.memory_space<vmem>> -> memref<1x128xi32, #tpu.memory_space<vmem>>
        %dma_wait3A_488 = tpu.memref_squeeze %dma_wait3A_487 : memref<1x128xi32, #tpu.memory_space<vmem>> -> memref<128xi32, #tpu.memory_space<vmem>>
        %dma_wait3A_489 = arith.constant 0 : i32
        %dma_wait3A_490 = arith.constant 0 : i32
        %dma_wait3A_491 = tpu.memref_slice %arg10[%dma_wait3A_489, %dma_wait3A_490] : memref<10112x16xf32, #tpu.memory_space<vmem_shared>> -> memref<10112x16xf32, #tpu.memory_space<vmem_shared>>
        tpu.wait_indirect_dma semaphore(%arg13 : memref<!tpu.dma_semaphore, #tpu.memory_space<semaphore_mem>>) src(%dma_wait3A_491 : memref<10112x16xf32, #tpu.memory_space<vmem_shared>>) dst(%dma_wait3A_485 : memref<128x16xf32, #tpu.memory_space<vmem>>)
      } else {
      }
      %mul3A_114 = arith.constant 4 : i32
      %mul3A_115 = arith.muli %add3A_111, %mul3A_114 : i32
      %add3A_116 = arith.constant 0 : i32
      %add3A_117 = arith.addi %mul3A_115, %add3A_116 : i32
      %dma_start3A_118 = arith.constant 4 : i32
      %dma_start3A_119 = arith.constant 0 : i32
      %dma_start3A_120 = arith.constant 0 : i32
      %dma_start3A_121 = tpu.memref_slice %arg8[%dma_start3A_118, %dma_start3A_119, %dma_start3A_120] : memref<8x128x16xf32, #tpu.memory_space<vmem>> -> memref<1x128x16xf32, #tpu.memory_space<vmem>>
      %dma_start3A_122 = tpu.memref_squeeze %dma_start3A_121 : memref<1x128x16xf32, #tpu.memory_space<vmem>> -> memref<128x16xf32, #tpu.memory_space<vmem>>
      %dma_start3A_123 = arith.constant 0 : i32
      %dma_start3A_124 = tpu.memref_slice %arg6[%add3A_117, %dma_start3A_123] : memref<160x128xi32, #tpu.memory_space<vmem>> -> memref<1x128xi32, #tpu.memory_space<vmem>>
      %dma_start3A_125 = tpu.memref_squeeze %dma_start3A_124 : memref<1x128xi32, #tpu.memory_space<vmem>> -> memref<128xi32, #tpu.memory_space<vmem>>
      %dma_start3A_126 = arith.constant 0 : i32
      %dma_start3A_127 = arith.constant 0 : i32
      %dma_start3A_128 = tpu.memref_slice %arg10[%dma_start3A_126, %dma_start3A_127] : memref<10112x16xf32, #tpu.memory_space<vmem_shared>> -> memref<10112x16xf32, #tpu.memory_space<vmem_shared>>
      tpu.enqueue_indirect_dma source(%dma_start3A_128 : memref<10112x16xf32, #tpu.memory_space<vmem_shared>>) target(%dma_start3A_122 : memref<128x16xf32, #tpu.memory_space<vmem>>) offsets(%dma_start3A_125 : memref<128xi32, #tpu.memory_space<vmem>>) semaphore(%arg12 : memref<!tpu.dma_semaphore, #tpu.memory_space<semaphore_mem>>)
      %mul3A_129 = arith.constant 4 : i32
      %mul3A_130 = arith.muli %add3A_111, %mul3A_129 : i32
      %add3A_131 = arith.constant 1 : i32
      %add3A_132 = arith.addi %mul3A_130, %add3A_131 : i32
      %dma_start3A_133 = arith.constant 5 : i32
      %dma_start3A_134 = arith.constant 0 : i32
      %dma_start3A_135 = arith.constant 0 : i32
      %dma_start3A_136 = tpu.memref_slice %arg8[%dma_start3A_133, %dma_start3A_134, %dma_start3A_135] : memref<8x128x16xf32, #tpu.memory_space<vmem>> -> memref<1x128x16xf32, #tpu.memory_space<vmem>>
      %dma_start3A_137 = tpu.memref_squeeze %dma_start3A_136 : memref<1x128x16xf32, #tpu.memory_space<vmem>> -> memref<128x16xf32, #tpu.memory_space<vmem>>
      %dma_start3A_138 = arith.constant 0 : i32
      %dma_start3A_139 = tpu.memref_slice %arg6[%add3A_132, %dma_start3A_138] : memref<160x128xi32, #tpu.memory_space<vmem>> -> memref<1x128xi32, #tpu.memory_space<vmem>>
      %dma_start3A_140 = tpu.memref_squeeze %dma_start3A_139 : memref<1x128xi32, #tpu.memory_space<vmem>> -> memref<128xi32, #tpu.memory_space<vmem>>
      %dma_start3A_141 = arith.constant 0 : i32
      %dma_start3A_142 = arith.constant 0 : i32
      %dma_start3A_143 = tpu.memref_slice %arg10[%dma_start3A_141, %dma_start3A_142] : memref<10112x16xf32, #tpu.memory_space<vmem_shared>> -> memref<10112x16xf32, #tpu.memory_space<vmem_shared>>
      tpu.enqueue_indirect_dma source(%dma_start3A_143 : memref<10112x16xf32, #tpu.memory_space<vmem_shared>>) target(%dma_start3A_137 : memref<128x16xf32, #tpu.memory_space<vmem>>) offsets(%dma_start3A_140 : memref<128xi32, #tpu.memory_space<vmem>>) semaphore(%arg12 : memref<!tpu.dma_semaphore, #tpu.memory_space<semaphore_mem>>)
      %mul3A_144 = arith.constant 4 : i32
      %mul3A_145 = arith.muli %add3A_111, %mul3A_144 : i32
      %add3A_146 = arith.constant 2 : i32
      %add3A_147 = arith.addi %mul3A_145, %add3A_146 : i32
      %dma_start3A_148 = arith.constant 6 : i32
      %dma_start3A_149 = arith.constant 0 : i32
      %dma_start3A_150 = arith.constant 0 : i32
      %dma_start3A_151 = tpu.memref_slice %arg8[%dma_start3A_148, %dma_start3A_149, %dma_start3A_150] : memref<8x128x16xf32, #tpu.memory_space<vmem>> -> memref<1x128x16xf32, #tpu.memory_space<vmem>>
      %dma_start3A_152 = tpu.memref_squeeze %dma_start3A_151 : memref<1x128x16xf32, #tpu.memory_space<vmem>> -> memref<128x16xf32, #tpu.memory_space<vmem>>
      %dma_start3A_153 = arith.constant 0 : i32
      %dma_start3A_154 = tpu.memref_slice %arg6[%add3A_147, %dma_start3A_153] : memref<160x128xi32, #tpu.memory_space<vmem>> -> memref<1x128xi32, #tpu.memory_space<vmem>>
      %dma_start3A_155 = tpu.memref_squeeze %dma_start3A_154 : memref<1x128xi32, #tpu.memory_space<vmem>> -> memref<128xi32, #tpu.memory_space<vmem>>
      %dma_start3A_156 = arith.constant 0 : i32
      %dma_start3A_157 = arith.constant 0 : i32
      %dma_start3A_158 = tpu.memref_slice %arg10[%dma_start3A_156, %dma_start3A_157] : memref<10112x16xf32, #tpu.memory_space<vmem_shared>> -> memref<10112x16xf32, #tpu.memory_space<vmem_shared>>
      tpu.enqueue_indirect_dma source(%dma_start3A_158 : memref<10112x16xf32, #tpu.memory_space<vmem_shared>>) target(%dma_start3A_152 : memref<128x16xf32, #tpu.memory_space<vmem>>) offsets(%dma_start3A_155 : memref<128xi32, #tpu.memory_space<vmem>>) semaphore(%arg12 : memref<!tpu.dma_semaphore, #tpu.memory_space<semaphore_mem>>)
      %mul3A_159 = arith.constant 4 : i32
      %mul3A_160 = arith.muli %add3A_111, %mul3A_159 : i32
      %add3A_161 = arith.constant 3 : i32
      %add3A_162 = arith.addi %mul3A_160, %add3A_161 : i32
      %dma_start3A_163 = arith.constant 7 : i32
      %dma_start3A_164 = arith.constant 0 : i32
      %dma_start3A_165 = arith.constant 0 : i32
      %dma_start3A_166 = tpu.memref_slice %arg8[%dma_start3A_163, %dma_start3A_164, %dma_start3A_165] : memref<8x128x16xf32, #tpu.memory_space<vmem>> -> memref<1x128x16xf32, #tpu.memory_space<vmem>>
      %dma_start3A_167 = tpu.memref_squeeze %dma_start3A_166 : memref<1x128x16xf32, #tpu.memory_space<vmem>> -> memref<128x16xf32, #tpu.memory_space<vmem>>
      %dma_start3A_168 = arith.constant 0 : i32
      %dma_start3A_169 = tpu.memref_slice %arg6[%add3A_162, %dma_start3A_168] : memref<160x128xi32, #tpu.memory_space<vmem>> -> memref<1x128xi32, #tpu.memory_space<vmem>>
      %dma_start3A_170 = tpu.memref_squeeze %dma_start3A_169 : memref<1x128xi32, #tpu.memory_space<vmem>> -> memref<128xi32, #tpu.memory_space<vmem>>
      %dma_start3A_171 = arith.constant 0 : i32
      %dma_start3A_172 = arith.constant 0 : i32
      %dma_start3A_173 = tpu.memref_slice %arg10[%dma_start3A_171, %dma_start3A_172] : memref<10112x16xf32, #tpu.memory_space<vmem_shared>> -> memref<10112x16xf32, #tpu.memory_space<vmem_shared>>
      tpu.enqueue_indirect_dma source(%dma_start3A_173 : memref<10112x16xf32, #tpu.memory_space<vmem_shared>>) target(%dma_start3A_167 : memref<128x16xf32, #tpu.memory_space<vmem>>) offsets(%dma_start3A_170 : memref<128xi32, #tpu.memory_space<vmem>>) semaphore(%arg12 : memref<!tpu.dma_semaphore, #tpu.memory_space<semaphore_mem>>)
      %dma_wait3A_174 = arith.constant 0 : i32
      %dma_wait3A_175 = arith.constant 0 : i32
      %dma_wait3A_176 = arith.constant 0 : i32
      %dma_wait3A_177 = arith.constant 0 : i32
      %dma_wait3A_178 = tpu.memref_slice %arg8[%dma_wait3A_175, %dma_wait3A_176, %dma_wait3A_177] : memref<8x128x16xf32, #tpu.memory_space<vmem>> -> memref<1x128x16xf32, #tpu.memory_space<vmem>>
      %dma_wait3A_179 = tpu.memref_squeeze %dma_wait3A_178 : memref<1x128x16xf32, #tpu.memory_space<vmem>> -> memref<128x16xf32, #tpu.memory_space<vmem>>
      %dma_wait3A_180 = arith.constant 0 : i32
      %dma_wait3A_181 = tpu.memref_slice %arg6[%dma_wait3A_174, %dma_wait3A_180] : memref<160x128xi32, #tpu.memory_space<vmem>> -> memref<1x128xi32, #tpu.memory_space<vmem>>
      %dma_wait3A_182 = tpu.memref_squeeze %dma_wait3A_181 : memref<1x128xi32, #tpu.memory_space<vmem>> -> memref<128xi32, #tpu.memory_space<vmem>>
      %dma_wait3A_183 = arith.constant 0 : i32
      %dma_wait3A_184 = arith.constant 0 : i32
      %dma_wait3A_185 = tpu.memref_slice %arg10[%dma_wait3A_183, %dma_wait3A_184] : memref<10112x16xf32, #tpu.memory_space<vmem_shared>> -> memref<10112x16xf32, #tpu.memory_space<vmem_shared>>
      tpu.wait_indirect_dma semaphore(%arg12 : memref<!tpu.dma_semaphore, #tpu.memory_space<semaphore_mem>>) src(%dma_wait3A_185 : memref<10112x16xf32, #tpu.memory_space<vmem_shared>>) dst(%dma_wait3A_179 : memref<128x16xf32, #tpu.memory_space<vmem>>)
      %dma_wait3A_186 = arith.constant 0 : i32
      %dma_wait3A_187 = arith.constant 0 : i32
      %dma_wait3A_188 = arith.constant 0 : i32
      %dma_wait3A_189 = arith.constant 0 : i32
      %dma_wait3A_190 = tpu.memref_slice %arg8[%dma_wait3A_187, %dma_wait3A_188, %dma_wait3A_189] : memref<8x128x16xf32, #tpu.memory_space<vmem>> -> memref<1x128x16xf32, #tpu.memory_space<vmem>>
      %dma_wait3A_191 = tpu.memref_squeeze %dma_wait3A_190 : memref<1x128x16xf32, #tpu.memory_space<vmem>> -> memref<128x16xf32, #tpu.memory_space<vmem>>
      %dma_wait3A_192 = arith.constant 0 : i32
      %dma_wait3A_193 = tpu.memref_slice %arg6[%dma_wait3A_186, %dma_wait3A_192] : memref<160x128xi32, #tpu.memory_space<vmem>> -> memref<1x128xi32, #tpu.memory_space<vmem>>
      %dma_wait3A_194 = tpu.memref_squeeze %dma_wait3A_193 : memref<1x128xi32, #tpu.memory_space<vmem>> -> memref<128xi32, #tpu.memory_space<vmem>>
      %dma_wait3A_195 = arith.constant 0 : i32
      %dma_wait3A_196 = arith.constant 0 : i32
      %dma_wait3A_197 = tpu.memref_slice %arg10[%dma_wait3A_195, %dma_wait3A_196] : memref<10112x16xf32, #tpu.memory_space<vmem_shared>> -> memref<10112x16xf32, #tpu.memory_space<vmem_shared>>
      tpu.wait_indirect_dma semaphore(%arg12 : memref<!tpu.dma_semaphore, #tpu.memory_space<semaphore_mem>>) src(%dma_wait3A_197 : memref<10112x16xf32, #tpu.memory_space<vmem_shared>>) dst(%dma_wait3A_191 : memref<128x16xf32, #tpu.memory_space<vmem>>)
      %dma_wait3A_198 = arith.constant 0 : i32
      %dma_wait3A_199 = arith.constant 0 : i32
      %dma_wait3A_200 = arith.constant 0 : i32
      %dma_wait3A_201 = arith.constant 0 : i32
      %dma_wait3A_202 = tpu.memref_slice %arg8[%dma_wait3A_199, %dma_wait3A_200, %dma_wait3A_201] : memref<8x128x16xf32, #tpu.memory_space<vmem>> -> memref<1x128x16xf32, #tpu.memory_space<vmem>>
      %dma_wait3A_203 = tpu.memref_squeeze %dma_wait3A_202 : memref<1x128x16xf32, #tpu.memory_space<vmem>> -> memref<128x16xf32, #tpu.memory_space<vmem>>
      %dma_wait3A_204 = arith.constant 0 : i32
      %dma_wait3A_205 = tpu.memref_slice %arg6[%dma_wait3A_198, %dma_wait3A_204] : memref<160x128xi32, #tpu.memory_space<vmem>> -> memref<1x128xi32, #tpu.memory_space<vmem>>
      %dma_wait3A_206 = tpu.memref_squeeze %dma_wait3A_205 : memref<1x128xi32, #tpu.memory_space<vmem>> -> memref<128xi32, #tpu.memory_space<vmem>>
      %dma_wait3A_207 = arith.constant 0 : i32
      %dma_wait3A_208 = arith.constant 0 : i32
      %dma_wait3A_209 = tpu.memref_slice %arg10[%dma_wait3A_207, %dma_wait3A_208] : memref<10112x16xf32, #tpu.memory_space<vmem_shared>> -> memref<10112x16xf32, #tpu.memory_space<vmem_shared>>
      tpu.wait_indirect_dma semaphore(%arg12 : memref<!tpu.dma_semaphore, #tpu.memory_space<semaphore_mem>>) src(%dma_wait3A_209 : memref<10112x16xf32, #tpu.memory_space<vmem_shared>>) dst(%dma_wait3A_203 : memref<128x16xf32, #tpu.memory_space<vmem>>)
      %dma_wait3A_210 = arith.constant 0 : i32
      %dma_wait3A_211 = arith.constant 0 : i32
      %dma_wait3A_212 = arith.constant 0 : i32
      %dma_wait3A_213 = arith.constant 0 : i32
      %dma_wait3A_214 = tpu.memref_slice %arg8[%dma_wait3A_211, %dma_wait3A_212, %dma_wait3A_213] : memref<8x128x16xf32, #tpu.memory_space<vmem>> -> memref<1x128x16xf32, #tpu.memory_space<vmem>>
      %dma_wait3A_215 = tpu.memref_squeeze %dma_wait3A_214 : memref<1x128x16xf32, #tpu.memory_space<vmem>> -> memref<128x16xf32, #tpu.memory_space<vmem>>
      %dma_wait3A_216 = arith.constant 0 : i32
      %dma_wait3A_217 = tpu.memref_slice %arg6[%dma_wait3A_210, %dma_wait3A_216] : memref<160x128xi32, #tpu.memory_space<vmem>> -> memref<1x128xi32, #tpu.memory_space<vmem>>
      %dma_wait3A_218 = tpu.memref_squeeze %dma_wait3A_217 : memref<1x128xi32, #tpu.memory_space<vmem>> -> memref<128xi32, #tpu.memory_space<vmem>>
      %dma_wait3A_219 = arith.constant 0 : i32
      %dma_wait3A_220 = arith.constant 0 : i32
      %dma_wait3A_221 = tpu.memref_slice %arg10[%dma_wait3A_219, %dma_wait3A_220] : memref<10112x16xf32, #tpu.memory_space<vmem_shared>> -> memref<10112x16xf32, #tpu.memory_space<vmem_shared>>
      tpu.wait_indirect_dma semaphore(%arg12 : memref<!tpu.dma_semaphore, #tpu.memory_space<semaphore_mem>>) src(%dma_wait3A_221 : memref<10112x16xf32, #tpu.memory_space<vmem_shared>>) dst(%dma_wait3A_215 : memref<128x16xf32, #tpu.memory_space<vmem>>)
      %mul3A_222 = arith.constant 4 : i32
      %mul3A_223 = arith.muli %mul3A_107, %mul3A_222 : i32
      %add3A_224 = arith.constant 0 : i32
      %add3A_225 = arith.addi %mul3A_223, %add3A_224 : i32
      %dma_start3A_226 = arith.constant 0 : i32
      %dma_start3A_227 = arith.constant 0 : i32
      %dma_start3A_228 = arith.constant 0 : i32
      %dma_start3A_229 = tpu.memref_slice %arg8[%dma_start3A_226, %dma_start3A_227, %dma_start3A_228] : memref<8x128x16xf32, #tpu.memory_space<vmem>> -> memref<1x128x16xf32, #tpu.memory_space<vmem>>
      %dma_start3A_230 = tpu.memref_squeeze %dma_start3A_229 : memref<1x128x16xf32, #tpu.memory_space<vmem>> -> memref<128x16xf32, #tpu.memory_space<vmem>>
      %dma_start3A_231 = arith.constant 0 : i32
      %dma_start3A_232 = tpu.memref_slice %arg7[%add3A_225, %dma_start3A_231] : memref<160x128xi32, #tpu.memory_space<vmem>> -> memref<1x128xi32, #tpu.memory_space<vmem>>
      %dma_start3A_233 = tpu.memref_squeeze %dma_start3A_232 : memref<1x128xi32, #tpu.memory_space<vmem>> -> memref<128xi32, #tpu.memory_space<vmem>>
      %dma_start3A_234 = arith.constant 0 : i32
      %dma_start3A_235 = arith.constant 0 : i32
      %dma_start3A_236 = tpu.memref_slice %arg11[%dma_start3A_234, %dma_start3A_235] : memref<10112x16xf32, #tpu.memory_space<vmem_shared>> -> memref<10112x16xf32, #tpu.memory_space<vmem_shared>>
      tpu.enqueue_indirect_dma source(%dma_start3A_230 : memref<128x16xf32, #tpu.memory_space<vmem>>) target(%dma_start3A_236 : memref<10112x16xf32, #tpu.memory_space<vmem_shared>>) offsets(%dma_start3A_233 : memref<128xi32, #tpu.memory_space<vmem>>) semaphore(%arg13 : memref<!tpu.dma_semaphore, #tpu.memory_space<semaphore_mem>>) {add = true}
      %mul3A_237 = arith.constant 4 : i32
      %mul3A_238 = arith.muli %mul3A_107, %mul3A_237 : i32
      %add3A_239 = arith.constant 1 : i32
      %add3A_240 = arith.addi %mul3A_238, %add3A_239 : i32
      %dma_start3A_241 = arith.constant 1 : i32
      %dma_start3A_242 = arith.constant 0 : i32
      %dma_start3A_243 = arith.constant 0 : i32
      %dma_start3A_244 = tpu.memref_slice %arg8[%dma_start3A_241, %dma_start3A_242, %dma_start3A_243] : memref<8x128x16xf32, #tpu.memory_space<vmem>> -> memref<1x128x16xf32, #tpu.memory_space<vmem>>
      %dma_start3A_245 = tpu.memref_squeeze %dma_start3A_244 : memref<1x128x16xf32, #tpu.memory_space<vmem>> -> memref<128x16xf32, #tpu.memory_space<vmem>>
      %dma_start3A_246 = arith.constant 0 : i32
      %dma_start3A_247 = tpu.memref_slice %arg7[%add3A_240, %dma_start3A_246] : memref<160x128xi32, #tpu.memory_space<vmem>> -> memref<1x128xi32, #tpu.memory_space<vmem>>
      %dma_start3A_248 = tpu.memref_squeeze %dma_start3A_247 : memref<1x128xi32, #tpu.memory_space<vmem>> -> memref<128xi32, #tpu.memory_space<vmem>>
      %dma_start3A_249 = arith.constant 0 : i32
      %dma_start3A_250 = arith.constant 0 : i32
      %dma_start3A_251 = tpu.memref_slice %arg11[%dma_start3A_249, %dma_start3A_250] : memref<10112x16xf32, #tpu.memory_space<vmem_shared>> -> memref<10112x16xf32, #tpu.memory_space<vmem_shared>>
      tpu.enqueue_indirect_dma source(%dma_start3A_245 : memref<128x16xf32, #tpu.memory_space<vmem>>) target(%dma_start3A_251 : memref<10112x16xf32, #tpu.memory_space<vmem_shared>>) offsets(%dma_start3A_248 : memref<128xi32, #tpu.memory_space<vmem>>) semaphore(%arg13 : memref<!tpu.dma_semaphore, #tpu.memory_space<semaphore_mem>>) {add = true}
      %mul3A_252 = arith.constant 4 : i32
      %mul3A_253 = arith.muli %mul3A_107, %mul3A_252 : i32
      %add3A_254 = arith.constant 2 : i32
      %add3A_255 = arith.addi %mul3A_253, %add3A_254 : i32
      %dma_start3A_256 = arith.constant 2 : i32
      %dma_start3A_257 = arith.constant 0 : i32
      %dma_start3A_258 = arith.constant 0 : i32
      %dma_start3A_259 = tpu.memref_slice %arg8[%dma_start3A_256, %dma_start3A_257, %dma_start3A_258] : memref<8x128x16xf32, #tpu.memory_space<vmem>> -> memref<1x128x16xf32, #tpu.memory_space<vmem>>
      %dma_start3A_260 = tpu.memref_squeeze %dma_start3A_259 : memref<1x128x16xf32, #tpu.memory_space<vmem>> -> memref<128x16xf32, #tpu.memory_space<vmem>>
      %dma_start3A_261 = arith.constant 0 : i32
      %dma_start3A_262 = tpu.memref_slice %arg7[%add3A_255, %dma_start3A_261] : memref<160x128xi32, #tpu.memory_space<vmem>> -> memref<1x128xi32, #tpu.memory_space<vmem>>
      %dma_start3A_263 = tpu.memref_squeeze %dma_start3A_262 : memref<1x128xi32, #tpu.memory_space<vmem>> -> memref<128xi32, #tpu.memory_space<vmem>>
      %dma_start3A_264 = arith.constant 0 : i32
      %dma_start3A_265 = arith.constant 0 : i32
      %dma_start3A_266 = tpu.memref_slice %arg11[%dma_start3A_264, %dma_start3A_265] : memref<10112x16xf32, #tpu.memory_space<vmem_shared>> -> memref<10112x16xf32, #tpu.memory_space<vmem_shared>>
      tpu.enqueue_indirect_dma source(%dma_start3A_260 : memref<128x16xf32, #tpu.memory_space<vmem>>) target(%dma_start3A_266 : memref<10112x16xf32, #tpu.memory_space<vmem_shared>>) offsets(%dma_start3A_263 : memref<128xi32, #tpu.memory_space<vmem>>) semaphore(%arg13 : memref<!tpu.dma_semaphore, #tpu.memory_space<semaphore_mem>>) {add = true}
      %mul3A_267 = arith.constant 4 : i32
      %mul3A_268 = arith.muli %mul3A_107, %mul3A_267 : i32
      %add3A_269 = arith.constant 3 : i32
      %add3A_270 = arith.addi %mul3A_268, %add3A_269 : i32
      %dma_start3A_271 = arith.constant 3 : i32
      %dma_start3A_272 = arith.constant 0 : i32
      %dma_start3A_273 = arith.constant 0 : i32
      %dma_start3A_274 = tpu.memref_slice %arg8[%dma_start3A_271, %dma_start3A_272, %dma_start3A_273] : memref<8x128x16xf32, #tpu.memory_space<vmem>> -> memref<1x128x16xf32, #tpu.memory_space<vmem>>
      %dma_start3A_275 = tpu.memref_squeeze %dma_start3A_274 : memref<1x128x16xf32, #tpu.memory_space<vmem>> -> memref<128x16xf32, #tpu.memory_space<vmem>>
      %dma_start3A_276 = arith.constant 0 : i32
      %dma_start3A_277 = tpu.memref_slice %arg7[%add3A_270, %dma_start3A_276] : memref<160x128xi32, #tpu.memory_space<vmem>> -> memref<1x128xi32, #tpu.memory_space<vmem>>
      %dma_start3A_278 = tpu.memref_squeeze %dma_start3A_277 : memref<1x128xi32, #tpu.memory_space<vmem>> -> memref<128xi32, #tpu.memory_space<vmem>>
      %dma_start3A_279 = arith.constant 0 : i32
      %dma_start3A_280 = arith.constant 0 : i32
      %dma_start3A_281 = tpu.memref_slice %arg11[%dma_start3A_279, %dma_start3A_280] : memref<10112x16xf32, #tpu.memory_space<vmem_shared>> -> memref<10112x16xf32, #tpu.memory_space<vmem_shared>>
      tpu.enqueue_indirect_dma source(%dma_start3A_275 : memref<128x16xf32, #tpu.memory_space<vmem>>) target(%dma_start3A_281 : memref<10112x16xf32, #tpu.memory_space<vmem_shared>>) offsets(%dma_start3A_278 : memref<128xi32, #tpu.memory_space<vmem>>) semaphore(%arg13 : memref<!tpu.dma_semaphore, #tpu.memory_space<semaphore_mem>>) {add = true}
      %dma_wait3A_282 = arith.constant 0 : i32
      %dma_wait3A_283 = arith.constant 0 : i32
      %dma_wait3A_284 = arith.constant 0 : i32
      %dma_wait3A_285 = arith.constant 0 : i32
      %dma_wait3A_286 = tpu.memref_slice %arg8[%dma_wait3A_283, %dma_wait3A_284, %dma_wait3A_285] : memref<8x128x16xf32, #tpu.memory_space<vmem>> -> memref<1x128x16xf32, #tpu.memory_space<vmem>>
      %dma_wait3A_287 = tpu.memref_squeeze %dma_wait3A_286 : memref<1x128x16xf32, #tpu.memory_space<vmem>> -> memref<128x16xf32, #tpu.memory_space<vmem>>
      %dma_wait3A_288 = arith.constant 0 : i32
      %dma_wait3A_289 = tpu.memref_slice %arg6[%dma_wait3A_282, %dma_wait3A_288] : memref<160x128xi32, #tpu.memory_space<vmem>> -> memref<1x128xi32, #tpu.memory_space<vmem>>
      %dma_wait3A_290 = tpu.memref_squeeze %dma_wait3A_289 : memref<1x128xi32, #tpu.memory_space<vmem>> -> memref<128xi32, #tpu.memory_space<vmem>>
      %dma_wait3A_291 = arith.constant 0 : i32
      %dma_wait3A_292 = arith.constant 0 : i32
      %dma_wait3A_293 = tpu.memref_slice %arg10[%dma_wait3A_291, %dma_wait3A_292] : memref<10112x16xf32, #tpu.memory_space<vmem_shared>> -> memref<10112x16xf32, #tpu.memory_space<vmem_shared>>
      tpu.wait_indirect_dma semaphore(%arg13 : memref<!tpu.dma_semaphore, #tpu.memory_space<semaphore_mem>>) src(%dma_wait3A_293 : memref<10112x16xf32, #tpu.memory_space<vmem_shared>>) dst(%dma_wait3A_287 : memref<128x16xf32, #tpu.memory_space<vmem>>)
      %dma_wait3A_294 = arith.constant 0 : i32
      %dma_wait3A_295 = arith.constant 0 : i32
      %dma_wait3A_296 = arith.constant 0 : i32
      %dma_wait3A_297 = arith.constant 0 : i32
      %dma_wait3A_298 = tpu.memref_slice %arg8[%dma_wait3A_295, %dma_wait3A_296, %dma_wait3A_297] : memref<8x128x16xf32, #tpu.memory_space<vmem>> -> memref<1x128x16xf32, #tpu.memory_space<vmem>>
      %dma_wait3A_299 = tpu.memref_squeeze %dma_wait3A_298 : memref<1x128x16xf32, #tpu.memory_space<vmem>> -> memref<128x16xf32, #tpu.memory_space<vmem>>
      %dma_wait3A_300 = arith.constant 0 : i32
      %dma_wait3A_301 = tpu.memref_slice %arg6[%dma_wait3A_294, %dma_wait3A_300] : memref<160x128xi32, #tpu.memory_space<vmem>> -> memref<1x128xi32, #tpu.memory_space<vmem>>
      %dma_wait3A_302 = tpu.memref_squeeze %dma_wait3A_301 : memref<1x128xi32, #tpu.memory_space<vmem>> -> memref<128xi32, #tpu.memory_space<vmem>>
      %dma_wait3A_303 = arith.constant 0 : i32
      %dma_wait3A_304 = arith.constant 0 : i32
      %dma_wait3A_305 = tpu.memref_slice %arg10[%dma_wait3A_303, %dma_wait3A_304] : memref<10112x16xf32, #tpu.memory_space<vmem_shared>> -> memref<10112x16xf32, #tpu.memory_space<vmem_shared>>
      tpu.wait_indirect_dma semaphore(%arg13 : memref<!tpu.dma_semaphore, #tpu.memory_space<semaphore_mem>>) src(%dma_wait3A_305 : memref<10112x16xf32, #tpu.memory_space<vmem_shared>>) dst(%dma_wait3A_299 : memref<128x16xf32, #tpu.memory_space<vmem>>)
      %dma_wait3A_306 = arith.constant 0 : i32
      %dma_wait3A_307 = arith.constant 0 : i32
      %dma_wait3A_308 = arith.constant 0 : i32
      %dma_wait3A_309 = arith.constant 0 : i32
      %dma_wait3A_310 = tpu.memref_slice %arg8[%dma_wait3A_307, %dma_wait3A_308, %dma_wait3A_309] : memref<8x128x16xf32, #tpu.memory_space<vmem>> -> memref<1x128x16xf32, #tpu.memory_space<vmem>>
      %dma_wait3A_311 = tpu.memref_squeeze %dma_wait3A_310 : memref<1x128x16xf32, #tpu.memory_space<vmem>> -> memref<128x16xf32, #tpu.memory_space<vmem>>
      %dma_wait3A_312 = arith.constant 0 : i32
      %dma_wait3A_313 = tpu.memref_slice %arg6[%dma_wait3A_306, %dma_wait3A_312] : memref<160x128xi32, #tpu.memory_space<vmem>> -> memref<1x128xi32, #tpu.memory_space<vmem>>
      %dma_wait3A_314 = tpu.memref_squeeze %dma_wait3A_313 : memref<1x128xi32, #tpu.memory_space<vmem>> -> memref<128xi32, #tpu.memory_space<vmem>>
      %dma_wait3A_315 = arith.constant 0 : i32
      %dma_wait3A_316 = arith.constant 0 : i32
      %dma_wait3A_317 = tpu.memref_slice %arg10[%dma_wait3A_315, %dma_wait3A_316] : memref<10112x16xf32, #tpu.memory_space<vmem_shared>> -> memref<10112x16xf32, #tpu.memory_space<vmem_shared>>
      tpu.wait_indirect_dma semaphore(%arg13 : memref<!tpu.dma_semaphore, #tpu.memory_space<semaphore_mem>>) src(%dma_wait3A_317 : memref<10112x16xf32, #tpu.memory_space<vmem_shared>>) dst(%dma_wait3A_311 : memref<128x16xf32, #tpu.memory_space<vmem>>)
      %dma_wait3A_318 = arith.constant 0 : i32
      %dma_wait3A_319 = arith.constant 0 : i32
      %dma_wait3A_320 = arith.constant 0 : i32
      %dma_wait3A_321 = arith.constant 0 : i32
      %dma_wait3A_322 = tpu.memref_slice %arg8[%dma_wait3A_319, %dma_wait3A_320, %dma_wait3A_321] : memref<8x128x16xf32, #tpu.memory_space<vmem>> -> memref<1x128x16xf32, #tpu.memory_space<vmem>>
      %dma_wait3A_323 = tpu.memref_squeeze %dma_wait3A_322 : memref<1x128x16xf32, #tpu.memory_space<vmem>> -> memref<128x16xf32, #tpu.memory_space<vmem>>
      %dma_wait3A_324 = arith.constant 0 : i32
      %dma_wait3A_325 = tpu.memref_slice %arg6[%dma_wait3A_318, %dma_wait3A_324] : memref<160x128xi32, #tpu.memory_space<vmem>> -> memref<1x128xi32, #tpu.memory_space<vmem>>
      %dma_wait3A_326 = tpu.memref_squeeze %dma_wait3A_325 : memref<1x128xi32, #tpu.memory_space<vmem>> -> memref<128xi32, #tpu.memory_space<vmem>>
      %dma_wait3A_327 = arith.constant 0 : i32
      %dma_wait3A_328 = arith.constant 0 : i32
      %dma_wait3A_329 = tpu.memref_slice %arg10[%dma_wait3A_327, %dma_wait3A_328] : memref<10112x16xf32, #tpu.memory_space<vmem_shared>> -> memref<10112x16xf32, #tpu.memory_space<vmem_shared>>
      tpu.wait_indirect_dma semaphore(%arg13 : memref<!tpu.dma_semaphore, #tpu.memory_space<semaphore_mem>>) src(%dma_wait3A_329 : memref<10112x16xf32, #tpu.memory_space<vmem_shared>>) dst(%dma_wait3A_323 : memref<128x16xf32, #tpu.memory_space<vmem>>)
      %add3A_330 = arith.constant 2 : i32
      %add3A_331 = arith.addi %mul3A_107, %add3A_330 : i32
      %lt3A = arith.constant 40 : i32
      %lt3A_332 = arith.cmpi slt, %add3A_331, %lt3A : i32
      %convert_element_type3A_333 = arith.extui %lt3A_332 : i1 to i32
      %cond3A_334 = arith.constant 0 : i32
      %cond3A_335 = arith.cmpi ne, %convert_element_type3A_333, %cond3A_334 : i32
      scf.if %cond3A_335 {
        %add3A_444 = arith.constant 2 : i32
        %add3A_445 = arith.addi %mul3A_107, %add3A_444 : i32
        %mul3A_446 = arith.constant 4 : i32
        %mul3A_447 = arith.muli %add3A_445, %mul3A_446 : i32
        %add3A_448 = arith.constant 0 : i32
        %add3A_449 = arith.addi %mul3A_447, %add3A_448 : i32
        %dma_start3A_450 = arith.constant 0 : i32
        %dma_start3A_451 = arith.constant 0 : i32
        %dma_start3A_452 = arith.constant 0 : i32
        %dma_start3A_453 = tpu.memref_slice %arg8[%dma_start3A_450, %dma_start3A_451, %dma_start3A_452] : memref<8x128x16xf32, #tpu.memory_space<vmem>> -> memref<1x128x16xf32, #tpu.memory_space<vmem>>
        %dma_start3A_454 = tpu.memref_squeeze %dma_start3A_453 : memref<1x128x16xf32, #tpu.memory_space<vmem>> -> memref<128x16xf32, #tpu.memory_space<vmem>>
        %dma_start3A_455 = arith.constant 0 : i32
        %dma_start3A_456 = tpu.memref_slice %arg6[%add3A_449, %dma_start3A_455] : memref<160x128xi32, #tpu.memory_space<vmem>> -> memref<1x128xi32, #tpu.memory_space<vmem>>
        %dma_start3A_457 = tpu.memref_squeeze %dma_start3A_456 : memref<1x128xi32, #tpu.memory_space<vmem>> -> memref<128xi32, #tpu.memory_space<vmem>>
        %dma_start3A_458 = arith.constant 0 : i32
        %dma_start3A_459 = arith.constant 0 : i32
        %dma_start3A_460 = tpu.memref_slice %arg10[%dma_start3A_458, %dma_start3A_459] : memref<10112x16xf32, #tpu.memory_space<vmem_shared>> -> memref<10112x16xf32, #tpu.memory_space<vmem_shared>>
        tpu.enqueue_indirect_dma source(%dma_start3A_460 : memref<10112x16xf32, #tpu.memory_space<vmem_shared>>) target(%dma_start3A_454 : memref<128x16xf32, #tpu.memory_space<vmem>>) offsets(%dma_start3A_457 : memref<128xi32, #tpu.memory_space<vmem>>) semaphore(%arg12 : memref<!tpu.dma_semaphore, #tpu.memory_space<semaphore_mem>>)
        %mul3A_461 = arith.constant 4 : i32
        %mul3A_462 = arith.muli %add3A_445, %mul3A_461 : i32
        %add3A_463 = arith.constant 1 : i32
        %add3A_464 = arith.addi %mul3A_462, %add3A_463 : i32
        %dma_start3A_465 = arith.constant 1 : i32
        %dma_start3A_466 = arith.constant 0 : i32
        %dma_start3A_467 = arith.constant 0 : i32
        %dma_start3A_468 = tpu.memref_slice %arg8[%dma_start3A_465, %dma_start3A_466, %dma_start3A_467] : memref<8x128x16xf32, #tpu.memory_space<vmem>> -> memref<1x128x16xf32, #tpu.memory_space<vmem>>
        %dma_start3A_469 = tpu.memref_squeeze %dma_start3A_468 : memref<1x128x16xf32, #tpu.memory_space<vmem>> -> memref<128x16xf32, #tpu.memory_space<vmem>>
        %dma_start3A_470 = arith.constant 0 : i32
        %dma_start3A_471 = tpu.memref_slice %arg6[%add3A_464, %dma_start3A_470] : memref<160x128xi32, #tpu.memory_space<vmem>> -> memref<1x128xi32, #tpu.memory_space<vmem>>
        %dma_start3A_472 = tpu.memref_squeeze %dma_start3A_471 : memref<1x128xi32, #tpu.memory_space<vmem>> -> memref<128xi32, #tpu.memory_space<vmem>>
        %dma_start3A_473 = arith.constant 0 : i32
        %dma_start3A_474 = arith.constant 0 : i32
        %dma_start3A_475 = tpu.memref_slice %arg10[%dma_start3A_473, %dma_start3A_474] : memref<10112x16xf32, #tpu.memory_space<vmem_shared>> -> memref<10112x16xf32, #tpu.memory_space<vmem_shared>>
        tpu.enqueue_indirect_dma source(%dma_start3A_475 : memref<10112x16xf32, #tpu.memory_space<vmem_shared>>) target(%dma_start3A_469 : memref<128x16xf32, #tpu.memory_space<vmem>>) offsets(%dma_start3A_472 : memref<128xi32, #tpu.memory_space<vmem>>) semaphore(%arg12 : memref<!tpu.dma_semaphore, #tpu.memory_space<semaphore_mem>>)
        %mul3A_476 = arith.constant 4 : i32
        %mul3A_477 = arith.muli %add3A_445, %mul3A_476 : i32
        %add3A_478 = arith.constant 2 : i32
        %add3A_479 = arith.addi %mul3A_477, %add3A_478 : i32
        %dma_start3A_480 = arith.constant 2 : i32
        %dma_start3A_481 = arith.constant 0 : i32
        %dma_start3A_482 = arith.constant 0 : i32
        %dma_start3A_483 = tpu.memref_slice %arg8[%dma_start3A_480, %dma_start3A_481, %dma_start3A_482] : memref<8x128x16xf32, #tpu.memory_space<vmem>> -> memref<1x128x16xf32, #tpu.memory_space<vmem>>
        %dma_start3A_484 = tpu.memref_squeeze %dma_start3A_483 : memref<1x128x16xf32, #tpu.memory_space<vmem>> -> memref<128x16xf32, #tpu.memory_space<vmem>>
        %dma_start3A_485 = arith.constant 0 : i32
        %dma_start3A_486 = tpu.memref_slice %arg6[%add3A_479, %dma_start3A_485] : memref<160x128xi32, #tpu.memory_space<vmem>> -> memref<1x128xi32, #tpu.memory_space<vmem>>
        %dma_start3A_487 = tpu.memref_squeeze %dma_start3A_486 : memref<1x128xi32, #tpu.memory_space<vmem>> -> memref<128xi32, #tpu.memory_space<vmem>>
        %dma_start3A_488 = arith.constant 0 : i32
        %dma_start3A_489 = arith.constant 0 : i32
        %dma_start3A_490 = tpu.memref_slice %arg10[%dma_start3A_488, %dma_start3A_489] : memref<10112x16xf32, #tpu.memory_space<vmem_shared>> -> memref<10112x16xf32, #tpu.memory_space<vmem_shared>>
        tpu.enqueue_indirect_dma source(%dma_start3A_490 : memref<10112x16xf32, #tpu.memory_space<vmem_shared>>) target(%dma_start3A_484 : memref<128x16xf32, #tpu.memory_space<vmem>>) offsets(%dma_start3A_487 : memref<128xi32, #tpu.memory_space<vmem>>) semaphore(%arg12 : memref<!tpu.dma_semaphore, #tpu.memory_space<semaphore_mem>>)
        %mul3A_491 = arith.constant 4 : i32
        %mul3A_492 = arith.muli %add3A_445, %mul3A_491 : i32
        %add3A_493 = arith.constant 3 : i32
        %add3A_494 = arith.addi %mul3A_492, %add3A_493 : i32
        %dma_start3A_495 = arith.constant 3 : i32
        %dma_start3A_496 = arith.constant 0 : i32
        %dma_start3A_497 = arith.constant 0 : i32
        %dma_start3A_498 = tpu.memref_slice %arg8[%dma_start3A_495, %dma_start3A_496, %dma_start3A_497] : memref<8x128x16xf32, #tpu.memory_space<vmem>> -> memref<1x128x16xf32, #tpu.memory_space<vmem>>
        %dma_start3A_499 = tpu.memref_squeeze %dma_start3A_498 : memref<1x128x16xf32, #tpu.memory_space<vmem>> -> memref<128x16xf32, #tpu.memory_space<vmem>>
        %dma_start3A_500 = arith.constant 0 : i32
        %dma_start3A_501 = tpu.memref_slice %arg6[%add3A_494, %dma_start3A_500] : memref<160x128xi32, #tpu.memory_space<vmem>> -> memref<1x128xi32, #tpu.memory_space<vmem>>
        %dma_start3A_502 = tpu.memref_squeeze %dma_start3A_501 : memref<1x128xi32, #tpu.memory_space<vmem>> -> memref<128xi32, #tpu.memory_space<vmem>>
        %dma_start3A_503 = arith.constant 0 : i32
        %dma_start3A_504 = arith.constant 0 : i32
        %dma_start3A_505 = tpu.memref_slice %arg10[%dma_start3A_503, %dma_start3A_504] : memref<10112x16xf32, #tpu.memory_space<vmem_shared>> -> memref<10112x16xf32, #tpu.memory_space<vmem_shared>>
        tpu.enqueue_indirect_dma source(%dma_start3A_505 : memref<10112x16xf32, #tpu.memory_space<vmem_shared>>) target(%dma_start3A_499 : memref<128x16xf32, #tpu.memory_space<vmem>>) offsets(%dma_start3A_502 : memref<128xi32, #tpu.memory_space<vmem>>) semaphore(%arg12 : memref<!tpu.dma_semaphore, #tpu.memory_space<semaphore_mem>>)
      } else {
      }
      %dma_wait3A_336 = arith.constant 0 : i32
      %dma_wait3A_337 = arith.constant 0 : i32
      %dma_wait3A_338 = arith.constant 0 : i32
      %dma_wait3A_339 = arith.constant 0 : i32
      %dma_wait3A_340 = tpu.memref_slice %arg8[%dma_wait3A_337, %dma_wait3A_338, %dma_wait3A_339] : memref<8x128x16xf32, #tpu.memory_space<vmem>> -> memref<1x128x16xf32, #tpu.memory_space<vmem>>
      %dma_wait3A_341 = tpu.memref_squeeze %dma_wait3A_340 : memref<1x128x16xf32, #tpu.memory_space<vmem>> -> memref<128x16xf32, #tpu.memory_space<vmem>>
      %dma_wait3A_342 = arith.constant 0 : i32
      %dma_wait3A_343 = tpu.memref_slice %arg6[%dma_wait3A_336, %dma_wait3A_342] : memref<160x128xi32, #tpu.memory_space<vmem>> -> memref<1x128xi32, #tpu.memory_space<vmem>>
      %dma_wait3A_344 = tpu.memref_squeeze %dma_wait3A_343 : memref<1x128xi32, #tpu.memory_space<vmem>> -> memref<128xi32, #tpu.memory_space<vmem>>
      %dma_wait3A_345 = arith.constant 0 : i32
      %dma_wait3A_346 = arith.constant 0 : i32
      %dma_wait3A_347 = tpu.memref_slice %arg10[%dma_wait3A_345, %dma_wait3A_346] : memref<10112x16xf32, #tpu.memory_space<vmem_shared>> -> memref<10112x16xf32, #tpu.memory_space<vmem_shared>>
      tpu.wait_indirect_dma semaphore(%arg12 : memref<!tpu.dma_semaphore, #tpu.memory_space<semaphore_mem>>) src(%dma_wait3A_347 : memref<10112x16xf32, #tpu.memory_space<vmem_shared>>) dst(%dma_wait3A_341 : memref<128x16xf32, #tpu.memory_space<vmem>>)
      %dma_wait3A_348 = arith.constant 0 : i32
      %dma_wait3A_349 = arith.constant 0 : i32
      %dma_wait3A_350 = arith.constant 0 : i32
      %dma_wait3A_351 = arith.constant 0 : i32
      %dma_wait3A_352 = tpu.memref_slice %arg8[%dma_wait3A_349, %dma_wait3A_350, %dma_wait3A_351] : memref<8x128x16xf32, #tpu.memory_space<vmem>> -> memref<1x128x16xf32, #tpu.memory_space<vmem>>
      %dma_wait3A_353 = tpu.memref_squeeze %dma_wait3A_352 : memref<1x128x16xf32, #tpu.memory_space<vmem>> -> memref<128x16xf32, #tpu.memory_space<vmem>>
      %dma_wait3A_354 = arith.constant 0 : i32
      %dma_wait3A_355 = tpu.memref_slice %arg6[%dma_wait3A_348, %dma_wait3A_354] : memref<160x128xi32, #tpu.memory_space<vmem>> -> memref<1x128xi32, #tpu.memory_space<vmem>>
      %dma_wait3A_356 = tpu.memref_squeeze %dma_wait3A_355 : memref<1x128xi32, #tpu.memory_space<vmem>> -> memref<128xi32, #tpu.memory_space<vmem>>
      %dma_wait3A_357 = arith.constant 0 : i32
      %dma_wait3A_358 = arith.constant 0 : i32
      %dma_wait3A_359 = tpu.memref_slice %arg10[%dma_wait3A_357, %dma_wait3A_358] : memref<10112x16xf32, #tpu.memory_space<vmem_shared>> -> memref<10112x16xf32, #tpu.memory_space<vmem_shared>>
      tpu.wait_indirect_dma semaphore(%arg12 : memref<!tpu.dma_semaphore, #tpu.memory_space<semaphore_mem>>) src(%dma_wait3A_359 : memref<10112x16xf32, #tpu.memory_space<vmem_shared>>) dst(%dma_wait3A_353 : memref<128x16xf32, #tpu.memory_space<vmem>>)
      %dma_wait3A_360 = arith.constant 0 : i32
      %dma_wait3A_361 = arith.constant 0 : i32
      %dma_wait3A_362 = arith.constant 0 : i32
      %dma_wait3A_363 = arith.constant 0 : i32
      %dma_wait3A_364 = tpu.memref_slice %arg8[%dma_wait3A_361, %dma_wait3A_362, %dma_wait3A_363] : memref<8x128x16xf32, #tpu.memory_space<vmem>> -> memref<1x128x16xf32, #tpu.memory_space<vmem>>
      %dma_wait3A_365 = tpu.memref_squeeze %dma_wait3A_364 : memref<1x128x16xf32, #tpu.memory_space<vmem>> -> memref<128x16xf32, #tpu.memory_space<vmem>>
      %dma_wait3A_366 = arith.constant 0 : i32
      %dma_wait3A_367 = tpu.memref_slice %arg6[%dma_wait3A_360, %dma_wait3A_366] : memref<160x128xi32, #tpu.memory_space<vmem>> -> memref<1x128xi32, #tpu.memory_space<vmem>>
      %dma_wait3A_368 = tpu.memref_squeeze %dma_wait3A_367 : memref<1x128xi32, #tpu.memory_space<vmem>> -> memref<128xi32, #tpu.memory_space<vmem>>
      %dma_wait3A_369 = arith.constant 0 : i32
      %dma_wait3A_370 = arith.constant 0 : i32
      %dma_wait3A_371 = tpu.memref_slice %arg10[%dma_wait3A_369, %dma_wait3A_370] : memref<10112x16xf32, #tpu.memory_space<vmem_shared>> -> memref<10112x16xf32, #tpu.memory_space<vmem_shared>>
      tpu.wait_indirect_dma semaphore(%arg12 : memref<!tpu.dma_semaphore, #tpu.memory_space<semaphore_mem>>) src(%dma_wait3A_371 : memref<10112x16xf32, #tpu.memory_space<vmem_shared>>) dst(%dma_wait3A_365 : memref<128x16xf32, #tpu.memory_space<vmem>>)
      %dma_wait3A_372 = arith.constant 0 : i32
      %dma_wait3A_373 = arith.constant 0 : i32
      %dma_wait3A_374 = arith.constant 0 : i32
      %dma_wait3A_375 = arith.constant 0 : i32
      %dma_wait3A_376 = tpu.memref_slice %arg8[%dma_wait3A_373, %dma_wait3A_374, %dma_wait3A_375] : memref<8x128x16xf32, #tpu.memory_space<vmem>> -> memref<1x128x16xf32, #tpu.memory_space<vmem>>
      %dma_wait3A_377 = tpu.memref_squeeze %dma_wait3A_376 : memref<1x128x16xf32, #tpu.memory_space<vmem>> -> memref<128x16xf32, #tpu.memory_space<vmem>>
      %dma_wait3A_378 = arith.constant 0 : i32
      %dma_wait3A_379 = tpu.memref_slice %arg6[%dma_wait3A_372, %dma_wait3A_378] : memref<160x128xi32, #tpu.memory_space<vmem>> -> memref<1x128xi32, #tpu.memory_space<vmem>>
      %dma_wait3A_380 = tpu.memref_squeeze %dma_wait3A_379 : memref<1x128xi32, #tpu.memory_space<vmem>> -> memref<128xi32, #tpu.memory_space<vmem>>
      %dma_wait3A_381 = arith.constant 0 : i32
      %dma_wait3A_382 = arith.constant 0 : i32
      %dma_wait3A_383 = tpu.memref_slice %arg10[%dma_wait3A_381, %dma_wait3A_382] : memref<10112x16xf32, #tpu.memory_space<vmem_shared>> -> memref<10112x16xf32, #tpu.memory_space<vmem_shared>>
      tpu.wait_indirect_dma semaphore(%arg12 : memref<!tpu.dma_semaphore, #tpu.memory_space<semaphore_mem>>) src(%dma_wait3A_383 : memref<10112x16xf32, #tpu.memory_space<vmem_shared>>) dst(%dma_wait3A_377 : memref<128x16xf32, #tpu.memory_space<vmem>>)
      %mul3A_384 = arith.constant 4 : i32
      %mul3A_385 = arith.muli %add3A_111, %mul3A_384 : i32
      %add3A_386 = arith.constant 0 : i32
      %add3A_387 = arith.addi %mul3A_385, %add3A_386 : i32
      %dma_start3A_388 = arith.constant 4 : i32
      %dma_start3A_389 = arith.constant 0 : i32
      %dma_start3A_390 = arith.constant 0 : i32
      %dma_start3A_391 = tpu.memref_slice %arg8[%dma_start3A_388, %dma_start3A_389, %dma_start3A_390] : memref<8x128x16xf32, #tpu.memory_space<vmem>> -> memref<1x128x16xf32, #tpu.memory_space<vmem>>
      %dma_start3A_392 = tpu.memref_squeeze %dma_start3A_391 : memref<1x128x16xf32, #tpu.memory_space<vmem>> -> memref<128x16xf32, #tpu.memory_space<vmem>>
      %dma_start3A_393 = arith.constant 0 : i32
      %dma_start3A_394 = tpu.memref_slice %arg7[%add3A_387, %dma_start3A_393] : memref<160x128xi32, #tpu.memory_space<vmem>> -> memref<1x128xi32, #tpu.memory_space<vmem>>
      %dma_start3A_395 = tpu.memref_squeeze %dma_start3A_394 : memref<1x128xi32, #tpu.memory_space<vmem>> -> memref<128xi32, #tpu.memory_space<vmem>>
      %dma_start3A_396 = arith.constant 0 : i32
      %dma_start3A_397 = arith.constant 0 : i32
      %dma_start3A_398 = tpu.memref_slice %arg11[%dma_start3A_396, %dma_start3A_397] : memref<10112x16xf32, #tpu.memory_space<vmem_shared>> -> memref<10112x16xf32, #tpu.memory_space<vmem_shared>>
      tpu.enqueue_indirect_dma source(%dma_start3A_392 : memref<128x16xf32, #tpu.memory_space<vmem>>) target(%dma_start3A_398 : memref<10112x16xf32, #tpu.memory_space<vmem_shared>>) offsets(%dma_start3A_395 : memref<128xi32, #tpu.memory_space<vmem>>) semaphore(%arg13 : memref<!tpu.dma_semaphore, #tpu.memory_space<semaphore_mem>>) {add = true}
      %mul3A_399 = arith.constant 4 : i32
      %mul3A_400 = arith.muli %add3A_111, %mul3A_399 : i32
      %add3A_401 = arith.constant 1 : i32
      %add3A_402 = arith.addi %mul3A_400, %add3A_401 : i32
      %dma_start3A_403 = arith.constant 5 : i32
      %dma_start3A_404 = arith.constant 0 : i32
      %dma_start3A_405 = arith.constant 0 : i32
      %dma_start3A_406 = tpu.memref_slice %arg8[%dma_start3A_403, %dma_start3A_404, %dma_start3A_405] : memref<8x128x16xf32, #tpu.memory_space<vmem>> -> memref<1x128x16xf32, #tpu.memory_space<vmem>>
      %dma_start3A_407 = tpu.memref_squeeze %dma_start3A_406 : memref<1x128x16xf32, #tpu.memory_space<vmem>> -> memref<128x16xf32, #tpu.memory_space<vmem>>
      %dma_start3A_408 = arith.constant 0 : i32
      %dma_start3A_409 = tpu.memref_slice %arg7[%add3A_402, %dma_start3A_408] : memref<160x128xi32, #tpu.memory_space<vmem>> -> memref<1x128xi32, #tpu.memory_space<vmem>>
      %dma_start3A_410 = tpu.memref_squeeze %dma_start3A_409 : memref<1x128xi32, #tpu.memory_space<vmem>> -> memref<128xi32, #tpu.memory_space<vmem>>
      %dma_start3A_411 = arith.constant 0 : i32
      %dma_start3A_412 = arith.constant 0 : i32
      %dma_start3A_413 = tpu.memref_slice %arg11[%dma_start3A_411, %dma_start3A_412] : memref<10112x16xf32, #tpu.memory_space<vmem_shared>> -> memref<10112x16xf32, #tpu.memory_space<vmem_shared>>
      tpu.enqueue_indirect_dma source(%dma_start3A_407 : memref<128x16xf32, #tpu.memory_space<vmem>>) target(%dma_start3A_413 : memref<10112x16xf32, #tpu.memory_space<vmem_shared>>) offsets(%dma_start3A_410 : memref<128xi32, #tpu.memory_space<vmem>>) semaphore(%arg13 : memref<!tpu.dma_semaphore, #tpu.memory_space<semaphore_mem>>) {add = true}
      %mul3A_414 = arith.constant 4 : i32
      %mul3A_415 = arith.muli %add3A_111, %mul3A_414 : i32
      %add3A_416 = arith.constant 2 : i32
      %add3A_417 = arith.addi %mul3A_415, %add3A_416 : i32
      %dma_start3A_418 = arith.constant 6 : i32
      %dma_start3A_419 = arith.constant 0 : i32
      %dma_start3A_420 = arith.constant 0 : i32
      %dma_start3A_421 = tpu.memref_slice %arg8[%dma_start3A_418, %dma_start3A_419, %dma_start3A_420] : memref<8x128x16xf32, #tpu.memory_space<vmem>> -> memref<1x128x16xf32, #tpu.memory_space<vmem>>
      %dma_start3A_422 = tpu.memref_squeeze %dma_start3A_421 : memref<1x128x16xf32, #tpu.memory_space<vmem>> -> memref<128x16xf32, #tpu.memory_space<vmem>>
      %dma_start3A_423 = arith.constant 0 : i32
      %dma_start3A_424 = tpu.memref_slice %arg7[%add3A_417, %dma_start3A_423] : memref<160x128xi32, #tpu.memory_space<vmem>> -> memref<1x128xi32, #tpu.memory_space<vmem>>
      %dma_start3A_425 = tpu.memref_squeeze %dma_start3A_424 : memref<1x128xi32, #tpu.memory_space<vmem>> -> memref<128xi32, #tpu.memory_space<vmem>>
      %dma_start3A_426 = arith.constant 0 : i32
      %dma_start3A_427 = arith.constant 0 : i32
      %dma_start3A_428 = tpu.memref_slice %arg11[%dma_start3A_426, %dma_start3A_427] : memref<10112x16xf32, #tpu.memory_space<vmem_shared>> -> memref<10112x16xf32, #tpu.memory_space<vmem_shared>>
      tpu.enqueue_indirect_dma source(%dma_start3A_422 : memref<128x16xf32, #tpu.memory_space<vmem>>) target(%dma_start3A_428 : memref<10112x16xf32, #tpu.memory_space<vmem_shared>>) offsets(%dma_start3A_425 : memref<128xi32, #tpu.memory_space<vmem>>) semaphore(%arg13 : memref<!tpu.dma_semaphore, #tpu.memory_space<semaphore_mem>>) {add = true}
      %mul3A_429 = arith.constant 4 : i32
      %mul3A_430 = arith.muli %add3A_111, %mul3A_429 : i32
      %add3A_431 = arith.constant 3 : i32
      %add3A_432 = arith.addi %mul3A_430, %add3A_431 : i32
      %dma_start3A_433 = arith.constant 7 : i32
      %dma_start3A_434 = arith.constant 0 : i32
      %dma_start3A_435 = arith.constant 0 : i32
      %dma_start3A_436 = tpu.memref_slice %arg8[%dma_start3A_433, %dma_start3A_434, %dma_start3A_435] : memref<8x128x16xf32, #tpu.memory_space<vmem>> -> memref<1x128x16xf32, #tpu.memory_space<vmem>>
      %dma_start3A_437 = tpu.memref_squeeze %dma_start3A_436 : memref<1x128x16xf32, #tpu.memory_space<vmem>> -> memref<128x16xf32, #tpu.memory_space<vmem>>
      %dma_start3A_438 = arith.constant 0 : i32
      %dma_start3A_439 = tpu.memref_slice %arg7[%add3A_432, %dma_start3A_438] : memref<160x128xi32, #tpu.memory_space<vmem>> -> memref<1x128xi32, #tpu.memory_space<vmem>>
      %dma_start3A_440 = tpu.memref_squeeze %dma_start3A_439 : memref<1x128xi32, #tpu.memory_space<vmem>> -> memref<128xi32, #tpu.memory_space<vmem>>
      %dma_start3A_441 = arith.constant 0 : i32
      %dma_start3A_442 = arith.constant 0 : i32
      %dma_start3A_443 = tpu.memref_slice %arg11[%dma_start3A_441, %dma_start3A_442] : memref<10112x16xf32, #tpu.memory_space<vmem_shared>> -> memref<10112x16xf32, #tpu.memory_space<vmem_shared>>
      tpu.enqueue_indirect_dma source(%dma_start3A_437 : memref<128x16xf32, #tpu.memory_space<vmem>>) target(%dma_start3A_443 : memref<10112x16xf32, #tpu.memory_space<vmem_shared>>) offsets(%dma_start3A_440 : memref<128xi32, #tpu.memory_space<vmem>>) semaphore(%arg13 : memref<!tpu.dma_semaphore, #tpu.memory_space<semaphore_mem>>) {add = true}
    }
    %scan3A_56 = arith.constant 20 : i32
    %dma_wait3A = arith.constant 0 : i32
    %dma_wait3A_57 = arith.constant 0 : i32
    %dma_wait3A_58 = arith.constant 0 : i32
    %dma_wait3A_59 = arith.constant 0 : i32
    %dma_wait3A_60 = tpu.memref_slice %arg8[%dma_wait3A_57, %dma_wait3A_58, %dma_wait3A_59] : memref<8x128x16xf32, #tpu.memory_space<vmem>> -> memref<1x128x16xf32, #tpu.memory_space<vmem>>
    %dma_wait3A_61 = tpu.memref_squeeze %dma_wait3A_60 : memref<1x128x16xf32, #tpu.memory_space<vmem>> -> memref<128x16xf32, #tpu.memory_space<vmem>>
    %dma_wait3A_62 = arith.constant 0 : i32
    %dma_wait3A_63 = tpu.memref_slice %arg6[%dma_wait3A, %dma_wait3A_62] : memref<160x128xi32, #tpu.memory_space<vmem>> -> memref<1x128xi32, #tpu.memory_space<vmem>>
    %dma_wait3A_64 = tpu.memref_squeeze %dma_wait3A_63 : memref<1x128xi32, #tpu.memory_space<vmem>> -> memref<128xi32, #tpu.memory_space<vmem>>
    %dma_wait3A_65 = arith.constant 0 : i32
    %dma_wait3A_66 = arith.constant 0 : i32
    %dma_wait3A_67 = tpu.memref_slice %arg10[%dma_wait3A_65, %dma_wait3A_66] : memref<10112x16xf32, #tpu.memory_space<vmem_shared>> -> memref<10112x16xf32, #tpu.memory_space<vmem_shared>>
    tpu.wait_indirect_dma semaphore(%arg13 : memref<!tpu.dma_semaphore, #tpu.memory_space<semaphore_mem>>) src(%dma_wait3A_67 : memref<10112x16xf32, #tpu.memory_space<vmem_shared>>) dst(%dma_wait3A_61 : memref<128x16xf32, #tpu.memory_space<vmem>>)
    %dma_wait3A_68 = arith.constant 0 : i32
    %dma_wait3A_69 = arith.constant 0 : i32
    %dma_wait3A_70 = arith.constant 0 : i32
    %dma_wait3A_71 = arith.constant 0 : i32
    %dma_wait3A_72 = tpu.memref_slice %arg8[%dma_wait3A_69, %dma_wait3A_70, %dma_wait3A_71] : memref<8x128x16xf32, #tpu.memory_space<vmem>> -> memref<1x128x16xf32, #tpu.memory_space<vmem>>
    %dma_wait3A_73 = tpu.memref_squeeze %dma_wait3A_72 : memref<1x128x16xf32, #tpu.memory_space<vmem>> -> memref<128x16xf32, #tpu.memory_space<vmem>>
    %dma_wait3A_74 = arith.constant 0 : i32
    %dma_wait3A_75 = tpu.memref_slice %arg6[%dma_wait3A_68, %dma_wait3A_74] : memref<160x128xi32, #tpu.memory_space<vmem>> -> memref<1x128xi32, #tpu.memory_space<vmem>>
    %dma_wait3A_76 = tpu.memref_squeeze %dma_wait3A_75 : memref<1x128xi32, #tpu.memory_space<vmem>> -> memref<128xi32, #tpu.memory_space<vmem>>
    %dma_wait3A_77 = arith.constant 0 : i32
    %dma_wait3A_78 = arith.constant 0 : i32
    %dma_wait3A_79 = tpu.memref_slice %arg10[%dma_wait3A_77, %dma_wait3A_78] : memref<10112x16xf32, #tpu.memory_space<vmem_shared>> -> memref<10112x16xf32, #tpu.memory_space<vmem_shared>>
    tpu.wait_indirect_dma semaphore(%arg13 : memref<!tpu.dma_semaphore, #tpu.memory_space<semaphore_mem>>) src(%dma_wait3A_79 : memref<10112x16xf32, #tpu.memory_space<vmem_shared>>) dst(%dma_wait3A_73 : memref<128x16xf32, #tpu.memory_space<vmem>>)
    %dma_wait3A_80 = arith.constant 0 : i32
    %dma_wait3A_81 = arith.constant 0 : i32
    %dma_wait3A_82 = arith.constant 0 : i32
    %dma_wait3A_83 = arith.constant 0 : i32
    %dma_wait3A_84 = tpu.memref_slice %arg8[%dma_wait3A_81, %dma_wait3A_82, %dma_wait3A_83] : memref<8x128x16xf32, #tpu.memory_space<vmem>> -> memref<1x128x16xf32, #tpu.memory_space<vmem>>
    %dma_wait3A_85 = tpu.memref_squeeze %dma_wait3A_84 : memref<1x128x16xf32, #tpu.memory_space<vmem>> -> memref<128x16xf32, #tpu.memory_space<vmem>>
    %dma_wait3A_86 = arith.constant 0 : i32
    %dma_wait3A_87 = tpu.memref_slice %arg6[%dma_wait3A_80, %dma_wait3A_86] : memref<160x128xi32, #tpu.memory_space<vmem>> -> memref<1x128xi32, #tpu.memory_space<vmem>>
    %dma_wait3A_88 = tpu.memref_squeeze %dma_wait3A_87 : memref<1x128xi32, #tpu.memory_space<vmem>> -> memref<128xi32, #tpu.memory_space<vmem>>
    %dma_wait3A_89 = arith.constant 0 : i32
    %dma_wait3A_90 = arith.constant 0 : i32
    %dma_wait3A_91 = tpu.memref_slice %arg10[%dma_wait3A_89, %dma_wait3A_90] : memref<10112x16xf32, #tpu.memory_space<vmem_shared>> -> memref<10112x16xf32, #tpu.memory_space<vmem_shared>>
    tpu.wait_indirect_dma semaphore(%arg13 : memref<!tpu.dma_semaphore, #tpu.memory_space<semaphore_mem>>) src(%dma_wait3A_91 : memref<10112x16xf32, #tpu.memory_space<vmem_shared>>) dst(%dma_wait3A_85 : memref<128x16xf32, #tpu.memory_space<vmem>>)
    %dma_wait3A_92 = arith.constant 0 : i32
    %dma_wait3A_93 = arith.constant 0 : i32
    %dma_wait3A_94 = arith.constant 0 : i32
    %dma_wait3A_95 = arith.constant 0 : i32
    %dma_wait3A_96 = tpu.memref_slice %arg8[%dma_wait3A_93, %dma_wait3A_94, %dma_wait3A_95] : memref<8x128x16xf32, #tpu.memory_space<vmem>> -> memref<1x128x16xf32, #tpu.memory_space<vmem>>
    %dma_wait3A_97 = tpu.memref_squeeze %dma_wait3A_96 : memref<1x128x16xf32, #tpu.memory_space<vmem>> -> memref<128x16xf32, #tpu.memory_space<vmem>>
    %dma_wait3A_98 = arith.constant 0 : i32
    %dma_wait3A_99 = tpu.memref_slice %arg6[%dma_wait3A_92, %dma_wait3A_98] : memref<160x128xi32, #tpu.memory_space<vmem>> -> memref<1x128xi32, #tpu.memory_space<vmem>>
    %dma_wait3A_100 = tpu.memref_squeeze %dma_wait3A_99 : memref<1x128xi32, #tpu.memory_space<vmem>> -> memref<128xi32, #tpu.memory_space<vmem>>
    %dma_wait3A_101 = arith.constant 0 : i32
    %dma_wait3A_102 = arith.constant 0 : i32
    %dma_wait3A_103 = tpu.memref_slice %arg10[%dma_wait3A_101, %dma_wait3A_102] : memref<10112x16xf32, #tpu.memory_space<vmem_shared>> -> memref<10112x16xf32, #tpu.memory_space<vmem_shared>>
    tpu.wait_indirect_dma semaphore(%arg13 : memref<!tpu.dma_semaphore, #tpu.memory_space<semaphore_mem>>) src(%dma_wait3A_103 : memref<10112x16xf32, #tpu.memory_space<vmem_shared>>) dst(%dma_wait3A_97 : memref<128x16xf32, #tpu.memory_space<vmem>>)
    %barrier3A_104 = arith.constant 0 : index
    tpu.barrier barrier_id(%barrier3A_104)
    "tpu.region"() ({
      %run_scoped3A = tpu.sem_alloc : memref<!tpu.dma_semaphore, #tpu.memory_space<semaphore_mem>>
      %dma_start3A_105 = arith.constant 0 : i32
      %dma_start3A_106 = tpu.memref_slice %arg11[%mul3A_2, %dma_start3A_105] : memref<10112x16xf32, #tpu.memory_space<vmem_shared>> -> memref<632x16xf32, #tpu.memory_space<vmem_shared>>
      %dma_start3A_107 = arith.constant 0 : i32
      %dma_start3A_108 = tpu.memref_slice %arg11[%mul3A_2, %dma_start3A_107] : memref<10112x16xf32, #tpu.memory_space<vmem_shared>> -> memref<632x16xf32, #tpu.memory_space<vmem_shared>>
      tpu.enqueue_dma source(%dma_start3A_108 : memref<632x16xf32, #tpu.memory_space<vmem_shared>>) target(%arg9 : memref<632x16xf32, #tpu.memory_space<vmem>>) target_semaphore(%run_scoped3A : memref<!tpu.dma_semaphore, #tpu.memory_space<semaphore_mem>>)
      %dma_wait3A_109 = arith.constant 0 : i32
      %dma_wait3A_110 = tpu.memref_slice %arg11[%mul3A_2, %dma_wait3A_109] : memref<10112x16xf32, #tpu.memory_space<vmem_shared>> -> memref<632x16xf32, #tpu.memory_space<vmem_shared>>
      %dma_wait3A_111 = arith.constant 0 : i32
      %dma_wait3A_112 = tpu.memref_slice %arg11[%mul3A_2, %dma_wait3A_111] : memref<10112x16xf32, #tpu.memory_space<vmem_shared>> -> memref<632x16xf32, #tpu.memory_space<vmem_shared>>
      tpu.wait_dma2 semaphore(%run_scoped3A : memref<!tpu.dma_semaphore, #tpu.memory_space<semaphore_mem>>) src(%dma_wait3A_112 : memref<632x16xf32, #tpu.memory_space<vmem_shared>>) dst(%arg9 : memref<632x16xf32, #tpu.memory_space<vmem>>)
      tpu.yield
    }) : () -> ()
    "tpu.region"() ({
      %run_scoped3A = tpu.sem_alloc : memref<!tpu.dma_semaphore, #tpu.memory_space<semaphore_mem>>
      %dma_start3A_105 = arith.constant 0 : i32
      %dma_start3A_106 = tpu.memref_slice %arg5[%arg0, %mul3A_2, %dma_start3A_105] : memref<2x10112x16xf32, #tpu.memory_space<hbm>> -> memref<1x632x16xf32, #tpu.memory_space<hbm>>
      %dma_start3A_107 = tpu.memref_squeeze %dma_start3A_106 : memref<1x632x16xf32, #tpu.memory_space<hbm>> -> memref<632x16xf32, #tpu.memory_space<hbm>>
      %dma_start3A_108 = arith.constant 0 : i32
      %dma_start3A_109 = tpu.memref_slice %arg5[%arg0, %mul3A_2, %dma_start3A_108] : memref<2x10112x16xf32, #tpu.memory_space<hbm>> -> memref<1x632x16xf32, #tpu.memory_space<hbm>>
      %dma_start3A_110 = tpu.memref_squeeze %dma_start3A_109 : memref<1x632x16xf32, #tpu.memory_space<hbm>> -> memref<632x16xf32, #tpu.memory_space<hbm>>
      tpu.enqueue_dma source(%arg9 : memref<632x16xf32, #tpu.memory_space<vmem>>) target(%dma_start3A_110 : memref<632x16xf32, #tpu.memory_space<hbm>>) target_semaphore(%run_scoped3A : memref<!tpu.dma_semaphore, #tpu.memory_space<semaphore_mem>>)
      %dma_wait3A_111 = arith.constant 0 : i32
      %dma_wait3A_112 = tpu.memref_slice %arg5[%arg0, %mul3A_2, %dma_wait3A_111] : memref<2x10112x16xf32, #tpu.memory_space<hbm>> -> memref<1x632x16xf32, #tpu.memory_space<hbm>>
      %dma_wait3A_113 = tpu.memref_squeeze %dma_wait3A_112 : memref<1x632x16xf32, #tpu.memory_space<hbm>> -> memref<632x16xf32, #tpu.memory_space<hbm>>
      %dma_wait3A_114 = arith.constant 0 : i32
      %dma_wait3A_115 = tpu.memref_slice %arg5[%arg0, %mul3A_2, %dma_wait3A_114] : memref<2x10112x16xf32, #tpu.memory_space<hbm>> -> memref<1x632x16xf32, #tpu.memory_space<hbm>>
      %dma_wait3A_116 = tpu.memref_squeeze %dma_wait3A_115 : memref<1x632x16xf32, #tpu.memory_space<hbm>> -> memref<632x16xf32, #tpu.memory_space<hbm>>
      tpu.wait_dma2 semaphore(%run_scoped3A : memref<!tpu.dma_semaphore, #tpu.memory_space<semaphore_mem>>) src(%arg9 : memref<632x16xf32, #tpu.memory_space<vmem>>) dst(%dma_wait3A_116 : memref<632x16xf32, #tpu.memory_space<hbm>>)
      tpu.yield
    }) : () -> ()
    return
  }
}

#map = affine_map<(d0, d1) -> (0, 0)>
#map1 = affine_map<(d0, d1) -> (0, 0, 0)>
module attributes {stable_mosaic.version = 14 : i64} {
  func.func @body(%arg0: i32, %arg1: i32, %arg2: memref<10112x8xf32, #tpu.memory_space<hbm>>, %arg3: memref<64x160x128xi32, #tpu.memory_space<hbm>>, %arg4: memref<10112x8xf32, #tpu.memory_space<hbm>>, %arg5: memref<2x10112x8xf32, #tpu.memory_space<hbm>>, %arg6: memref<160x128xi32, #tpu.memory_space<vmem>>, %arg7: memref<160x128xi32, #tpu.memory_space<vmem>>, %arg8: memref<8x128x8xf32, #tpu.memory_space<vmem>>, %arg9: memref<632x8xf32, #tpu.memory_space<vmem>>, %arg10: memref<10112x8xf32, #tpu.memory_space<vmem_shared>>, %arg11: memref<10112x8xf32, #tpu.memory_space<vmem_shared>>, %arg12: memref<!tpu.dma_semaphore, #tpu.memory_space<semaphore_mem>>, %arg13: memref<!tpu.dma_semaphore, #tpu.memory_space<semaphore_mem>>) attributes {dimension_semantics = [#tpu.dimension_semantics<core_parallel>, #tpu.dimension_semantics<subcore_parallel>], iteration_bounds = array<i64: 2, 16>, scalar_prefetch = 0 : i64, scratch_operands = 8 : i64, tpu.core_type = #tpu.core_type<sc_vector_subcore>, window_params = [{transform_indices = #map}, {transform_indices = #map1}, {transform_indices = #map}, {transform_indices = #map1}]} {
    %mul3A = arith.constant 16 : i32
    %mul3A_0 = arith.muli %arg0, %mul3A : i32
    %add3A = arith.addi %mul3A_0, %arg1 : i32
    %mul3A_1 = arith.constant 632 : i32
    %mul3A_2 = arith.muli %arg1, %mul3A_1 : i32
    "tpu.region"() ({
      %run_scoped3A = tpu.sem_alloc : memref<!tpu.dma_semaphore, #tpu.memory_space<semaphore_mem>>
      %dma_start3A_105 = arith.constant 0 : i32
      %dma_start3A_106 = tpu.memref_slice %arg4[%mul3A_2, %dma_start3A_105] : memref<10112x8xf32, #tpu.memory_space<hbm>> -> memref<632x8xf32, #tpu.memory_space<hbm>>
      %dma_start3A_107 = arith.constant 0 : i32
      %dma_start3A_108 = tpu.memref_slice %arg4[%mul3A_2, %dma_start3A_107] : memref<10112x8xf32, #tpu.memory_space<hbm>> -> memref<632x8xf32, #tpu.memory_space<hbm>>
      tpu.enqueue_dma source(%dma_start3A_108 : memref<632x8xf32, #tpu.memory_space<hbm>>) target(%arg9 : memref<632x8xf32, #tpu.memory_space<vmem>>) target_semaphore(%run_scoped3A : memref<!tpu.dma_semaphore, #tpu.memory_space<semaphore_mem>>)
      %dma_wait3A_109 = arith.constant 0 : i32
      %dma_wait3A_110 = tpu.memref_slice %arg4[%mul3A_2, %dma_wait3A_109] : memref<10112x8xf32, #tpu.memory_space<hbm>> -> memref<632x8xf32, #tpu.memory_space<hbm>>
      %dma_wait3A_111 = arith.constant 0 : i32
      %dma_wait3A_112 = tpu.memref_slice %arg4[%mul3A_2, %dma_wait3A_111] : memref<10112x8xf32, #tpu.memory_space<hbm>> -> memref<632x8xf32, #tpu.memory_space<hbm>>
      tpu.wait_dma2 semaphore(%run_scoped3A : memref<!tpu.dma_semaphore, #tpu.memory_space<semaphore_mem>>) src(%dma_wait3A_112 : memref<632x8xf32, #tpu.memory_space<hbm>>) dst(%arg9 : memref<632x8xf32, #tpu.memory_space<vmem>>)
      tpu.yield
    }) : () -> ()
    "tpu.region"() ({
      %run_scoped3A = tpu.sem_alloc : memref<!tpu.dma_semaphore, #tpu.memory_space<semaphore_mem>>
      %dma_start3A_105 = arith.constant 0 : i32
      %dma_start3A_106 = tpu.memref_slice %arg11[%mul3A_2, %dma_start3A_105] : memref<10112x8xf32, #tpu.memory_space<vmem_shared>> -> memref<632x8xf32, #tpu.memory_space<vmem_shared>>
      %dma_start3A_107 = arith.constant 0 : i32
      %dma_start3A_108 = tpu.memref_slice %arg11[%mul3A_2, %dma_start3A_107] : memref<10112x8xf32, #tpu.memory_space<vmem_shared>> -> memref<632x8xf32, #tpu.memory_space<vmem_shared>>
      tpu.enqueue_dma source(%arg9 : memref<632x8xf32, #tpu.memory_space<vmem>>) target(%dma_start3A_108 : memref<632x8xf32, #tpu.memory_space<vmem_shared>>) target_semaphore(%run_scoped3A : memref<!tpu.dma_semaphore, #tpu.memory_space<semaphore_mem>>)
      %dma_wait3A_109 = arith.constant 0 : i32
      %dma_wait3A_110 = tpu.memref_slice %arg11[%mul3A_2, %dma_wait3A_109] : memref<10112x8xf32, #tpu.memory_space<vmem_shared>> -> memref<632x8xf32, #tpu.memory_space<vmem_shared>>
      %dma_wait3A_111 = arith.constant 0 : i32
      %dma_wait3A_112 = tpu.memref_slice %arg11[%mul3A_2, %dma_wait3A_111] : memref<10112x8xf32, #tpu.memory_space<vmem_shared>> -> memref<632x8xf32, #tpu.memory_space<vmem_shared>>
      tpu.wait_dma2 semaphore(%run_scoped3A : memref<!tpu.dma_semaphore, #tpu.memory_space<semaphore_mem>>) src(%arg9 : memref<632x8xf32, #tpu.memory_space<vmem>>) dst(%dma_wait3A_112 : memref<632x8xf32, #tpu.memory_space<vmem_shared>>)
      tpu.yield
    }) : () -> ()
    "tpu.region"() ({
      %run_scoped3A = tpu.sem_alloc : memref<!tpu.dma_semaphore, #tpu.memory_space<semaphore_mem>>
      %dma_start3A_105 = arith.constant 0 : i32
      %dma_start3A_106 = tpu.memref_slice %arg2[%mul3A_2, %dma_start3A_105] : memref<10112x8xf32, #tpu.memory_space<hbm>> -> memref<632x8xf32, #tpu.memory_space<hbm>>
      %dma_start3A_107 = arith.constant 0 : i32
      %dma_start3A_108 = tpu.memref_slice %arg2[%mul3A_2, %dma_start3A_107] : memref<10112x8xf32, #tpu.memory_space<hbm>> -> memref<632x8xf32, #tpu.memory_space<hbm>>
      tpu.enqueue_dma source(%dma_start3A_108 : memref<632x8xf32, #tpu.memory_space<hbm>>) target(%arg9 : memref<632x8xf32, #tpu.memory_space<vmem>>) target_semaphore(%run_scoped3A : memref<!tpu.dma_semaphore, #tpu.memory_space<semaphore_mem>>)
      %dma_wait3A_109 = arith.constant 0 : i32
      %dma_wait3A_110 = tpu.memref_slice %arg2[%mul3A_2, %dma_wait3A_109] : memref<10112x8xf32, #tpu.memory_space<hbm>> -> memref<632x8xf32, #tpu.memory_space<hbm>>
      %dma_wait3A_111 = arith.constant 0 : i32
      %dma_wait3A_112 = tpu.memref_slice %arg2[%mul3A_2, %dma_wait3A_111] : memref<10112x8xf32, #tpu.memory_space<hbm>> -> memref<632x8xf32, #tpu.memory_space<hbm>>
      tpu.wait_dma2 semaphore(%run_scoped3A : memref<!tpu.dma_semaphore, #tpu.memory_space<semaphore_mem>>) src(%dma_wait3A_112 : memref<632x8xf32, #tpu.memory_space<hbm>>) dst(%arg9 : memref<632x8xf32, #tpu.memory_space<vmem>>)
      tpu.yield
    }) : () -> ()
    "tpu.region"() ({
      %run_scoped3A = tpu.sem_alloc : memref<!tpu.dma_semaphore, #tpu.memory_space<semaphore_mem>>
      %dma_start3A_105 = arith.constant 0 : i32
      %dma_start3A_106 = tpu.memref_slice %arg10[%mul3A_2, %dma_start3A_105] : memref<10112x8xf32, #tpu.memory_space<vmem_shared>> -> memref<632x8xf32, #tpu.memory_space<vmem_shared>>
      %dma_start3A_107 = arith.constant 0 : i32
      %dma_start3A_108 = tpu.memref_slice %arg10[%mul3A_2, %dma_start3A_107] : memref<10112x8xf32, #tpu.memory_space<vmem_shared>> -> memref<632x8xf32, #tpu.memory_space<vmem_shared>>
      tpu.enqueue_dma source(%arg9 : memref<632x8xf32, #tpu.memory_space<vmem>>) target(%dma_start3A_108 : memref<632x8xf32, #tpu.memory_space<vmem_shared>>) target_semaphore(%run_scoped3A : memref<!tpu.dma_semaphore, #tpu.memory_space<semaphore_mem>>)
      %dma_wait3A_109 = arith.constant 0 : i32
      %dma_wait3A_110 = tpu.memref_slice %arg10[%mul3A_2, %dma_wait3A_109] : memref<10112x8xf32, #tpu.memory_space<vmem_shared>> -> memref<632x8xf32, #tpu.memory_space<vmem_shared>>
      %dma_wait3A_111 = arith.constant 0 : i32
      %dma_wait3A_112 = tpu.memref_slice %arg10[%mul3A_2, %dma_wait3A_111] : memref<10112x8xf32, #tpu.memory_space<vmem_shared>> -> memref<632x8xf32, #tpu.memory_space<vmem_shared>>
      tpu.wait_dma2 semaphore(%run_scoped3A : memref<!tpu.dma_semaphore, #tpu.memory_space<semaphore_mem>>) src(%arg9 : memref<632x8xf32, #tpu.memory_space<vmem>>) dst(%dma_wait3A_112 : memref<632x8xf32, #tpu.memory_space<vmem_shared>>)
      tpu.yield
    }) : () -> ()
    "tpu.region"() ({
      %run_scoped3A = tpu.sem_alloc : memref<!tpu.dma_semaphore, #tpu.memory_space<semaphore_mem>>
      %dma_start3A_105 = arith.constant 0 : i32
      %dma_start3A_106 = arith.constant 0 : i32
      %dma_start3A_107 = tpu.memref_slice %arg3[%add3A, %dma_start3A_105, %dma_start3A_106] : memref<64x160x128xi32, #tpu.memory_space<hbm>> -> memref<1x160x128xi32, #tpu.memory_space<hbm>>
      %dma_start3A_108 = tpu.memref_squeeze %dma_start3A_107 : memref<1x160x128xi32, #tpu.memory_space<hbm>> -> memref<160x128xi32, #tpu.memory_space<hbm>>
      %dma_start3A_109 = arith.constant 0 : i32
      %dma_start3A_110 = arith.constant 0 : i32
      %dma_start3A_111 = tpu.memref_slice %arg3[%add3A, %dma_start3A_109, %dma_start3A_110] : memref<64x160x128xi32, #tpu.memory_space<hbm>> -> memref<1x160x128xi32, #tpu.memory_space<hbm>>
      %dma_start3A_112 = tpu.memref_squeeze %dma_start3A_111 : memref<1x160x128xi32, #tpu.memory_space<hbm>> -> memref<160x128xi32, #tpu.memory_space<hbm>>
      tpu.enqueue_dma source(%dma_start3A_112 : memref<160x128xi32, #tpu.memory_space<hbm>>) target(%arg6 : memref<160x128xi32, #tpu.memory_space<vmem>>) target_semaphore(%run_scoped3A : memref<!tpu.dma_semaphore, #tpu.memory_space<semaphore_mem>>)
      %dma_wait3A_113 = arith.constant 0 : i32
      %dma_wait3A_114 = arith.constant 0 : i32
      %dma_wait3A_115 = tpu.memref_slice %arg3[%add3A, %dma_wait3A_113, %dma_wait3A_114] : memref<64x160x128xi32, #tpu.memory_space<hbm>> -> memref<1x160x128xi32, #tpu.memory_space<hbm>>
      %dma_wait3A_116 = tpu.memref_squeeze %dma_wait3A_115 : memref<1x160x128xi32, #tpu.memory_space<hbm>> -> memref<160x128xi32, #tpu.memory_space<hbm>>
      %dma_wait3A_117 = arith.constant 0 : i32
      %dma_wait3A_118 = arith.constant 0 : i32
      %dma_wait3A_119 = tpu.memref_slice %arg3[%add3A, %dma_wait3A_117, %dma_wait3A_118] : memref<64x160x128xi32, #tpu.memory_space<hbm>> -> memref<1x160x128xi32, #tpu.memory_space<hbm>>
      %dma_wait3A_120 = tpu.memref_squeeze %dma_wait3A_119 : memref<1x160x128xi32, #tpu.memory_space<hbm>> -> memref<160x128xi32, #tpu.memory_space<hbm>>
      tpu.wait_dma2 semaphore(%run_scoped3A : memref<!tpu.dma_semaphore, #tpu.memory_space<semaphore_mem>>) src(%dma_wait3A_120 : memref<160x128xi32, #tpu.memory_space<hbm>>) dst(%arg6 : memref<160x128xi32, #tpu.memory_space<vmem>>)
      tpu.yield
    }) : () -> ()
    %add3A_3 = arith.constant 32 : i32
    %add3A_4 = arith.addi %add3A_3, %add3A : i32
    "tpu.region"() ({
      %run_scoped3A = tpu.sem_alloc : memref<!tpu.dma_semaphore, #tpu.memory_space<semaphore_mem>>
      %dma_start3A_105 = arith.constant 0 : i32
      %dma_start3A_106 = arith.constant 0 : i32
      %dma_start3A_107 = tpu.memref_slice %arg3[%add3A_4, %dma_start3A_105, %dma_start3A_106] : memref<64x160x128xi32, #tpu.memory_space<hbm>> -> memref<1x160x128xi32, #tpu.memory_space<hbm>>
      %dma_start3A_108 = tpu.memref_squeeze %dma_start3A_107 : memref<1x160x128xi32, #tpu.memory_space<hbm>> -> memref<160x128xi32, #tpu.memory_space<hbm>>
      %dma_start3A_109 = arith.constant 0 : i32
      %dma_start3A_110 = arith.constant 0 : i32
      %dma_start3A_111 = tpu.memref_slice %arg3[%add3A_4, %dma_start3A_109, %dma_start3A_110] : memref<64x160x128xi32, #tpu.memory_space<hbm>> -> memref<1x160x128xi32, #tpu.memory_space<hbm>>
      %dma_start3A_112 = tpu.memref_squeeze %dma_start3A_111 : memref<1x160x128xi32, #tpu.memory_space<hbm>> -> memref<160x128xi32, #tpu.memory_space<hbm>>
      tpu.enqueue_dma source(%dma_start3A_112 : memref<160x128xi32, #tpu.memory_space<hbm>>) target(%arg7 : memref<160x128xi32, #tpu.memory_space<vmem>>) target_semaphore(%run_scoped3A : memref<!tpu.dma_semaphore, #tpu.memory_space<semaphore_mem>>)
      %dma_wait3A_113 = arith.constant 0 : i32
      %dma_wait3A_114 = arith.constant 0 : i32
      %dma_wait3A_115 = tpu.memref_slice %arg3[%add3A_4, %dma_wait3A_113, %dma_wait3A_114] : memref<64x160x128xi32, #tpu.memory_space<hbm>> -> memref<1x160x128xi32, #tpu.memory_space<hbm>>
      %dma_wait3A_116 = tpu.memref_squeeze %dma_wait3A_115 : memref<1x160x128xi32, #tpu.memory_space<hbm>> -> memref<160x128xi32, #tpu.memory_space<hbm>>
      %dma_wait3A_117 = arith.constant 0 : i32
      %dma_wait3A_118 = arith.constant 0 : i32
      %dma_wait3A_119 = tpu.memref_slice %arg3[%add3A_4, %dma_wait3A_117, %dma_wait3A_118] : memref<64x160x128xi32, #tpu.memory_space<hbm>> -> memref<1x160x128xi32, #tpu.memory_space<hbm>>
      %dma_wait3A_120 = tpu.memref_squeeze %dma_wait3A_119 : memref<1x160x128xi32, #tpu.memory_space<hbm>> -> memref<160x128xi32, #tpu.memory_space<hbm>>
      tpu.wait_dma2 semaphore(%run_scoped3A : memref<!tpu.dma_semaphore, #tpu.memory_space<semaphore_mem>>) src(%dma_wait3A_120 : memref<160x128xi32, #tpu.memory_space<hbm>>) dst(%arg7 : memref<160x128xi32, #tpu.memory_space<vmem>>)
      tpu.yield
    }) : () -> ()
    %barrier3A = arith.constant 0 : index
    tpu.barrier barrier_id(%barrier3A)
    %dma_start3A = arith.constant 0 : i32
    %dma_start3A_5 = arith.constant 0 : i32
    %dma_start3A_6 = arith.constant 0 : i32
    %dma_start3A_7 = arith.constant 0 : i32
    %dma_start3A_8 = tpu.memref_slice %arg8[%dma_start3A_5, %dma_start3A_6, %dma_start3A_7] : memref<8x128x8xf32, #tpu.memory_space<vmem>> -> memref<1x128x8xf32, #tpu.memory_space<vmem>>
    %dma_start3A_9 = tpu.memref_squeeze %dma_start3A_8 : memref<1x128x8xf32, #tpu.memory_space<vmem>> -> memref<128x8xf32, #tpu.memory_space<vmem>>
    %dma_start3A_10 = arith.constant 0 : i32
    %dma_start3A_11 = tpu.memref_slice %arg6[%dma_start3A, %dma_start3A_10] : memref<160x128xi32, #tpu.memory_space<vmem>> -> memref<1x128xi32, #tpu.memory_space<vmem>>
    %dma_start3A_12 = tpu.memref_squeeze %dma_start3A_11 : memref<1x128xi32, #tpu.memory_space<vmem>> -> memref<128xi32, #tpu.memory_space<vmem>>
    %dma_start3A_13 = arith.constant 0 : i32
    %dma_start3A_14 = arith.constant 0 : i32
    %dma_start3A_15 = tpu.memref_slice %arg10[%dma_start3A_13, %dma_start3A_14] : memref<10112x8xf32, #tpu.memory_space<vmem_shared>> -> memref<10112x8xf32, #tpu.memory_space<vmem_shared>>
    tpu.enqueue_indirect_dma source(%dma_start3A_15 : memref<10112x8xf32, #tpu.memory_space<vmem_shared>>) target(%dma_start3A_9 : memref<128x8xf32, #tpu.memory_space<vmem>>) offsets(%dma_start3A_12 : memref<128xi32, #tpu.memory_space<vmem>>) semaphore(%arg12 : memref<!tpu.dma_semaphore, #tpu.memory_space<semaphore_mem>>)
    %dma_start3A_16 = arith.constant 1 : i32
    %dma_start3A_17 = arith.constant 1 : i32
    %dma_start3A_18 = arith.constant 0 : i32
    %dma_start3A_19 = arith.constant 0 : i32
    %dma_start3A_20 = tpu.memref_slice %arg8[%dma_start3A_17, %dma_start3A_18, %dma_start3A_19] : memref<8x128x8xf32, #tpu.memory_space<vmem>> -> memref<1x128x8xf32, #tpu.memory_space<vmem>>
    %dma_start3A_21 = tpu.memref_squeeze %dma_start3A_20 : memref<1x128x8xf32, #tpu.memory_space<vmem>> -> memref<128x8xf32, #tpu.memory_space<vmem>>
    %dma_start3A_22 = arith.constant 0 : i32
    %dma_start3A_23 = tpu.memref_slice %arg6[%dma_start3A_16, %dma_start3A_22] : memref<160x128xi32, #tpu.memory_space<vmem>> -> memref<1x128xi32, #tpu.memory_space<vmem>>
    %dma_start3A_24 = tpu.memref_squeeze %dma_start3A_23 : memref<1x128xi32, #tpu.memory_space<vmem>> -> memref<128xi32, #tpu.memory_space<vmem>>
    %dma_start3A_25 = arith.constant 0 : i32
    %dma_start3A_26 = arith.constant 0 : i32
    %dma_start3A_27 = tpu.memref_slice %arg10[%dma_start3A_25, %dma_start3A_26] : memref<10112x8xf32, #tpu.memory_space<vmem_shared>> -> memref<10112x8xf32, #tpu.memory_space<vmem_shared>>
    tpu.enqueue_indirect_dma source(%dma_start3A_27 : memref<10112x8xf32, #tpu.memory_space<vmem_shared>>) target(%dma_start3A_21 : memref<128x8xf32, #tpu.memory_space<vmem>>) offsets(%dma_start3A_24 : memref<128xi32, #tpu.memory_space<vmem>>) semaphore(%arg12 : memref<!tpu.dma_semaphore, #tpu.memory_space<semaphore_mem>>)
    %dma_start3A_28 = arith.constant 2 : i32
    %dma_start3A_29 = arith.constant 2 : i32
    %dma_start3A_30 = arith.constant 0 : i32
    %dma_start3A_31 = arith.constant 0 : i32
    %dma_start3A_32 = tpu.memref_slice %arg8[%dma_start3A_29, %dma_start3A_30, %dma_start3A_31] : memref<8x128x8xf32, #tpu.memory_space<vmem>> -> memref<1x128x8xf32, #tpu.memory_space<vmem>>
    %dma_start3A_33 = tpu.memref_squeeze %dma_start3A_32 : memref<1x128x8xf32, #tpu.memory_space<vmem>> -> memref<128x8xf32, #tpu.memory_space<vmem>>
    %dma_start3A_34 = arith.constant 0 : i32
    %dma_start3A_35 = tpu.memref_slice %arg6[%dma_start3A_28, %dma_start3A_34] : memref<160x128xi32, #tpu.memory_space<vmem>> -> memref<1x128xi32, #tpu.memory_space<vmem>>
    %dma_start3A_36 = tpu.memref_squeeze %dma_start3A_35 : memref<1x128xi32, #tpu.memory_space<vmem>> -> memref<128xi32, #tpu.memory_space<vmem>>
    %dma_start3A_37 = arith.constant 0 : i32
    %dma_start3A_38 = arith.constant 0 : i32
    %dma_start3A_39 = tpu.memref_slice %arg10[%dma_start3A_37, %dma_start3A_38] : memref<10112x8xf32, #tpu.memory_space<vmem_shared>> -> memref<10112x8xf32, #tpu.memory_space<vmem_shared>>
    tpu.enqueue_indirect_dma source(%dma_start3A_39 : memref<10112x8xf32, #tpu.memory_space<vmem_shared>>) target(%dma_start3A_33 : memref<128x8xf32, #tpu.memory_space<vmem>>) offsets(%dma_start3A_36 : memref<128xi32, #tpu.memory_space<vmem>>) semaphore(%arg12 : memref<!tpu.dma_semaphore, #tpu.memory_space<semaphore_mem>>)
    %dma_start3A_40 = arith.constant 3 : i32
    %dma_start3A_41 = arith.constant 3 : i32
    %dma_start3A_42 = arith.constant 0 : i32
    %dma_start3A_43 = arith.constant 0 : i32
    %dma_start3A_44 = tpu.memref_slice %arg8[%dma_start3A_41, %dma_start3A_42, %dma_start3A_43] : memref<8x128x8xf32, #tpu.memory_space<vmem>> -> memref<1x128x8xf32, #tpu.memory_space<vmem>>
    %dma_start3A_45 = tpu.memref_squeeze %dma_start3A_44 : memref<1x128x8xf32, #tpu.memory_space<vmem>> -> memref<128x8xf32, #tpu.memory_space<vmem>>
    %dma_start3A_46 = arith.constant 0 : i32
    %dma_start3A_47 = tpu.memref_slice %arg6[%dma_start3A_40, %dma_start3A_46] : memref<160x128xi32, #tpu.memory_space<vmem>> -> memref<1x128xi32, #tpu.memory_space<vmem>>
    %dma_start3A_48 = tpu.memref_squeeze %dma_start3A_47 : memref<1x128xi32, #tpu.memory_space<vmem>> -> memref<128xi32, #tpu.memory_space<vmem>>
    %dma_start3A_49 = arith.constant 0 : i32
    %dma_start3A_50 = arith.constant 0 : i32
    %dma_start3A_51 = tpu.memref_slice %arg10[%dma_start3A_49, %dma_start3A_50] : memref<10112x8xf32, #tpu.memory_space<vmem_shared>> -> memref<10112x8xf32, #tpu.memory_space<vmem_shared>>
    tpu.enqueue_indirect_dma source(%dma_start3A_51 : memref<10112x8xf32, #tpu.memory_space<vmem_shared>>) target(%dma_start3A_45 : memref<128x8xf32, #tpu.memory_space<vmem>>) offsets(%dma_start3A_48 : memref<128xi32, #tpu.memory_space<vmem>>) semaphore(%arg12 : memref<!tpu.dma_semaphore, #tpu.memory_space<semaphore_mem>>)
    %scan3A = arith.constant 0 : i32
    %scan3A_52 = arith.constant 0 : i32
    %scan3A_53 = arith.constant 20 : i32
    %scan3A_54 = arith.addi %scan3A_52, %scan3A_53 : i32
    %scan3A_55 = arith.constant 1 : i32
    scf.for %scan3A_105 = %scan3A_52 to %scan3A_54 step %scan3A_55  : i32 {
      %mul3A_106 = arith.constant 2 : i32
      %mul3A_107 = arith.muli %mul3A_106, %scan3A_105 : i32
      %mul3A_108 = arith.constant 2 : i32
      %mul3A_109 = arith.muli %mul3A_108, %scan3A_105 : i32
      %add3A_110 = arith.constant 1 : i32
      %add3A_111 = arith.addi %mul3A_109, %add3A_110 : i32
      %ge3A = arith.constant 1 : i32
      %ge3A_112 = arith.cmpi sge, %scan3A_105, %ge3A : i32
      %convert_element_type3A = arith.extui %ge3A_112 : i1 to i32
      %cond3A = arith.constant 0 : i32
      %cond3A_113 = arith.cmpi ne, %convert_element_type3A, %cond3A : i32
      scf.if %cond3A_113 {
        %dma_wait3A_444 = arith.constant 0 : i32
        %dma_wait3A_445 = arith.constant 0 : i32
        %dma_wait3A_446 = arith.constant 0 : i32
        %dma_wait3A_447 = arith.constant 0 : i32
        %dma_wait3A_448 = tpu.memref_slice %arg8[%dma_wait3A_445, %dma_wait3A_446, %dma_wait3A_447] : memref<8x128x8xf32, #tpu.memory_space<vmem>> -> memref<1x128x8xf32, #tpu.memory_space<vmem>>
        %dma_wait3A_449 = tpu.memref_squeeze %dma_wait3A_448 : memref<1x128x8xf32, #tpu.memory_space<vmem>> -> memref<128x8xf32, #tpu.memory_space<vmem>>
        %dma_wait3A_450 = arith.constant 0 : i32
        %dma_wait3A_451 = tpu.memref_slice %arg6[%dma_wait3A_444, %dma_wait3A_450] : memref<160x128xi32, #tpu.memory_space<vmem>> -> memref<1x128xi32, #tpu.memory_space<vmem>>
        %dma_wait3A_452 = tpu.memref_squeeze %dma_wait3A_451 : memref<1x128xi32, #tpu.memory_space<vmem>> -> memref<128xi32, #tpu.memory_space<vmem>>
        %dma_wait3A_453 = arith.constant 0 : i32
        %dma_wait3A_454 = arith.constant 0 : i32
        %dma_wait3A_455 = tpu.memref_slice %arg10[%dma_wait3A_453, %dma_wait3A_454] : memref<10112x8xf32, #tpu.memory_space<vmem_shared>> -> memref<10112x8xf32, #tpu.memory_space<vmem_shared>>
        tpu.wait_indirect_dma semaphore(%arg13 : memref<!tpu.dma_semaphore, #tpu.memory_space<semaphore_mem>>) src(%dma_wait3A_455 : memref<10112x8xf32, #tpu.memory_space<vmem_shared>>) dst(%dma_wait3A_449 : memref<128x8xf32, #tpu.memory_space<vmem>>)
        %dma_wait3A_456 = arith.constant 0 : i32
        %dma_wait3A_457 = arith.constant 0 : i32
        %dma_wait3A_458 = arith.constant 0 : i32
        %dma_wait3A_459 = arith.constant 0 : i32
        %dma_wait3A_460 = tpu.memref_slice %arg8[%dma_wait3A_457, %dma_wait3A_458, %dma_wait3A_459] : memref<8x128x8xf32, #tpu.memory_space<vmem>> -> memref<1x128x8xf32, #tpu.memory_space<vmem>>
        %dma_wait3A_461 = tpu.memref_squeeze %dma_wait3A_460 : memref<1x128x8xf32, #tpu.memory_space<vmem>> -> memref<128x8xf32, #tpu.memory_space<vmem>>
        %dma_wait3A_462 = arith.constant 0 : i32
        %dma_wait3A_463 = tpu.memref_slice %arg6[%dma_wait3A_456, %dma_wait3A_462] : memref<160x128xi32, #tpu.memory_space<vmem>> -> memref<1x128xi32, #tpu.memory_space<vmem>>
        %dma_wait3A_464 = tpu.memref_squeeze %dma_wait3A_463 : memref<1x128xi32, #tpu.memory_space<vmem>> -> memref<128xi32, #tpu.memory_space<vmem>>
        %dma_wait3A_465 = arith.constant 0 : i32
        %dma_wait3A_466 = arith.constant 0 : i32
        %dma_wait3A_467 = tpu.memref_slice %arg10[%dma_wait3A_465, %dma_wait3A_466] : memref<10112x8xf32, #tpu.memory_space<vmem_shared>> -> memref<10112x8xf32, #tpu.memory_space<vmem_shared>>
        tpu.wait_indirect_dma semaphore(%arg13 : memref<!tpu.dma_semaphore, #tpu.memory_space<semaphore_mem>>) src(%dma_wait3A_467 : memref<10112x8xf32, #tpu.memory_space<vmem_shared>>) dst(%dma_wait3A_461 : memref<128x8xf32, #tpu.memory_space<vmem>>)
        %dma_wait3A_468 = arith.constant 0 : i32
        %dma_wait3A_469 = arith.constant 0 : i32
        %dma_wait3A_470 = arith.constant 0 : i32
        %dma_wait3A_471 = arith.constant 0 : i32
        %dma_wait3A_472 = tpu.memref_slice %arg8[%dma_wait3A_469, %dma_wait3A_470, %dma_wait3A_471] : memref<8x128x8xf32, #tpu.memory_space<vmem>> -> memref<1x128x8xf32, #tpu.memory_space<vmem>>
        %dma_wait3A_473 = tpu.memref_squeeze %dma_wait3A_472 : memref<1x128x8xf32, #tpu.memory_space<vmem>> -> memref<128x8xf32, #tpu.memory_space<vmem>>
        %dma_wait3A_474 = arith.constant 0 : i32
        %dma_wait3A_475 = tpu.memref_slice %arg6[%dma_wait3A_468, %dma_wait3A_474] : memref<160x128xi32, #tpu.memory_space<vmem>> -> memref<1x128xi32, #tpu.memory_space<vmem>>
        %dma_wait3A_476 = tpu.memref_squeeze %dma_wait3A_475 : memref<1x128xi32, #tpu.memory_space<vmem>> -> memref<128xi32, #tpu.memory_space<vmem>>
        %dma_wait3A_477 = arith.constant 0 : i32
        %dma_wait3A_478 = arith.constant 0 : i32
        %dma_wait3A_479 = tpu.memref_slice %arg10[%dma_wait3A_477, %dma_wait3A_478] : memref<10112x8xf32, #tpu.memory_space<vmem_shared>> -> memref<10112x8xf32, #tpu.memory_space<vmem_shared>>
        tpu.wait_indirect_dma semaphore(%arg13 : memref<!tpu.dma_semaphore, #tpu.memory_space<semaphore_mem>>) src(%dma_wait3A_479 : memref<10112x8xf32, #tpu.memory_space<vmem_shared>>) dst(%dma_wait3A_473 : memref<128x8xf32, #tpu.memory_space<vmem>>)
        %dma_wait3A_480 = arith.constant 0 : i32
        %dma_wait3A_481 = arith.constant 0 : i32
        %dma_wait3A_482 = arith.constant 0 : i32
        %dma_wait3A_483 = arith.constant 0 : i32
        %dma_wait3A_484 = tpu.memref_slice %arg8[%dma_wait3A_481, %dma_wait3A_482, %dma_wait3A_483] : memref<8x128x8xf32, #tpu.memory_space<vmem>> -> memref<1x128x8xf32, #tpu.memory_space<vmem>>
        %dma_wait3A_485 = tpu.memref_squeeze %dma_wait3A_484 : memref<1x128x8xf32, #tpu.memory_space<vmem>> -> memref<128x8xf32, #tpu.memory_space<vmem>>
        %dma_wait3A_486 = arith.constant 0 : i32
        %dma_wait3A_487 = tpu.memref_slice %arg6[%dma_wait3A_480, %dma_wait3A_486] : memref<160x128xi32, #tpu.memory_space<vmem>> -> memref<1x128xi32, #tpu.memory_space<vmem>>
        %dma_wait3A_488 = tpu.memref_squeeze %dma_wait3A_487 : memref<1x128xi32, #tpu.memory_space<vmem>> -> memref<128xi32, #tpu.memory_space<vmem>>
        %dma_wait3A_489 = arith.constant 0 : i32
        %dma_wait3A_490 = arith.constant 0 : i32
        %dma_wait3A_491 = tpu.memref_slice %arg10[%dma_wait3A_489, %dma_wait3A_490] : memref<10112x8xf32, #tpu.memory_space<vmem_shared>> -> memref<10112x8xf32, #tpu.memory_space<vmem_shared>>
        tpu.wait_indirect_dma semaphore(%arg13 : memref<!tpu.dma_semaphore, #tpu.memory_space<semaphore_mem>>) src(%dma_wait3A_491 : memref<10112x8xf32, #tpu.memory_space<vmem_shared>>) dst(%dma_wait3A_485 : memref<128x8xf32, #tpu.memory_space<vmem>>)
      } else {
      }
      %mul3A_114 = arith.constant 4 : i32
      %mul3A_115 = arith.muli %add3A_111, %mul3A_114 : i32
      %add3A_116 = arith.constant 0 : i32
      %add3A_117 = arith.addi %mul3A_115, %add3A_116 : i32
      %dma_start3A_118 = arith.constant 4 : i32
      %dma_start3A_119 = arith.constant 0 : i32
      %dma_start3A_120 = arith.constant 0 : i32
      %dma_start3A_121 = tpu.memref_slice %arg8[%dma_start3A_118, %dma_start3A_119, %dma_start3A_120] : memref<8x128x8xf32, #tpu.memory_space<vmem>> -> memref<1x128x8xf32, #tpu.memory_space<vmem>>
      %dma_start3A_122 = tpu.memref_squeeze %dma_start3A_121 : memref<1x128x8xf32, #tpu.memory_space<vmem>> -> memref<128x8xf32, #tpu.memory_space<vmem>>
      %dma_start3A_123 = arith.constant 0 : i32
      %dma_start3A_124 = tpu.memref_slice %arg6[%add3A_117, %dma_start3A_123] : memref<160x128xi32, #tpu.memory_space<vmem>> -> memref<1x128xi32, #tpu.memory_space<vmem>>
      %dma_start3A_125 = tpu.memref_squeeze %dma_start3A_124 : memref<1x128xi32, #tpu.memory_space<vmem>> -> memref<128xi32, #tpu.memory_space<vmem>>
      %dma_start3A_126 = arith.constant 0 : i32
      %dma_start3A_127 = arith.constant 0 : i32
      %dma_start3A_128 = tpu.memref_slice %arg10[%dma_start3A_126, %dma_start3A_127] : memref<10112x8xf32, #tpu.memory_space<vmem_shared>> -> memref<10112x8xf32, #tpu.memory_space<vmem_shared>>
      tpu.enqueue_indirect_dma source(%dma_start3A_128 : memref<10112x8xf32, #tpu.memory_space<vmem_shared>>) target(%dma_start3A_122 : memref<128x8xf32, #tpu.memory_space<vmem>>) offsets(%dma_start3A_125 : memref<128xi32, #tpu.memory_space<vmem>>) semaphore(%arg12 : memref<!tpu.dma_semaphore, #tpu.memory_space<semaphore_mem>>)
      %mul3A_129 = arith.constant 4 : i32
      %mul3A_130 = arith.muli %add3A_111, %mul3A_129 : i32
      %add3A_131 = arith.constant 1 : i32
      %add3A_132 = arith.addi %mul3A_130, %add3A_131 : i32
      %dma_start3A_133 = arith.constant 5 : i32
      %dma_start3A_134 = arith.constant 0 : i32
      %dma_start3A_135 = arith.constant 0 : i32
      %dma_start3A_136 = tpu.memref_slice %arg8[%dma_start3A_133, %dma_start3A_134, %dma_start3A_135] : memref<8x128x8xf32, #tpu.memory_space<vmem>> -> memref<1x128x8xf32, #tpu.memory_space<vmem>>
      %dma_start3A_137 = tpu.memref_squeeze %dma_start3A_136 : memref<1x128x8xf32, #tpu.memory_space<vmem>> -> memref<128x8xf32, #tpu.memory_space<vmem>>
      %dma_start3A_138 = arith.constant 0 : i32
      %dma_start3A_139 = tpu.memref_slice %arg6[%add3A_132, %dma_start3A_138] : memref<160x128xi32, #tpu.memory_space<vmem>> -> memref<1x128xi32, #tpu.memory_space<vmem>>
      %dma_start3A_140 = tpu.memref_squeeze %dma_start3A_139 : memref<1x128xi32, #tpu.memory_space<vmem>> -> memref<128xi32, #tpu.memory_space<vmem>>
      %dma_start3A_141 = arith.constant 0 : i32
      %dma_start3A_142 = arith.constant 0 : i32
      %dma_start3A_143 = tpu.memref_slice %arg10[%dma_start3A_141, %dma_start3A_142] : memref<10112x8xf32, #tpu.memory_space<vmem_shared>> -> memref<10112x8xf32, #tpu.memory_space<vmem_shared>>
      tpu.enqueue_indirect_dma source(%dma_start3A_143 : memref<10112x8xf32, #tpu.memory_space<vmem_shared>>) target(%dma_start3A_137 : memref<128x8xf32, #tpu.memory_space<vmem>>) offsets(%dma_start3A_140 : memref<128xi32, #tpu.memory_space<vmem>>) semaphore(%arg12 : memref<!tpu.dma_semaphore, #tpu.memory_space<semaphore_mem>>)
      %mul3A_144 = arith.constant 4 : i32
      %mul3A_145 = arith.muli %add3A_111, %mul3A_144 : i32
      %add3A_146 = arith.constant 2 : i32
      %add3A_147 = arith.addi %mul3A_145, %add3A_146 : i32
      %dma_start3A_148 = arith.constant 6 : i32
      %dma_start3A_149 = arith.constant 0 : i32
      %dma_start3A_150 = arith.constant 0 : i32
      %dma_start3A_151 = tpu.memref_slice %arg8[%dma_start3A_148, %dma_start3A_149, %dma_start3A_150] : memref<8x128x8xf32, #tpu.memory_space<vmem>> -> memref<1x128x8xf32, #tpu.memory_space<vmem>>
      %dma_start3A_152 = tpu.memref_squeeze %dma_start3A_151 : memref<1x128x8xf32, #tpu.memory_space<vmem>> -> memref<128x8xf32, #tpu.memory_space<vmem>>
      %dma_start3A_153 = arith.constant 0 : i32
      %dma_start3A_154 = tpu.memref_slice %arg6[%add3A_147, %dma_start3A_153] : memref<160x128xi32, #tpu.memory_space<vmem>> -> memref<1x128xi32, #tpu.memory_space<vmem>>
      %dma_start3A_155 = tpu.memref_squeeze %dma_start3A_154 : memref<1x128xi32, #tpu.memory_space<vmem>> -> memref<128xi32, #tpu.memory_space<vmem>>
      %dma_start3A_156 = arith.constant 0 : i32
      %dma_start3A_157 = arith.constant 0 : i32
      %dma_start3A_158 = tpu.memref_slice %arg10[%dma_start3A_156, %dma_start3A_157] : memref<10112x8xf32, #tpu.memory_space<vmem_shared>> -> memref<10112x8xf32, #tpu.memory_space<vmem_shared>>
      tpu.enqueue_indirect_dma source(%dma_start3A_158 : memref<10112x8xf32, #tpu.memory_space<vmem_shared>>) target(%dma_start3A_152 : memref<128x8xf32, #tpu.memory_space<vmem>>) offsets(%dma_start3A_155 : memref<128xi32, #tpu.memory_space<vmem>>) semaphore(%arg12 : memref<!tpu.dma_semaphore, #tpu.memory_space<semaphore_mem>>)
      %mul3A_159 = arith.constant 4 : i32
      %mul3A_160 = arith.muli %add3A_111, %mul3A_159 : i32
      %add3A_161 = arith.constant 3 : i32
      %add3A_162 = arith.addi %mul3A_160, %add3A_161 : i32
      %dma_start3A_163 = arith.constant 7 : i32
      %dma_start3A_164 = arith.constant 0 : i32
      %dma_start3A_165 = arith.constant 0 : i32
      %dma_start3A_166 = tpu.memref_slice %arg8[%dma_start3A_163, %dma_start3A_164, %dma_start3A_165] : memref<8x128x8xf32, #tpu.memory_space<vmem>> -> memref<1x128x8xf32, #tpu.memory_space<vmem>>
      %dma_start3A_167 = tpu.memref_squeeze %dma_start3A_166 : memref<1x128x8xf32, #tpu.memory_space<vmem>> -> memref<128x8xf32, #tpu.memory_space<vmem>>
      %dma_start3A_168 = arith.constant 0 : i32
      %dma_start3A_169 = tpu.memref_slice %arg6[%add3A_162, %dma_start3A_168] : memref<160x128xi32, #tpu.memory_space<vmem>> -> memref<1x128xi32, #tpu.memory_space<vmem>>
      %dma_start3A_170 = tpu.memref_squeeze %dma_start3A_169 : memref<1x128xi32, #tpu.memory_space<vmem>> -> memref<128xi32, #tpu.memory_space<vmem>>
      %dma_start3A_171 = arith.constant 0 : i32
      %dma_start3A_172 = arith.constant 0 : i32
      %dma_start3A_173 = tpu.memref_slice %arg10[%dma_start3A_171, %dma_start3A_172] : memref<10112x8xf32, #tpu.memory_space<vmem_shared>> -> memref<10112x8xf32, #tpu.memory_space<vmem_shared>>
      tpu.enqueue_indirect_dma source(%dma_start3A_173 : memref<10112x8xf32, #tpu.memory_space<vmem_shared>>) target(%dma_start3A_167 : memref<128x8xf32, #tpu.memory_space<vmem>>) offsets(%dma_start3A_170 : memref<128xi32, #tpu.memory_space<vmem>>) semaphore(%arg12 : memref<!tpu.dma_semaphore, #tpu.memory_space<semaphore_mem>>)
      %dma_wait3A_174 = arith.constant 0 : i32
      %dma_wait3A_175 = arith.constant 0 : i32
      %dma_wait3A_176 = arith.constant 0 : i32
      %dma_wait3A_177 = arith.constant 0 : i32
      %dma_wait3A_178 = tpu.memref_slice %arg8[%dma_wait3A_175, %dma_wait3A_176, %dma_wait3A_177] : memref<8x128x8xf32, #tpu.memory_space<vmem>> -> memref<1x128x8xf32, #tpu.memory_space<vmem>>
      %dma_wait3A_179 = tpu.memref_squeeze %dma_wait3A_178 : memref<1x128x8xf32, #tpu.memory_space<vmem>> -> memref<128x8xf32, #tpu.memory_space<vmem>>
      %dma_wait3A_180 = arith.constant 0 : i32
      %dma_wait3A_181 = tpu.memref_slice %arg6[%dma_wait3A_174, %dma_wait3A_180] : memref<160x128xi32, #tpu.memory_space<vmem>> -> memref<1x128xi32, #tpu.memory_space<vmem>>
      %dma_wait3A_182 = tpu.memref_squeeze %dma_wait3A_181 : memref<1x128xi32, #tpu.memory_space<vmem>> -> memref<128xi32, #tpu.memory_space<vmem>>
      %dma_wait3A_183 = arith.constant 0 : i32
      %dma_wait3A_184 = arith.constant 0 : i32
      %dma_wait3A_185 = tpu.memref_slice %arg10[%dma_wait3A_183, %dma_wait3A_184] : memref<10112x8xf32, #tpu.memory_space<vmem_shared>> -> memref<10112x8xf32, #tpu.memory_space<vmem_shared>>
      tpu.wait_indirect_dma semaphore(%arg12 : memref<!tpu.dma_semaphore, #tpu.memory_space<semaphore_mem>>) src(%dma_wait3A_185 : memref<10112x8xf32, #tpu.memory_space<vmem_shared>>) dst(%dma_wait3A_179 : memref<128x8xf32, #tpu.memory_space<vmem>>)
      %dma_wait3A_186 = arith.constant 0 : i32
      %dma_wait3A_187 = arith.constant 0 : i32
      %dma_wait3A_188 = arith.constant 0 : i32
      %dma_wait3A_189 = arith.constant 0 : i32
      %dma_wait3A_190 = tpu.memref_slice %arg8[%dma_wait3A_187, %dma_wait3A_188, %dma_wait3A_189] : memref<8x128x8xf32, #tpu.memory_space<vmem>> -> memref<1x128x8xf32, #tpu.memory_space<vmem>>
      %dma_wait3A_191 = tpu.memref_squeeze %dma_wait3A_190 : memref<1x128x8xf32, #tpu.memory_space<vmem>> -> memref<128x8xf32, #tpu.memory_space<vmem>>
      %dma_wait3A_192 = arith.constant 0 : i32
      %dma_wait3A_193 = tpu.memref_slice %arg6[%dma_wait3A_186, %dma_wait3A_192] : memref<160x128xi32, #tpu.memory_space<vmem>> -> memref<1x128xi32, #tpu.memory_space<vmem>>
      %dma_wait3A_194 = tpu.memref_squeeze %dma_wait3A_193 : memref<1x128xi32, #tpu.memory_space<vmem>> -> memref<128xi32, #tpu.memory_space<vmem>>
      %dma_wait3A_195 = arith.constant 0 : i32
      %dma_wait3A_196 = arith.constant 0 : i32
      %dma_wait3A_197 = tpu.memref_slice %arg10[%dma_wait3A_195, %dma_wait3A_196] : memref<10112x8xf32, #tpu.memory_space<vmem_shared>> -> memref<10112x8xf32, #tpu.memory_space<vmem_shared>>
      tpu.wait_indirect_dma semaphore(%arg12 : memref<!tpu.dma_semaphore, #tpu.memory_space<semaphore_mem>>) src(%dma_wait3A_197 : memref<10112x8xf32, #tpu.memory_space<vmem_shared>>) dst(%dma_wait3A_191 : memref<128x8xf32, #tpu.memory_space<vmem>>)
      %dma_wait3A_198 = arith.constant 0 : i32
      %dma_wait3A_199 = arith.constant 0 : i32
      %dma_wait3A_200 = arith.constant 0 : i32
      %dma_wait3A_201 = arith.constant 0 : i32
      %dma_wait3A_202 = tpu.memref_slice %arg8[%dma_wait3A_199, %dma_wait3A_200, %dma_wait3A_201] : memref<8x128x8xf32, #tpu.memory_space<vmem>> -> memref<1x128x8xf32, #tpu.memory_space<vmem>>
      %dma_wait3A_203 = tpu.memref_squeeze %dma_wait3A_202 : memref<1x128x8xf32, #tpu.memory_space<vmem>> -> memref<128x8xf32, #tpu.memory_space<vmem>>
      %dma_wait3A_204 = arith.constant 0 : i32
      %dma_wait3A_205 = tpu.memref_slice %arg6[%dma_wait3A_198, %dma_wait3A_204] : memref<160x128xi32, #tpu.memory_space<vmem>> -> memref<1x128xi32, #tpu.memory_space<vmem>>
      %dma_wait3A_206 = tpu.memref_squeeze %dma_wait3A_205 : memref<1x128xi32, #tpu.memory_space<vmem>> -> memref<128xi32, #tpu.memory_space<vmem>>
      %dma_wait3A_207 = arith.constant 0 : i32
      %dma_wait3A_208 = arith.constant 0 : i32
      %dma_wait3A_209 = tpu.memref_slice %arg10[%dma_wait3A_207, %dma_wait3A_208] : memref<10112x8xf32, #tpu.memory_space<vmem_shared>> -> memref<10112x8xf32, #tpu.memory_space<vmem_shared>>
      tpu.wait_indirect_dma semaphore(%arg12 : memref<!tpu.dma_semaphore, #tpu.memory_space<semaphore_mem>>) src(%dma_wait3A_209 : memref<10112x8xf32, #tpu.memory_space<vmem_shared>>) dst(%dma_wait3A_203 : memref<128x8xf32, #tpu.memory_space<vmem>>)
      %dma_wait3A_210 = arith.constant 0 : i32
      %dma_wait3A_211 = arith.constant 0 : i32
      %dma_wait3A_212 = arith.constant 0 : i32
      %dma_wait3A_213 = arith.constant 0 : i32
      %dma_wait3A_214 = tpu.memref_slice %arg8[%dma_wait3A_211, %dma_wait3A_212, %dma_wait3A_213] : memref<8x128x8xf32, #tpu.memory_space<vmem>> -> memref<1x128x8xf32, #tpu.memory_space<vmem>>
      %dma_wait3A_215 = tpu.memref_squeeze %dma_wait3A_214 : memref<1x128x8xf32, #tpu.memory_space<vmem>> -> memref<128x8xf32, #tpu.memory_space<vmem>>
      %dma_wait3A_216 = arith.constant 0 : i32
      %dma_wait3A_217 = tpu.memref_slice %arg6[%dma_wait3A_210, %dma_wait3A_216] : memref<160x128xi32, #tpu.memory_space<vmem>> -> memref<1x128xi32, #tpu.memory_space<vmem>>
      %dma_wait3A_218 = tpu.memref_squeeze %dma_wait3A_217 : memref<1x128xi32, #tpu.memory_space<vmem>> -> memref<128xi32, #tpu.memory_space<vmem>>
      %dma_wait3A_219 = arith.constant 0 : i32
      %dma_wait3A_220 = arith.constant 0 : i32
      %dma_wait3A_221 = tpu.memref_slice %arg10[%dma_wait3A_219, %dma_wait3A_220] : memref<10112x8xf32, #tpu.memory_space<vmem_shared>> -> memref<10112x8xf32, #tpu.memory_space<vmem_shared>>
      tpu.wait_indirect_dma semaphore(%arg12 : memref<!tpu.dma_semaphore, #tpu.memory_space<semaphore_mem>>) src(%dma_wait3A_221 : memref<10112x8xf32, #tpu.memory_space<vmem_shared>>) dst(%dma_wait3A_215 : memref<128x8xf32, #tpu.memory_space<vmem>>)
      %mul3A_222 = arith.constant 4 : i32
      %mul3A_223 = arith.muli %mul3A_107, %mul3A_222 : i32
      %add3A_224 = arith.constant 0 : i32
      %add3A_225 = arith.addi %mul3A_223, %add3A_224 : i32
      %dma_start3A_226 = arith.constant 0 : i32
      %dma_start3A_227 = arith.constant 0 : i32
      %dma_start3A_228 = arith.constant 0 : i32
      %dma_start3A_229 = tpu.memref_slice %arg8[%dma_start3A_226, %dma_start3A_227, %dma_start3A_228] : memref<8x128x8xf32, #tpu.memory_space<vmem>> -> memref<1x128x8xf32, #tpu.memory_space<vmem>>
      %dma_start3A_230 = tpu.memref_squeeze %dma_start3A_229 : memref<1x128x8xf32, #tpu.memory_space<vmem>> -> memref<128x8xf32, #tpu.memory_space<vmem>>
      %dma_start3A_231 = arith.constant 0 : i32
      %dma_start3A_232 = tpu.memref_slice %arg7[%add3A_225, %dma_start3A_231] : memref<160x128xi32, #tpu.memory_space<vmem>> -> memref<1x128xi32, #tpu.memory_space<vmem>>
      %dma_start3A_233 = tpu.memref_squeeze %dma_start3A_232 : memref<1x128xi32, #tpu.memory_space<vmem>> -> memref<128xi32, #tpu.memory_space<vmem>>
      %dma_start3A_234 = arith.constant 0 : i32
      %dma_start3A_235 = arith.constant 0 : i32
      %dma_start3A_236 = tpu.memref_slice %arg11[%dma_start3A_234, %dma_start3A_235] : memref<10112x8xf32, #tpu.memory_space<vmem_shared>> -> memref<10112x8xf32, #tpu.memory_space<vmem_shared>>
      tpu.enqueue_indirect_dma source(%dma_start3A_230 : memref<128x8xf32, #tpu.memory_space<vmem>>) target(%dma_start3A_236 : memref<10112x8xf32, #tpu.memory_space<vmem_shared>>) offsets(%dma_start3A_233 : memref<128xi32, #tpu.memory_space<vmem>>) semaphore(%arg13 : memref<!tpu.dma_semaphore, #tpu.memory_space<semaphore_mem>>) {add = true}
      %mul3A_237 = arith.constant 4 : i32
      %mul3A_238 = arith.muli %mul3A_107, %mul3A_237 : i32
      %add3A_239 = arith.constant 1 : i32
      %add3A_240 = arith.addi %mul3A_238, %add3A_239 : i32
      %dma_start3A_241 = arith.constant 1 : i32
      %dma_start3A_242 = arith.constant 0 : i32
      %dma_start3A_243 = arith.constant 0 : i32
      %dma_start3A_244 = tpu.memref_slice %arg8[%dma_start3A_241, %dma_start3A_242, %dma_start3A_243] : memref<8x128x8xf32, #tpu.memory_space<vmem>> -> memref<1x128x8xf32, #tpu.memory_space<vmem>>
      %dma_start3A_245 = tpu.memref_squeeze %dma_start3A_244 : memref<1x128x8xf32, #tpu.memory_space<vmem>> -> memref<128x8xf32, #tpu.memory_space<vmem>>
      %dma_start3A_246 = arith.constant 0 : i32
      %dma_start3A_247 = tpu.memref_slice %arg7[%add3A_240, %dma_start3A_246] : memref<160x128xi32, #tpu.memory_space<vmem>> -> memref<1x128xi32, #tpu.memory_space<vmem>>
      %dma_start3A_248 = tpu.memref_squeeze %dma_start3A_247 : memref<1x128xi32, #tpu.memory_space<vmem>> -> memref<128xi32, #tpu.memory_space<vmem>>
      %dma_start3A_249 = arith.constant 0 : i32
      %dma_start3A_250 = arith.constant 0 : i32
      %dma_start3A_251 = tpu.memref_slice %arg11[%dma_start3A_249, %dma_start3A_250] : memref<10112x8xf32, #tpu.memory_space<vmem_shared>> -> memref<10112x8xf32, #tpu.memory_space<vmem_shared>>
      tpu.enqueue_indirect_dma source(%dma_start3A_245 : memref<128x8xf32, #tpu.memory_space<vmem>>) target(%dma_start3A_251 : memref<10112x8xf32, #tpu.memory_space<vmem_shared>>) offsets(%dma_start3A_248 : memref<128xi32, #tpu.memory_space<vmem>>) semaphore(%arg13 : memref<!tpu.dma_semaphore, #tpu.memory_space<semaphore_mem>>) {add = true}
      %mul3A_252 = arith.constant 4 : i32
      %mul3A_253 = arith.muli %mul3A_107, %mul3A_252 : i32
      %add3A_254 = arith.constant 2 : i32
      %add3A_255 = arith.addi %mul3A_253, %add3A_254 : i32
      %dma_start3A_256 = arith.constant 2 : i32
      %dma_start3A_257 = arith.constant 0 : i32
      %dma_start3A_258 = arith.constant 0 : i32
      %dma_start3A_259 = tpu.memref_slice %arg8[%dma_start3A_256, %dma_start3A_257, %dma_start3A_258] : memref<8x128x8xf32, #tpu.memory_space<vmem>> -> memref<1x128x8xf32, #tpu.memory_space<vmem>>
      %dma_start3A_260 = tpu.memref_squeeze %dma_start3A_259 : memref<1x128x8xf32, #tpu.memory_space<vmem>> -> memref<128x8xf32, #tpu.memory_space<vmem>>
      %dma_start3A_261 = arith.constant 0 : i32
      %dma_start3A_262 = tpu.memref_slice %arg7[%add3A_255, %dma_start3A_261] : memref<160x128xi32, #tpu.memory_space<vmem>> -> memref<1x128xi32, #tpu.memory_space<vmem>>
      %dma_start3A_263 = tpu.memref_squeeze %dma_start3A_262 : memref<1x128xi32, #tpu.memory_space<vmem>> -> memref<128xi32, #tpu.memory_space<vmem>>
      %dma_start3A_264 = arith.constant 0 : i32
      %dma_start3A_265 = arith.constant 0 : i32
      %dma_start3A_266 = tpu.memref_slice %arg11[%dma_start3A_264, %dma_start3A_265] : memref<10112x8xf32, #tpu.memory_space<vmem_shared>> -> memref<10112x8xf32, #tpu.memory_space<vmem_shared>>
      tpu.enqueue_indirect_dma source(%dma_start3A_260 : memref<128x8xf32, #tpu.memory_space<vmem>>) target(%dma_start3A_266 : memref<10112x8xf32, #tpu.memory_space<vmem_shared>>) offsets(%dma_start3A_263 : memref<128xi32, #tpu.memory_space<vmem>>) semaphore(%arg13 : memref<!tpu.dma_semaphore, #tpu.memory_space<semaphore_mem>>) {add = true}
      %mul3A_267 = arith.constant 4 : i32
      %mul3A_268 = arith.muli %mul3A_107, %mul3A_267 : i32
      %add3A_269 = arith.constant 3 : i32
      %add3A_270 = arith.addi %mul3A_268, %add3A_269 : i32
      %dma_start3A_271 = arith.constant 3 : i32
      %dma_start3A_272 = arith.constant 0 : i32
      %dma_start3A_273 = arith.constant 0 : i32
      %dma_start3A_274 = tpu.memref_slice %arg8[%dma_start3A_271, %dma_start3A_272, %dma_start3A_273] : memref<8x128x8xf32, #tpu.memory_space<vmem>> -> memref<1x128x8xf32, #tpu.memory_space<vmem>>
      %dma_start3A_275 = tpu.memref_squeeze %dma_start3A_274 : memref<1x128x8xf32, #tpu.memory_space<vmem>> -> memref<128x8xf32, #tpu.memory_space<vmem>>
      %dma_start3A_276 = arith.constant 0 : i32
      %dma_start3A_277 = tpu.memref_slice %arg7[%add3A_270, %dma_start3A_276] : memref<160x128xi32, #tpu.memory_space<vmem>> -> memref<1x128xi32, #tpu.memory_space<vmem>>
      %dma_start3A_278 = tpu.memref_squeeze %dma_start3A_277 : memref<1x128xi32, #tpu.memory_space<vmem>> -> memref<128xi32, #tpu.memory_space<vmem>>
      %dma_start3A_279 = arith.constant 0 : i32
      %dma_start3A_280 = arith.constant 0 : i32
      %dma_start3A_281 = tpu.memref_slice %arg11[%dma_start3A_279, %dma_start3A_280] : memref<10112x8xf32, #tpu.memory_space<vmem_shared>> -> memref<10112x8xf32, #tpu.memory_space<vmem_shared>>
      tpu.enqueue_indirect_dma source(%dma_start3A_275 : memref<128x8xf32, #tpu.memory_space<vmem>>) target(%dma_start3A_281 : memref<10112x8xf32, #tpu.memory_space<vmem_shared>>) offsets(%dma_start3A_278 : memref<128xi32, #tpu.memory_space<vmem>>) semaphore(%arg13 : memref<!tpu.dma_semaphore, #tpu.memory_space<semaphore_mem>>) {add = true}
      %dma_wait3A_282 = arith.constant 0 : i32
      %dma_wait3A_283 = arith.constant 0 : i32
      %dma_wait3A_284 = arith.constant 0 : i32
      %dma_wait3A_285 = arith.constant 0 : i32
      %dma_wait3A_286 = tpu.memref_slice %arg8[%dma_wait3A_283, %dma_wait3A_284, %dma_wait3A_285] : memref<8x128x8xf32, #tpu.memory_space<vmem>> -> memref<1x128x8xf32, #tpu.memory_space<vmem>>
      %dma_wait3A_287 = tpu.memref_squeeze %dma_wait3A_286 : memref<1x128x8xf32, #tpu.memory_space<vmem>> -> memref<128x8xf32, #tpu.memory_space<vmem>>
      %dma_wait3A_288 = arith.constant 0 : i32
      %dma_wait3A_289 = tpu.memref_slice %arg6[%dma_wait3A_282, %dma_wait3A_288] : memref<160x128xi32, #tpu.memory_space<vmem>> -> memref<1x128xi32, #tpu.memory_space<vmem>>
      %dma_wait3A_290 = tpu.memref_squeeze %dma_wait3A_289 : memref<1x128xi32, #tpu.memory_space<vmem>> -> memref<128xi32, #tpu.memory_space<vmem>>
      %dma_wait3A_291 = arith.constant 0 : i32
      %dma_wait3A_292 = arith.constant 0 : i32
      %dma_wait3A_293 = tpu.memref_slice %arg10[%dma_wait3A_291, %dma_wait3A_292] : memref<10112x8xf32, #tpu.memory_space<vmem_shared>> -> memref<10112x8xf32, #tpu.memory_space<vmem_shared>>
      tpu.wait_indirect_dma semaphore(%arg13 : memref<!tpu.dma_semaphore, #tpu.memory_space<semaphore_mem>>) src(%dma_wait3A_293 : memref<10112x8xf32, #tpu.memory_space<vmem_shared>>) dst(%dma_wait3A_287 : memref<128x8xf32, #tpu.memory_space<vmem>>)
      %dma_wait3A_294 = arith.constant 0 : i32
      %dma_wait3A_295 = arith.constant 0 : i32
      %dma_wait3A_296 = arith.constant 0 : i32
      %dma_wait3A_297 = arith.constant 0 : i32
      %dma_wait3A_298 = tpu.memref_slice %arg8[%dma_wait3A_295, %dma_wait3A_296, %dma_wait3A_297] : memref<8x128x8xf32, #tpu.memory_space<vmem>> -> memref<1x128x8xf32, #tpu.memory_space<vmem>>
      %dma_wait3A_299 = tpu.memref_squeeze %dma_wait3A_298 : memref<1x128x8xf32, #tpu.memory_space<vmem>> -> memref<128x8xf32, #tpu.memory_space<vmem>>
      %dma_wait3A_300 = arith.constant 0 : i32
      %dma_wait3A_301 = tpu.memref_slice %arg6[%dma_wait3A_294, %dma_wait3A_300] : memref<160x128xi32, #tpu.memory_space<vmem>> -> memref<1x128xi32, #tpu.memory_space<vmem>>
      %dma_wait3A_302 = tpu.memref_squeeze %dma_wait3A_301 : memref<1x128xi32, #tpu.memory_space<vmem>> -> memref<128xi32, #tpu.memory_space<vmem>>
      %dma_wait3A_303 = arith.constant 0 : i32
      %dma_wait3A_304 = arith.constant 0 : i32
      %dma_wait3A_305 = tpu.memref_slice %arg10[%dma_wait3A_303, %dma_wait3A_304] : memref<10112x8xf32, #tpu.memory_space<vmem_shared>> -> memref<10112x8xf32, #tpu.memory_space<vmem_shared>>
      tpu.wait_indirect_dma semaphore(%arg13 : memref<!tpu.dma_semaphore, #tpu.memory_space<semaphore_mem>>) src(%dma_wait3A_305 : memref<10112x8xf32, #tpu.memory_space<vmem_shared>>) dst(%dma_wait3A_299 : memref<128x8xf32, #tpu.memory_space<vmem>>)
      %dma_wait3A_306 = arith.constant 0 : i32
      %dma_wait3A_307 = arith.constant 0 : i32
      %dma_wait3A_308 = arith.constant 0 : i32
      %dma_wait3A_309 = arith.constant 0 : i32
      %dma_wait3A_310 = tpu.memref_slice %arg8[%dma_wait3A_307, %dma_wait3A_308, %dma_wait3A_309] : memref<8x128x8xf32, #tpu.memory_space<vmem>> -> memref<1x128x8xf32, #tpu.memory_space<vmem>>
      %dma_wait3A_311 = tpu.memref_squeeze %dma_wait3A_310 : memref<1x128x8xf32, #tpu.memory_space<vmem>> -> memref<128x8xf32, #tpu.memory_space<vmem>>
      %dma_wait3A_312 = arith.constant 0 : i32
      %dma_wait3A_313 = tpu.memref_slice %arg6[%dma_wait3A_306, %dma_wait3A_312] : memref<160x128xi32, #tpu.memory_space<vmem>> -> memref<1x128xi32, #tpu.memory_space<vmem>>
      %dma_wait3A_314 = tpu.memref_squeeze %dma_wait3A_313 : memref<1x128xi32, #tpu.memory_space<vmem>> -> memref<128xi32, #tpu.memory_space<vmem>>
      %dma_wait3A_315 = arith.constant 0 : i32
      %dma_wait3A_316 = arith.constant 0 : i32
      %dma_wait3A_317 = tpu.memref_slice %arg10[%dma_wait3A_315, %dma_wait3A_316] : memref<10112x8xf32, #tpu.memory_space<vmem_shared>> -> memref<10112x8xf32, #tpu.memory_space<vmem_shared>>
      tpu.wait_indirect_dma semaphore(%arg13 : memref<!tpu.dma_semaphore, #tpu.memory_space<semaphore_mem>>) src(%dma_wait3A_317 : memref<10112x8xf32, #tpu.memory_space<vmem_shared>>) dst(%dma_wait3A_311 : memref<128x8xf32, #tpu.memory_space<vmem>>)
      %dma_wait3A_318 = arith.constant 0 : i32
      %dma_wait3A_319 = arith.constant 0 : i32
      %dma_wait3A_320 = arith.constant 0 : i32
      %dma_wait3A_321 = arith.constant 0 : i32
      %dma_wait3A_322 = tpu.memref_slice %arg8[%dma_wait3A_319, %dma_wait3A_320, %dma_wait3A_321] : memref<8x128x8xf32, #tpu.memory_space<vmem>> -> memref<1x128x8xf32, #tpu.memory_space<vmem>>
      %dma_wait3A_323 = tpu.memref_squeeze %dma_wait3A_322 : memref<1x128x8xf32, #tpu.memory_space<vmem>> -> memref<128x8xf32, #tpu.memory_space<vmem>>
      %dma_wait3A_324 = arith.constant 0 : i32
      %dma_wait3A_325 = tpu.memref_slice %arg6[%dma_wait3A_318, %dma_wait3A_324] : memref<160x128xi32, #tpu.memory_space<vmem>> -> memref<1x128xi32, #tpu.memory_space<vmem>>
      %dma_wait3A_326 = tpu.memref_squeeze %dma_wait3A_325 : memref<1x128xi32, #tpu.memory_space<vmem>> -> memref<128xi32, #tpu.memory_space<vmem>>
      %dma_wait3A_327 = arith.constant 0 : i32
      %dma_wait3A_328 = arith.constant 0 : i32
      %dma_wait3A_329 = tpu.memref_slice %arg10[%dma_wait3A_327, %dma_wait3A_328] : memref<10112x8xf32, #tpu.memory_space<vmem_shared>> -> memref<10112x8xf32, #tpu.memory_space<vmem_shared>>
      tpu.wait_indirect_dma semaphore(%arg13 : memref<!tpu.dma_semaphore, #tpu.memory_space<semaphore_mem>>) src(%dma_wait3A_329 : memref<10112x8xf32, #tpu.memory_space<vmem_shared>>) dst(%dma_wait3A_323 : memref<128x8xf32, #tpu.memory_space<vmem>>)
      %add3A_330 = arith.constant 2 : i32
      %add3A_331 = arith.addi %mul3A_107, %add3A_330 : i32
      %lt3A = arith.constant 40 : i32
      %lt3A_332 = arith.cmpi slt, %add3A_331, %lt3A : i32
      %convert_element_type3A_333 = arith.extui %lt3A_332 : i1 to i32
      %cond3A_334 = arith.constant 0 : i32
      %cond3A_335 = arith.cmpi ne, %convert_element_type3A_333, %cond3A_334 : i32
      scf.if %cond3A_335 {
        %add3A_444 = arith.constant 2 : i32
        %add3A_445 = arith.addi %mul3A_107, %add3A_444 : i32
        %mul3A_446 = arith.constant 4 : i32
        %mul3A_447 = arith.muli %add3A_445, %mul3A_446 : i32
        %add3A_448 = arith.constant 0 : i32
        %add3A_449 = arith.addi %mul3A_447, %add3A_448 : i32
        %dma_start3A_450 = arith.constant 0 : i32
        %dma_start3A_451 = arith.constant 0 : i32
        %dma_start3A_452 = arith.constant 0 : i32
        %dma_start3A_453 = tpu.memref_slice %arg8[%dma_start3A_450, %dma_start3A_451, %dma_start3A_452] : memref<8x128x8xf32, #tpu.memory_space<vmem>> -> memref<1x128x8xf32, #tpu.memory_space<vmem>>
        %dma_start3A_454 = tpu.memref_squeeze %dma_start3A_453 : memref<1x128x8xf32, #tpu.memory_space<vmem>> -> memref<128x8xf32, #tpu.memory_space<vmem>>
        %dma_start3A_455 = arith.constant 0 : i32
        %dma_start3A_456 = tpu.memref_slice %arg6[%add3A_449, %dma_start3A_455] : memref<160x128xi32, #tpu.memory_space<vmem>> -> memref<1x128xi32, #tpu.memory_space<vmem>>
        %dma_start3A_457 = tpu.memref_squeeze %dma_start3A_456 : memref<1x128xi32, #tpu.memory_space<vmem>> -> memref<128xi32, #tpu.memory_space<vmem>>
        %dma_start3A_458 = arith.constant 0 : i32
        %dma_start3A_459 = arith.constant 0 : i32
        %dma_start3A_460 = tpu.memref_slice %arg10[%dma_start3A_458, %dma_start3A_459] : memref<10112x8xf32, #tpu.memory_space<vmem_shared>> -> memref<10112x8xf32, #tpu.memory_space<vmem_shared>>
        tpu.enqueue_indirect_dma source(%dma_start3A_460 : memref<10112x8xf32, #tpu.memory_space<vmem_shared>>) target(%dma_start3A_454 : memref<128x8xf32, #tpu.memory_space<vmem>>) offsets(%dma_start3A_457 : memref<128xi32, #tpu.memory_space<vmem>>) semaphore(%arg12 : memref<!tpu.dma_semaphore, #tpu.memory_space<semaphore_mem>>)
        %mul3A_461 = arith.constant 4 : i32
        %mul3A_462 = arith.muli %add3A_445, %mul3A_461 : i32
        %add3A_463 = arith.constant 1 : i32
        %add3A_464 = arith.addi %mul3A_462, %add3A_463 : i32
        %dma_start3A_465 = arith.constant 1 : i32
        %dma_start3A_466 = arith.constant 0 : i32
        %dma_start3A_467 = arith.constant 0 : i32
        %dma_start3A_468 = tpu.memref_slice %arg8[%dma_start3A_465, %dma_start3A_466, %dma_start3A_467] : memref<8x128x8xf32, #tpu.memory_space<vmem>> -> memref<1x128x8xf32, #tpu.memory_space<vmem>>
        %dma_start3A_469 = tpu.memref_squeeze %dma_start3A_468 : memref<1x128x8xf32, #tpu.memory_space<vmem>> -> memref<128x8xf32, #tpu.memory_space<vmem>>
        %dma_start3A_470 = arith.constant 0 : i32
        %dma_start3A_471 = tpu.memref_slice %arg6[%add3A_464, %dma_start3A_470] : memref<160x128xi32, #tpu.memory_space<vmem>> -> memref<1x128xi32, #tpu.memory_space<vmem>>
        %dma_start3A_472 = tpu.memref_squeeze %dma_start3A_471 : memref<1x128xi32, #tpu.memory_space<vmem>> -> memref<128xi32, #tpu.memory_space<vmem>>
        %dma_start3A_473 = arith.constant 0 : i32
        %dma_start3A_474 = arith.constant 0 : i32
        %dma_start3A_475 = tpu.memref_slice %arg10[%dma_start3A_473, %dma_start3A_474] : memref<10112x8xf32, #tpu.memory_space<vmem_shared>> -> memref<10112x8xf32, #tpu.memory_space<vmem_shared>>
        tpu.enqueue_indirect_dma source(%dma_start3A_475 : memref<10112x8xf32, #tpu.memory_space<vmem_shared>>) target(%dma_start3A_469 : memref<128x8xf32, #tpu.memory_space<vmem>>) offsets(%dma_start3A_472 : memref<128xi32, #tpu.memory_space<vmem>>) semaphore(%arg12 : memref<!tpu.dma_semaphore, #tpu.memory_space<semaphore_mem>>)
        %mul3A_476 = arith.constant 4 : i32
        %mul3A_477 = arith.muli %add3A_445, %mul3A_476 : i32
        %add3A_478 = arith.constant 2 : i32
        %add3A_479 = arith.addi %mul3A_477, %add3A_478 : i32
        %dma_start3A_480 = arith.constant 2 : i32
        %dma_start3A_481 = arith.constant 0 : i32
        %dma_start3A_482 = arith.constant 0 : i32
        %dma_start3A_483 = tpu.memref_slice %arg8[%dma_start3A_480, %dma_start3A_481, %dma_start3A_482] : memref<8x128x8xf32, #tpu.memory_space<vmem>> -> memref<1x128x8xf32, #tpu.memory_space<vmem>>
        %dma_start3A_484 = tpu.memref_squeeze %dma_start3A_483 : memref<1x128x8xf32, #tpu.memory_space<vmem>> -> memref<128x8xf32, #tpu.memory_space<vmem>>
        %dma_start3A_485 = arith.constant 0 : i32
        %dma_start3A_486 = tpu.memref_slice %arg6[%add3A_479, %dma_start3A_485] : memref<160x128xi32, #tpu.memory_space<vmem>> -> memref<1x128xi32, #tpu.memory_space<vmem>>
        %dma_start3A_487 = tpu.memref_squeeze %dma_start3A_486 : memref<1x128xi32, #tpu.memory_space<vmem>> -> memref<128xi32, #tpu.memory_space<vmem>>
        %dma_start3A_488 = arith.constant 0 : i32
        %dma_start3A_489 = arith.constant 0 : i32
        %dma_start3A_490 = tpu.memref_slice %arg10[%dma_start3A_488, %dma_start3A_489] : memref<10112x8xf32, #tpu.memory_space<vmem_shared>> -> memref<10112x8xf32, #tpu.memory_space<vmem_shared>>
        tpu.enqueue_indirect_dma source(%dma_start3A_490 : memref<10112x8xf32, #tpu.memory_space<vmem_shared>>) target(%dma_start3A_484 : memref<128x8xf32, #tpu.memory_space<vmem>>) offsets(%dma_start3A_487 : memref<128xi32, #tpu.memory_space<vmem>>) semaphore(%arg12 : memref<!tpu.dma_semaphore, #tpu.memory_space<semaphore_mem>>)
        %mul3A_491 = arith.constant 4 : i32
        %mul3A_492 = arith.muli %add3A_445, %mul3A_491 : i32
        %add3A_493 = arith.constant 3 : i32
        %add3A_494 = arith.addi %mul3A_492, %add3A_493 : i32
        %dma_start3A_495 = arith.constant 3 : i32
        %dma_start3A_496 = arith.constant 0 : i32
        %dma_start3A_497 = arith.constant 0 : i32
        %dma_start3A_498 = tpu.memref_slice %arg8[%dma_start3A_495, %dma_start3A_496, %dma_start3A_497] : memref<8x128x8xf32, #tpu.memory_space<vmem>> -> memref<1x128x8xf32, #tpu.memory_space<vmem>>
        %dma_start3A_499 = tpu.memref_squeeze %dma_start3A_498 : memref<1x128x8xf32, #tpu.memory_space<vmem>> -> memref<128x8xf32, #tpu.memory_space<vmem>>
        %dma_start3A_500 = arith.constant 0 : i32
        %dma_start3A_501 = tpu.memref_slice %arg6[%add3A_494, %dma_start3A_500] : memref<160x128xi32, #tpu.memory_space<vmem>> -> memref<1x128xi32, #tpu.memory_space<vmem>>
        %dma_start3A_502 = tpu.memref_squeeze %dma_start3A_501 : memref<1x128xi32, #tpu.memory_space<vmem>> -> memref<128xi32, #tpu.memory_space<vmem>>
        %dma_start3A_503 = arith.constant 0 : i32
        %dma_start3A_504 = arith.constant 0 : i32
        %dma_start3A_505 = tpu.memref_slice %arg10[%dma_start3A_503, %dma_start3A_504] : memref<10112x8xf32, #tpu.memory_space<vmem_shared>> -> memref<10112x8xf32, #tpu.memory_space<vmem_shared>>
        tpu.enqueue_indirect_dma source(%dma_start3A_505 : memref<10112x8xf32, #tpu.memory_space<vmem_shared>>) target(%dma_start3A_499 : memref<128x8xf32, #tpu.memory_space<vmem>>) offsets(%dma_start3A_502 : memref<128xi32, #tpu.memory_space<vmem>>) semaphore(%arg12 : memref<!tpu.dma_semaphore, #tpu.memory_space<semaphore_mem>>)
      } else {
      }
      %dma_wait3A_336 = arith.constant 0 : i32
      %dma_wait3A_337 = arith.constant 0 : i32
      %dma_wait3A_338 = arith.constant 0 : i32
      %dma_wait3A_339 = arith.constant 0 : i32
      %dma_wait3A_340 = tpu.memref_slice %arg8[%dma_wait3A_337, %dma_wait3A_338, %dma_wait3A_339] : memref<8x128x8xf32, #tpu.memory_space<vmem>> -> memref<1x128x8xf32, #tpu.memory_space<vmem>>
      %dma_wait3A_341 = tpu.memref_squeeze %dma_wait3A_340 : memref<1x128x8xf32, #tpu.memory_space<vmem>> -> memref<128x8xf32, #tpu.memory_space<vmem>>
      %dma_wait3A_342 = arith.constant 0 : i32
      %dma_wait3A_343 = tpu.memref_slice %arg6[%dma_wait3A_336, %dma_wait3A_342] : memref<160x128xi32, #tpu.memory_space<vmem>> -> memref<1x128xi32, #tpu.memory_space<vmem>>
      %dma_wait3A_344 = tpu.memref_squeeze %dma_wait3A_343 : memref<1x128xi32, #tpu.memory_space<vmem>> -> memref<128xi32, #tpu.memory_space<vmem>>
      %dma_wait3A_345 = arith.constant 0 : i32
      %dma_wait3A_346 = arith.constant 0 : i32
      %dma_wait3A_347 = tpu.memref_slice %arg10[%dma_wait3A_345, %dma_wait3A_346] : memref<10112x8xf32, #tpu.memory_space<vmem_shared>> -> memref<10112x8xf32, #tpu.memory_space<vmem_shared>>
      tpu.wait_indirect_dma semaphore(%arg12 : memref<!tpu.dma_semaphore, #tpu.memory_space<semaphore_mem>>) src(%dma_wait3A_347 : memref<10112x8xf32, #tpu.memory_space<vmem_shared>>) dst(%dma_wait3A_341 : memref<128x8xf32, #tpu.memory_space<vmem>>)
      %dma_wait3A_348 = arith.constant 0 : i32
      %dma_wait3A_349 = arith.constant 0 : i32
      %dma_wait3A_350 = arith.constant 0 : i32
      %dma_wait3A_351 = arith.constant 0 : i32
      %dma_wait3A_352 = tpu.memref_slice %arg8[%dma_wait3A_349, %dma_wait3A_350, %dma_wait3A_351] : memref<8x128x8xf32, #tpu.memory_space<vmem>> -> memref<1x128x8xf32, #tpu.memory_space<vmem>>
      %dma_wait3A_353 = tpu.memref_squeeze %dma_wait3A_352 : memref<1x128x8xf32, #tpu.memory_space<vmem>> -> memref<128x8xf32, #tpu.memory_space<vmem>>
      %dma_wait3A_354 = arith.constant 0 : i32
      %dma_wait3A_355 = tpu.memref_slice %arg6[%dma_wait3A_348, %dma_wait3A_354] : memref<160x128xi32, #tpu.memory_space<vmem>> -> memref<1x128xi32, #tpu.memory_space<vmem>>
      %dma_wait3A_356 = tpu.memref_squeeze %dma_wait3A_355 : memref<1x128xi32, #tpu.memory_space<vmem>> -> memref<128xi32, #tpu.memory_space<vmem>>
      %dma_wait3A_357 = arith.constant 0 : i32
      %dma_wait3A_358 = arith.constant 0 : i32
      %dma_wait3A_359 = tpu.memref_slice %arg10[%dma_wait3A_357, %dma_wait3A_358] : memref<10112x8xf32, #tpu.memory_space<vmem_shared>> -> memref<10112x8xf32, #tpu.memory_space<vmem_shared>>
      tpu.wait_indirect_dma semaphore(%arg12 : memref<!tpu.dma_semaphore, #tpu.memory_space<semaphore_mem>>) src(%dma_wait3A_359 : memref<10112x8xf32, #tpu.memory_space<vmem_shared>>) dst(%dma_wait3A_353 : memref<128x8xf32, #tpu.memory_space<vmem>>)
      %dma_wait3A_360 = arith.constant 0 : i32
      %dma_wait3A_361 = arith.constant 0 : i32
      %dma_wait3A_362 = arith.constant 0 : i32
      %dma_wait3A_363 = arith.constant 0 : i32
      %dma_wait3A_364 = tpu.memref_slice %arg8[%dma_wait3A_361, %dma_wait3A_362, %dma_wait3A_363] : memref<8x128x8xf32, #tpu.memory_space<vmem>> -> memref<1x128x8xf32, #tpu.memory_space<vmem>>
      %dma_wait3A_365 = tpu.memref_squeeze %dma_wait3A_364 : memref<1x128x8xf32, #tpu.memory_space<vmem>> -> memref<128x8xf32, #tpu.memory_space<vmem>>
      %dma_wait3A_366 = arith.constant 0 : i32
      %dma_wait3A_367 = tpu.memref_slice %arg6[%dma_wait3A_360, %dma_wait3A_366] : memref<160x128xi32, #tpu.memory_space<vmem>> -> memref<1x128xi32, #tpu.memory_space<vmem>>
      %dma_wait3A_368 = tpu.memref_squeeze %dma_wait3A_367 : memref<1x128xi32, #tpu.memory_space<vmem>> -> memref<128xi32, #tpu.memory_space<vmem>>
      %dma_wait3A_369 = arith.constant 0 : i32
      %dma_wait3A_370 = arith.constant 0 : i32
      %dma_wait3A_371 = tpu.memref_slice %arg10[%dma_wait3A_369, %dma_wait3A_370] : memref<10112x8xf32, #tpu.memory_space<vmem_shared>> -> memref<10112x8xf32, #tpu.memory_space<vmem_shared>>
      tpu.wait_indirect_dma semaphore(%arg12 : memref<!tpu.dma_semaphore, #tpu.memory_space<semaphore_mem>>) src(%dma_wait3A_371 : memref<10112x8xf32, #tpu.memory_space<vmem_shared>>) dst(%dma_wait3A_365 : memref<128x8xf32, #tpu.memory_space<vmem>>)
      %dma_wait3A_372 = arith.constant 0 : i32
      %dma_wait3A_373 = arith.constant 0 : i32
      %dma_wait3A_374 = arith.constant 0 : i32
      %dma_wait3A_375 = arith.constant 0 : i32
      %dma_wait3A_376 = tpu.memref_slice %arg8[%dma_wait3A_373, %dma_wait3A_374, %dma_wait3A_375] : memref<8x128x8xf32, #tpu.memory_space<vmem>> -> memref<1x128x8xf32, #tpu.memory_space<vmem>>
      %dma_wait3A_377 = tpu.memref_squeeze %dma_wait3A_376 : memref<1x128x8xf32, #tpu.memory_space<vmem>> -> memref<128x8xf32, #tpu.memory_space<vmem>>
      %dma_wait3A_378 = arith.constant 0 : i32
      %dma_wait3A_379 = tpu.memref_slice %arg6[%dma_wait3A_372, %dma_wait3A_378] : memref<160x128xi32, #tpu.memory_space<vmem>> -> memref<1x128xi32, #tpu.memory_space<vmem>>
      %dma_wait3A_380 = tpu.memref_squeeze %dma_wait3A_379 : memref<1x128xi32, #tpu.memory_space<vmem>> -> memref<128xi32, #tpu.memory_space<vmem>>
      %dma_wait3A_381 = arith.constant 0 : i32
      %dma_wait3A_382 = arith.constant 0 : i32
      %dma_wait3A_383 = tpu.memref_slice %arg10[%dma_wait3A_381, %dma_wait3A_382] : memref<10112x8xf32, #tpu.memory_space<vmem_shared>> -> memref<10112x8xf32, #tpu.memory_space<vmem_shared>>
      tpu.wait_indirect_dma semaphore(%arg12 : memref<!tpu.dma_semaphore, #tpu.memory_space<semaphore_mem>>) src(%dma_wait3A_383 : memref<10112x8xf32, #tpu.memory_space<vmem_shared>>) dst(%dma_wait3A_377 : memref<128x8xf32, #tpu.memory_space<vmem>>)
      %mul3A_384 = arith.constant 4 : i32
      %mul3A_385 = arith.muli %add3A_111, %mul3A_384 : i32
      %add3A_386 = arith.constant 0 : i32
      %add3A_387 = arith.addi %mul3A_385, %add3A_386 : i32
      %dma_start3A_388 = arith.constant 4 : i32
      %dma_start3A_389 = arith.constant 0 : i32
      %dma_start3A_390 = arith.constant 0 : i32
      %dma_start3A_391 = tpu.memref_slice %arg8[%dma_start3A_388, %dma_start3A_389, %dma_start3A_390] : memref<8x128x8xf32, #tpu.memory_space<vmem>> -> memref<1x128x8xf32, #tpu.memory_space<vmem>>
      %dma_start3A_392 = tpu.memref_squeeze %dma_start3A_391 : memref<1x128x8xf32, #tpu.memory_space<vmem>> -> memref<128x8xf32, #tpu.memory_space<vmem>>
      %dma_start3A_393 = arith.constant 0 : i32
      %dma_start3A_394 = tpu.memref_slice %arg7[%add3A_387, %dma_start3A_393] : memref<160x128xi32, #tpu.memory_space<vmem>> -> memref<1x128xi32, #tpu.memory_space<vmem>>
      %dma_start3A_395 = tpu.memref_squeeze %dma_start3A_394 : memref<1x128xi32, #tpu.memory_space<vmem>> -> memref<128xi32, #tpu.memory_space<vmem>>
      %dma_start3A_396 = arith.constant 0 : i32
      %dma_start3A_397 = arith.constant 0 : i32
      %dma_start3A_398 = tpu.memref_slice %arg11[%dma_start3A_396, %dma_start3A_397] : memref<10112x8xf32, #tpu.memory_space<vmem_shared>> -> memref<10112x8xf32, #tpu.memory_space<vmem_shared>>
      tpu.enqueue_indirect_dma source(%dma_start3A_392 : memref<128x8xf32, #tpu.memory_space<vmem>>) target(%dma_start3A_398 : memref<10112x8xf32, #tpu.memory_space<vmem_shared>>) offsets(%dma_start3A_395 : memref<128xi32, #tpu.memory_space<vmem>>) semaphore(%arg13 : memref<!tpu.dma_semaphore, #tpu.memory_space<semaphore_mem>>) {add = true}
      %mul3A_399 = arith.constant 4 : i32
      %mul3A_400 = arith.muli %add3A_111, %mul3A_399 : i32
      %add3A_401 = arith.constant 1 : i32
      %add3A_402 = arith.addi %mul3A_400, %add3A_401 : i32
      %dma_start3A_403 = arith.constant 5 : i32
      %dma_start3A_404 = arith.constant 0 : i32
      %dma_start3A_405 = arith.constant 0 : i32
      %dma_start3A_406 = tpu.memref_slice %arg8[%dma_start3A_403, %dma_start3A_404, %dma_start3A_405] : memref<8x128x8xf32, #tpu.memory_space<vmem>> -> memref<1x128x8xf32, #tpu.memory_space<vmem>>
      %dma_start3A_407 = tpu.memref_squeeze %dma_start3A_406 : memref<1x128x8xf32, #tpu.memory_space<vmem>> -> memref<128x8xf32, #tpu.memory_space<vmem>>
      %dma_start3A_408 = arith.constant 0 : i32
      %dma_start3A_409 = tpu.memref_slice %arg7[%add3A_402, %dma_start3A_408] : memref<160x128xi32, #tpu.memory_space<vmem>> -> memref<1x128xi32, #tpu.memory_space<vmem>>
      %dma_start3A_410 = tpu.memref_squeeze %dma_start3A_409 : memref<1x128xi32, #tpu.memory_space<vmem>> -> memref<128xi32, #tpu.memory_space<vmem>>
      %dma_start3A_411 = arith.constant 0 : i32
      %dma_start3A_412 = arith.constant 0 : i32
      %dma_start3A_413 = tpu.memref_slice %arg11[%dma_start3A_411, %dma_start3A_412] : memref<10112x8xf32, #tpu.memory_space<vmem_shared>> -> memref<10112x8xf32, #tpu.memory_space<vmem_shared>>
      tpu.enqueue_indirect_dma source(%dma_start3A_407 : memref<128x8xf32, #tpu.memory_space<vmem>>) target(%dma_start3A_413 : memref<10112x8xf32, #tpu.memory_space<vmem_shared>>) offsets(%dma_start3A_410 : memref<128xi32, #tpu.memory_space<vmem>>) semaphore(%arg13 : memref<!tpu.dma_semaphore, #tpu.memory_space<semaphore_mem>>) {add = true}
      %mul3A_414 = arith.constant 4 : i32
      %mul3A_415 = arith.muli %add3A_111, %mul3A_414 : i32
      %add3A_416 = arith.constant 2 : i32
      %add3A_417 = arith.addi %mul3A_415, %add3A_416 : i32
      %dma_start3A_418 = arith.constant 6 : i32
      %dma_start3A_419 = arith.constant 0 : i32
      %dma_start3A_420 = arith.constant 0 : i32
      %dma_start3A_421 = tpu.memref_slice %arg8[%dma_start3A_418, %dma_start3A_419, %dma_start3A_420] : memref<8x128x8xf32, #tpu.memory_space<vmem>> -> memref<1x128x8xf32, #tpu.memory_space<vmem>>
      %dma_start3A_422 = tpu.memref_squeeze %dma_start3A_421 : memref<1x128x8xf32, #tpu.memory_space<vmem>> -> memref<128x8xf32, #tpu.memory_space<vmem>>
      %dma_start3A_423 = arith.constant 0 : i32
      %dma_start3A_424 = tpu.memref_slice %arg7[%add3A_417, %dma_start3A_423] : memref<160x128xi32, #tpu.memory_space<vmem>> -> memref<1x128xi32, #tpu.memory_space<vmem>>
      %dma_start3A_425 = tpu.memref_squeeze %dma_start3A_424 : memref<1x128xi32, #tpu.memory_space<vmem>> -> memref<128xi32, #tpu.memory_space<vmem>>
      %dma_start3A_426 = arith.constant 0 : i32
      %dma_start3A_427 = arith.constant 0 : i32
      %dma_start3A_428 = tpu.memref_slice %arg11[%dma_start3A_426, %dma_start3A_427] : memref<10112x8xf32, #tpu.memory_space<vmem_shared>> -> memref<10112x8xf32, #tpu.memory_space<vmem_shared>>
      tpu.enqueue_indirect_dma source(%dma_start3A_422 : memref<128x8xf32, #tpu.memory_space<vmem>>) target(%dma_start3A_428 : memref<10112x8xf32, #tpu.memory_space<vmem_shared>>) offsets(%dma_start3A_425 : memref<128xi32, #tpu.memory_space<vmem>>) semaphore(%arg13 : memref<!tpu.dma_semaphore, #tpu.memory_space<semaphore_mem>>) {add = true}
      %mul3A_429 = arith.constant 4 : i32
      %mul3A_430 = arith.muli %add3A_111, %mul3A_429 : i32
      %add3A_431 = arith.constant 3 : i32
      %add3A_432 = arith.addi %mul3A_430, %add3A_431 : i32
      %dma_start3A_433 = arith.constant 7 : i32
      %dma_start3A_434 = arith.constant 0 : i32
      %dma_start3A_435 = arith.constant 0 : i32
      %dma_start3A_436 = tpu.memref_slice %arg8[%dma_start3A_433, %dma_start3A_434, %dma_start3A_435] : memref<8x128x8xf32, #tpu.memory_space<vmem>> -> memref<1x128x8xf32, #tpu.memory_space<vmem>>
      %dma_start3A_437 = tpu.memref_squeeze %dma_start3A_436 : memref<1x128x8xf32, #tpu.memory_space<vmem>> -> memref<128x8xf32, #tpu.memory_space<vmem>>
      %dma_start3A_438 = arith.constant 0 : i32
      %dma_start3A_439 = tpu.memref_slice %arg7[%add3A_432, %dma_start3A_438] : memref<160x128xi32, #tpu.memory_space<vmem>> -> memref<1x128xi32, #tpu.memory_space<vmem>>
      %dma_start3A_440 = tpu.memref_squeeze %dma_start3A_439 : memref<1x128xi32, #tpu.memory_space<vmem>> -> memref<128xi32, #tpu.memory_space<vmem>>
      %dma_start3A_441 = arith.constant 0 : i32
      %dma_start3A_442 = arith.constant 0 : i32
      %dma_start3A_443 = tpu.memref_slice %arg11[%dma_start3A_441, %dma_start3A_442] : memref<10112x8xf32, #tpu.memory_space<vmem_shared>> -> memref<10112x8xf32, #tpu.memory_space<vmem_shared>>
      tpu.enqueue_indirect_dma source(%dma_start3A_437 : memref<128x8xf32, #tpu.memory_space<vmem>>) target(%dma_start3A_443 : memref<10112x8xf32, #tpu.memory_space<vmem_shared>>) offsets(%dma_start3A_440 : memref<128xi32, #tpu.memory_space<vmem>>) semaphore(%arg13 : memref<!tpu.dma_semaphore, #tpu.memory_space<semaphore_mem>>) {add = true}
    }
    %scan3A_56 = arith.constant 20 : i32
    %dma_wait3A = arith.constant 0 : i32
    %dma_wait3A_57 = arith.constant 0 : i32
    %dma_wait3A_58 = arith.constant 0 : i32
    %dma_wait3A_59 = arith.constant 0 : i32
    %dma_wait3A_60 = tpu.memref_slice %arg8[%dma_wait3A_57, %dma_wait3A_58, %dma_wait3A_59] : memref<8x128x8xf32, #tpu.memory_space<vmem>> -> memref<1x128x8xf32, #tpu.memory_space<vmem>>
    %dma_wait3A_61 = tpu.memref_squeeze %dma_wait3A_60 : memref<1x128x8xf32, #tpu.memory_space<vmem>> -> memref<128x8xf32, #tpu.memory_space<vmem>>
    %dma_wait3A_62 = arith.constant 0 : i32
    %dma_wait3A_63 = tpu.memref_slice %arg6[%dma_wait3A, %dma_wait3A_62] : memref<160x128xi32, #tpu.memory_space<vmem>> -> memref<1x128xi32, #tpu.memory_space<vmem>>
    %dma_wait3A_64 = tpu.memref_squeeze %dma_wait3A_63 : memref<1x128xi32, #tpu.memory_space<vmem>> -> memref<128xi32, #tpu.memory_space<vmem>>
    %dma_wait3A_65 = arith.constant 0 : i32
    %dma_wait3A_66 = arith.constant 0 : i32
    %dma_wait3A_67 = tpu.memref_slice %arg10[%dma_wait3A_65, %dma_wait3A_66] : memref<10112x8xf32, #tpu.memory_space<vmem_shared>> -> memref<10112x8xf32, #tpu.memory_space<vmem_shared>>
    tpu.wait_indirect_dma semaphore(%arg13 : memref<!tpu.dma_semaphore, #tpu.memory_space<semaphore_mem>>) src(%dma_wait3A_67 : memref<10112x8xf32, #tpu.memory_space<vmem_shared>>) dst(%dma_wait3A_61 : memref<128x8xf32, #tpu.memory_space<vmem>>)
    %dma_wait3A_68 = arith.constant 0 : i32
    %dma_wait3A_69 = arith.constant 0 : i32
    %dma_wait3A_70 = arith.constant 0 : i32
    %dma_wait3A_71 = arith.constant 0 : i32
    %dma_wait3A_72 = tpu.memref_slice %arg8[%dma_wait3A_69, %dma_wait3A_70, %dma_wait3A_71] : memref<8x128x8xf32, #tpu.memory_space<vmem>> -> memref<1x128x8xf32, #tpu.memory_space<vmem>>
    %dma_wait3A_73 = tpu.memref_squeeze %dma_wait3A_72 : memref<1x128x8xf32, #tpu.memory_space<vmem>> -> memref<128x8xf32, #tpu.memory_space<vmem>>
    %dma_wait3A_74 = arith.constant 0 : i32
    %dma_wait3A_75 = tpu.memref_slice %arg6[%dma_wait3A_68, %dma_wait3A_74] : memref<160x128xi32, #tpu.memory_space<vmem>> -> memref<1x128xi32, #tpu.memory_space<vmem>>
    %dma_wait3A_76 = tpu.memref_squeeze %dma_wait3A_75 : memref<1x128xi32, #tpu.memory_space<vmem>> -> memref<128xi32, #tpu.memory_space<vmem>>
    %dma_wait3A_77 = arith.constant 0 : i32
    %dma_wait3A_78 = arith.constant 0 : i32
    %dma_wait3A_79 = tpu.memref_slice %arg10[%dma_wait3A_77, %dma_wait3A_78] : memref<10112x8xf32, #tpu.memory_space<vmem_shared>> -> memref<10112x8xf32, #tpu.memory_space<vmem_shared>>
    tpu.wait_indirect_dma semaphore(%arg13 : memref<!tpu.dma_semaphore, #tpu.memory_space<semaphore_mem>>) src(%dma_wait3A_79 : memref<10112x8xf32, #tpu.memory_space<vmem_shared>>) dst(%dma_wait3A_73 : memref<128x8xf32, #tpu.memory_space<vmem>>)
    %dma_wait3A_80 = arith.constant 0 : i32
    %dma_wait3A_81 = arith.constant 0 : i32
    %dma_wait3A_82 = arith.constant 0 : i32
    %dma_wait3A_83 = arith.constant 0 : i32
    %dma_wait3A_84 = tpu.memref_slice %arg8[%dma_wait3A_81, %dma_wait3A_82, %dma_wait3A_83] : memref<8x128x8xf32, #tpu.memory_space<vmem>> -> memref<1x128x8xf32, #tpu.memory_space<vmem>>
    %dma_wait3A_85 = tpu.memref_squeeze %dma_wait3A_84 : memref<1x128x8xf32, #tpu.memory_space<vmem>> -> memref<128x8xf32, #tpu.memory_space<vmem>>
    %dma_wait3A_86 = arith.constant 0 : i32
    %dma_wait3A_87 = tpu.memref_slice %arg6[%dma_wait3A_80, %dma_wait3A_86] : memref<160x128xi32, #tpu.memory_space<vmem>> -> memref<1x128xi32, #tpu.memory_space<vmem>>
    %dma_wait3A_88 = tpu.memref_squeeze %dma_wait3A_87 : memref<1x128xi32, #tpu.memory_space<vmem>> -> memref<128xi32, #tpu.memory_space<vmem>>
    %dma_wait3A_89 = arith.constant 0 : i32
    %dma_wait3A_90 = arith.constant 0 : i32
    %dma_wait3A_91 = tpu.memref_slice %arg10[%dma_wait3A_89, %dma_wait3A_90] : memref<10112x8xf32, #tpu.memory_space<vmem_shared>> -> memref<10112x8xf32, #tpu.memory_space<vmem_shared>>
    tpu.wait_indirect_dma semaphore(%arg13 : memref<!tpu.dma_semaphore, #tpu.memory_space<semaphore_mem>>) src(%dma_wait3A_91 : memref<10112x8xf32, #tpu.memory_space<vmem_shared>>) dst(%dma_wait3A_85 : memref<128x8xf32, #tpu.memory_space<vmem>>)
    %dma_wait3A_92 = arith.constant 0 : i32
    %dma_wait3A_93 = arith.constant 0 : i32
    %dma_wait3A_94 = arith.constant 0 : i32
    %dma_wait3A_95 = arith.constant 0 : i32
    %dma_wait3A_96 = tpu.memref_slice %arg8[%dma_wait3A_93, %dma_wait3A_94, %dma_wait3A_95] : memref<8x128x8xf32, #tpu.memory_space<vmem>> -> memref<1x128x8xf32, #tpu.memory_space<vmem>>
    %dma_wait3A_97 = tpu.memref_squeeze %dma_wait3A_96 : memref<1x128x8xf32, #tpu.memory_space<vmem>> -> memref<128x8xf32, #tpu.memory_space<vmem>>
    %dma_wait3A_98 = arith.constant 0 : i32
    %dma_wait3A_99 = tpu.memref_slice %arg6[%dma_wait3A_92, %dma_wait3A_98] : memref<160x128xi32, #tpu.memory_space<vmem>> -> memref<1x128xi32, #tpu.memory_space<vmem>>
    %dma_wait3A_100 = tpu.memref_squeeze %dma_wait3A_99 : memref<1x128xi32, #tpu.memory_space<vmem>> -> memref<128xi32, #tpu.memory_space<vmem>>
    %dma_wait3A_101 = arith.constant 0 : i32
    %dma_wait3A_102 = arith.constant 0 : i32
    %dma_wait3A_103 = tpu.memref_slice %arg10[%dma_wait3A_101, %dma_wait3A_102] : memref<10112x8xf32, #tpu.memory_space<vmem_shared>> -> memref<10112x8xf32, #tpu.memory_space<vmem_shared>>
    tpu.wait_indirect_dma semaphore(%arg13 : memref<!tpu.dma_semaphore, #tpu.memory_space<semaphore_mem>>) src(%dma_wait3A_103 : memref<10112x8xf32, #tpu.memory_space<vmem_shared>>) dst(%dma_wait3A_97 : memref<128x8xf32, #tpu.memory_space<vmem>>)
    %barrier3A_104 = arith.constant 0 : index
    tpu.barrier barrier_id(%barrier3A_104)
    "tpu.region"() ({
      %run_scoped3A = tpu.sem_alloc : memref<!tpu.dma_semaphore, #tpu.memory_space<semaphore_mem>>
      %dma_start3A_105 = arith.constant 0 : i32
      %dma_start3A_106 = tpu.memref_slice %arg11[%mul3A_2, %dma_start3A_105] : memref<10112x8xf32, #tpu.memory_space<vmem_shared>> -> memref<632x8xf32, #tpu.memory_space<vmem_shared>>
      %dma_start3A_107 = arith.constant 0 : i32
      %dma_start3A_108 = tpu.memref_slice %arg11[%mul3A_2, %dma_start3A_107] : memref<10112x8xf32, #tpu.memory_space<vmem_shared>> -> memref<632x8xf32, #tpu.memory_space<vmem_shared>>
      tpu.enqueue_dma source(%dma_start3A_108 : memref<632x8xf32, #tpu.memory_space<vmem_shared>>) target(%arg9 : memref<632x8xf32, #tpu.memory_space<vmem>>) target_semaphore(%run_scoped3A : memref<!tpu.dma_semaphore, #tpu.memory_space<semaphore_mem>>)
      %dma_wait3A_109 = arith.constant 0 : i32
      %dma_wait3A_110 = tpu.memref_slice %arg11[%mul3A_2, %dma_wait3A_109] : memref<10112x8xf32, #tpu.memory_space<vmem_shared>> -> memref<632x8xf32, #tpu.memory_space<vmem_shared>>
      %dma_wait3A_111 = arith.constant 0 : i32
      %dma_wait3A_112 = tpu.memref_slice %arg11[%mul3A_2, %dma_wait3A_111] : memref<10112x8xf32, #tpu.memory_space<vmem_shared>> -> memref<632x8xf32, #tpu.memory_space<vmem_shared>>
      tpu.wait_dma2 semaphore(%run_scoped3A : memref<!tpu.dma_semaphore, #tpu.memory_space<semaphore_mem>>) src(%dma_wait3A_112 : memref<632x8xf32, #tpu.memory_space<vmem_shared>>) dst(%arg9 : memref<632x8xf32, #tpu.memory_space<vmem>>)
      tpu.yield
    }) : () -> ()
    "tpu.region"() ({
      %run_scoped3A = tpu.sem_alloc : memref<!tpu.dma_semaphore, #tpu.memory_space<semaphore_mem>>
      %dma_start3A_105 = arith.constant 0 : i32
      %dma_start3A_106 = tpu.memref_slice %arg5[%arg0, %mul3A_2, %dma_start3A_105] : memref<2x10112x8xf32, #tpu.memory_space<hbm>> -> memref<1x632x8xf32, #tpu.memory_space<hbm>>
      %dma_start3A_107 = tpu.memref_squeeze %dma_start3A_106 : memref<1x632x8xf32, #tpu.memory_space<hbm>> -> memref<632x8xf32, #tpu.memory_space<hbm>>
      %dma_start3A_108 = arith.constant 0 : i32
      %dma_start3A_109 = tpu.memref_slice %arg5[%arg0, %mul3A_2, %dma_start3A_108] : memref<2x10112x8xf32, #tpu.memory_space<hbm>> -> memref<1x632x8xf32, #tpu.memory_space<hbm>>
      %dma_start3A_110 = tpu.memref_squeeze %dma_start3A_109 : memref<1x632x8xf32, #tpu.memory_space<hbm>> -> memref<632x8xf32, #tpu.memory_space<hbm>>
      tpu.enqueue_dma source(%arg9 : memref<632x8xf32, #tpu.memory_space<vmem>>) target(%dma_start3A_110 : memref<632x8xf32, #tpu.memory_space<hbm>>) target_semaphore(%run_scoped3A : memref<!tpu.dma_semaphore, #tpu.memory_space<semaphore_mem>>)
      %dma_wait3A_111 = arith.constant 0 : i32
      %dma_wait3A_112 = tpu.memref_slice %arg5[%arg0, %mul3A_2, %dma_wait3A_111] : memref<2x10112x8xf32, #tpu.memory_space<hbm>> -> memref<1x632x8xf32, #tpu.memory_space<hbm>>
      %dma_wait3A_113 = tpu.memref_squeeze %dma_wait3A_112 : memref<1x632x8xf32, #tpu.memory_space<hbm>> -> memref<632x8xf32, #tpu.memory_space<hbm>>
      %dma_wait3A_114 = arith.constant 0 : i32
      %dma_wait3A_115 = tpu.memref_slice %arg5[%arg0, %mul3A_2, %dma_wait3A_114] : memref<2x10112x8xf32, #tpu.memory_space<hbm>> -> memref<1x632x8xf32, #tpu.memory_space<hbm>>
      %dma_wait3A_116 = tpu.memref_squeeze %dma_wait3A_115 : memref<1x632x8xf32, #tpu.memory_space<hbm>> -> memref<632x8xf32, #tpu.memory_space<hbm>>
      tpu.wait_dma2 semaphore(%run_scoped3A : memref<!tpu.dma_semaphore, #tpu.memory_space<semaphore_mem>>) src(%arg9 : memref<632x8xf32, #tpu.memory_space<vmem>>) dst(%dma_wait3A_116 : memref<632x8xf32, #tpu.memory_space<hbm>>)
      tpu.yield
    }) : () -> ()
    return
  }
}

module attributes {stable_mosaic.version = 14 : i64} {
  func.func @_dec_body(%arg0: i32, %arg1: memref<1x64xf32, #tpu.memory_space<vmem>>, %arg2: memref<64x6400xf32, #tpu.memory_space<vmem>>, %arg3: memref<1x6400xf32, #tpu.memory_space<vmem>>, %arg4: memref<1x6400xf32, #tpu.memory_space<vmem>>) attributes {dimension_semantics = [#tpu.dimension_semantics<arbitrary>], iteration_bounds = array<i64: 25>, scalar_prefetch = 0 : i64, scratch_operands = 0 : i64, tpu.core_type = #tpu.core_type<tc>, window_params = [{pipeline_mode = #tpu.pipeline_mode<synchronous>, transform_indices = @transform_0, window_bounds = array<i64: 1, 64>}, {transform_indices = @transform_1, window_bounds = array<i64: 64, 6400>}, {transform_indices = @transform_2, window_bounds = array<i64: 1, 6400>}, {transform_indices = @transform_3, window_bounds = array<i64: 1, 6400>}]} {
    %get3A = arith.constant 0 : index
    %get3A_0 = arith.constant 0 : index
    %get3A_1 = vector.load %arg1[%get3A, %get3A_0] : memref<1x64xf32, #tpu.memory_space<vmem>>, vector<1x64xf32>
    %get3A_2 = arith.constant 0 : index
    %get3A_3 = arith.constant 0 : index
    %get3A_4 = vector.load %arg2[%get3A_2, %get3A_3] : memref<64x6400xf32, #tpu.memory_space<vmem>>, vector<64x6400xf32>
    %dot_general3A = arith.constant dense<0.000000e+00> : vector<1x6400xf32>
    %dot_general3A_5 = tpu.matmul %get3A_1, %get3A_4, %dot_general3A {dimension_numbers = #tpu.dot_dimension_numbers<[1], [0], [0], [1], [0, 0, 1, 1], [], []>, transpose_lhs_hint = false} : vector<1x64xf32>, vector<64x6400xf32>, vector<1x6400xf32> -> vector<1x6400xf32>
    %get3A_6 = arith.constant 0 : index
    %get3A_7 = arith.constant 0 : index
    %get3A_8 = vector.load %arg3[%get3A_6, %get3A_7] : memref<1x6400xf32, #tpu.memory_space<vmem>>, vector<1x6400xf32>
    %add3A = arith.addf %dot_general3A_5, %get3A_8 : vector<1x6400xf32>
    %max3A = arith.constant 0.000000e+00 : f32
    %max3A_9 = vector.broadcast %max3A : f32 to vector<1x6400xf32>
    %max3A_10 = arith.maximumf %add3A, %max3A_9 : vector<1x6400xf32>
    %swap3A = arith.constant 0 : index
    %swap3A_11 = arith.constant 0 : index
    %swap3A_12 = vector.load %arg4[%swap3A, %swap3A_11] : memref<1x6400xf32, #tpu.memory_space<vmem>>, vector<1x6400xf32>
    tpu.vector_store %arg4[%swap3A, %swap3A_11], %max3A_10 {strides = array<i32>} : memref<1x6400xf32, #tpu.memory_space<vmem>>, vector<1x6400xf32>,
    return
  }
  func.func @transform_0(%arg0: i32) -> (i32, i32) {
    %c0_i32 = arith.constant 0 : i32
    %c0_i32_0 = arith.constant 0 : i32
    %c0_i32_1 = arith.constant 0 : i32
    return %c0_i32, %c0_i32_0 : i32, i32
  }
  func.func @transform_1(%arg0: i32) -> (i32, i32) {
    %c0_i32 = arith.constant 0 : i32
    %c0_i32_0 = arith.constant 0 : i32
    return %c0_i32, %arg0 : i32, i32
  }
  func.func @transform_2(%arg0: i32) -> (i32, i32) {
    %c0_i32 = arith.constant 0 : i32
    %c0_i32_0 = arith.constant 0 : i32
    return %c0_i32, %arg0 : i32, i32
  }
  func.func @transform_3(%arg0: i32) -> (i32, i32) {
    %c0_i32 = arith.constant 0 : i32
    %c0_i32_0 = arith.constant 0 : i32
    return %c0_i32, %arg0 : i32, i32
  }
}

module attributes {stable_mosaic.version = 14 : i64} {
  func.func @_norm_body(%arg0: memref<10112x32xf32, #tpu.memory_space<vmem>>, %arg1: memref<10112x16xf32, #tpu.memory_space<vmem>>, %arg2: memref<16x16xf32, #tpu.memory_space<vmem>>, %arg3: memref<10112x16xf32, #tpu.memory_space<vmem>>, %arg4: memref<10112x1xf32, #tpu.memory_space<vmem>>) attributes {dimension_semantics = [], scalar_prefetch = 0 : i64, scratch_operands = 0 : i64, tpu.core_type = #tpu.core_type<tc>} {
    %get3A = arith.constant 0 : index
    %get3A_0 = arith.constant 0 : index
    %get3A_1 = vector.load %arg0[%get3A, %get3A_0] : memref<10112x32xf32, #tpu.memory_space<vmem>>, vector<10112x32xf32>
    %reduce_sum3A = arith.constant dense<0.000000e+00> : vector<10112xf32>
    %reduce_sum3A_2 = vector.multi_reduction <add>, %get3A_1, %reduce_sum3A [1] : vector<10112x32xf32> to vector<10112xf32>
    %broadcast_in_dim3A = vector.shape_cast %reduce_sum3A_2 : vector<10112xf32> to vector<10112x1xf32>
    %add3A = arith.constant 1.000000e+00 : f32
    %add3A_3 = vector.broadcast %add3A : f32 to vector<10112x1xf32>
    %add3A_4 = arith.addf %broadcast_in_dim3A, %add3A_3 : vector<10112x1xf32>
    %rsqrt3A = math.rsqrt %add3A_4 : vector<10112x1xf32>
    %swap3A = arith.constant 0 : index
    %swap3A_5 = arith.constant 0 : index
    %swap3A_6 = vector.load %arg4[%swap3A, %swap3A_5] : memref<10112x1xf32, #tpu.memory_space<vmem>>, vector<10112x1xf32>
    tpu.vector_store %arg4[%swap3A, %swap3A_5], %rsqrt3A {strides = array<i32>} : memref<10112x1xf32, #tpu.memory_space<vmem>>, vector<10112x1xf32>,
    %get3A_7 = arith.constant 0 : index
    %get3A_8 = arith.constant 0 : index
    %get3A_9 = vector.load %arg1[%get3A_7, %get3A_8] : memref<10112x16xf32, #tpu.memory_space<vmem>>, vector<10112x16xf32>
    %get3A_10 = arith.constant 0 : index
    %get3A_11 = arith.constant 0 : index
    %get3A_12 = vector.load %arg2[%get3A_10, %get3A_11] : memref<16x16xf32, #tpu.memory_space<vmem>>, vector<16x16xf32>
    %dot_general3A = arith.constant dense<0.000000e+00> : vector<10112x16xf32>
    %dot_general3A_13 = tpu.matmul %get3A_9, %get3A_12, %dot_general3A {dimension_numbers = #tpu.dot_dimension_numbers<[1], [0], [0], [1], [0, 0, 1, 1], [], []>, transpose_lhs_hint = false} : vector<10112x16xf32>, vector<16x16xf32>, vector<10112x16xf32> -> vector<10112x16xf32>
    %mul3A = vector.broadcast %rsqrt3A : vector<10112x1xf32> to vector<10112x16xf32>
    %mul3A_14 = arith.mulf %mul3A, %dot_general3A_13 : vector<10112x16xf32>
    %swap3A_15 = arith.constant 0 : index
    %swap3A_16 = arith.constant 0 : index
    %swap3A_17 = vector.load %arg3[%swap3A_15, %swap3A_16] : memref<10112x16xf32, #tpu.memory_space<vmem>>, vector<10112x16xf32>
    tpu.vector_store %arg3[%swap3A_15, %swap3A_16], %mul3A_14 {strides = array<i32>} : memref<10112x16xf32, #tpu.memory_space<vmem>>, vector<10112x16xf32>,
    return
  }
}

module attributes {stable_mosaic.version = 14 : i64} {
  func.func @_mid_body(%arg0: memref<2x10112x16xf32, #tpu.memory_space<vmem>>, %arg1: memref<10112x16xf32, #tpu.memory_space<vmem>>, %arg2: memref<10112x1xf32, #tpu.memory_space<vmem>>, %arg3: memref<1x16xf32, #tpu.memory_space<vmem>>, %arg4: memref<16x8xf32, #tpu.memory_space<vmem>>, %arg5: memref<10112x8xf32, #tpu.memory_space<vmem>>) attributes {dimension_semantics = [], scalar_prefetch = 0 : i64, scratch_operands = 0 : i64, tpu.core_type = #tpu.core_type<tc>} {
    %get3A = arith.constant 0 : index
    %get3A_0 = arith.constant 0 : index
    %get3A_1 = vector.load %arg2[%get3A, %get3A_0] : memref<10112x1xf32, #tpu.memory_space<vmem>>, vector<10112x1xf32>
    %get3A_2 = arith.constant 0 : index
    %get3A_3 = arith.constant 0 : index
    %get3A_4 = arith.constant 0 : index
    %get3A_5 = vector.load %arg0[%get3A_2, %get3A_3, %get3A_4] : memref<2x10112x16xf32, #tpu.memory_space<vmem>>, vector<1x10112x16xf32>
    %get3A_6 = vector.shape_cast %get3A_5 : vector<1x10112x16xf32> to vector<10112x16xf32>
    %get3A_7 = arith.constant 1 : index
    %get3A_8 = arith.constant 0 : index
    %get3A_9 = arith.constant 0 : index
    %get3A_10 = vector.load %arg0[%get3A_7, %get3A_8, %get3A_9] : memref<2x10112x16xf32, #tpu.memory_space<vmem>>, vector<1x10112x16xf32>
    %get3A_11 = vector.shape_cast %get3A_10 : vector<1x10112x16xf32> to vector<10112x16xf32>
    %add3A = arith.addf %get3A_6, %get3A_11 : vector<10112x16xf32>
    %get3A_12 = arith.constant 0 : index
    %get3A_13 = arith.constant 0 : index
    %get3A_14 = vector.load %arg1[%get3A_12, %get3A_13] : memref<10112x16xf32, #tpu.memory_space<vmem>>, vector<10112x16xf32>
    %add3A_15 = arith.addf %add3A, %get3A_14 : vector<10112x16xf32>
    %mul3A = vector.broadcast %get3A_1 : vector<10112x1xf32> to vector<10112x16xf32>
    %mul3A_16 = arith.mulf %mul3A, %add3A_15 : vector<10112x16xf32>
    %get3A_17 = arith.constant 0 : index
    %get3A_18 = arith.constant 0 : index
    %get3A_19 = vector.load %arg3[%get3A_17, %get3A_18] : memref<1x16xf32, #tpu.memory_space<vmem>>, vector<1x16xf32>
    %add3A_20 = vector.broadcast %get3A_19 : vector<1x16xf32> to vector<10112x16xf32>
    %add3A_21 = arith.addf %mul3A_16, %add3A_20 : vector<10112x16xf32>
    %max3A = arith.constant 0.000000e+00 : f32
    %max3A_22 = vector.broadcast %max3A : f32 to vector<10112x16xf32>
    %max3A_23 = arith.maximumf %add3A_21, %max3A_22 : vector<10112x16xf32>
    %get3A_24 = arith.constant 0 : index
    %get3A_25 = arith.constant 0 : index
    %get3A_26 = vector.load %arg4[%get3A_24, %get3A_25] : memref<16x8xf32, #tpu.memory_space<vmem>>, vector<16x8xf32>
    %dot_general3A = arith.constant dense<0.000000e+00> : vector<10112x8xf32>
    %dot_general3A_27 = tpu.matmul %max3A_23, %get3A_26, %dot_general3A {dimension_numbers = #tpu.dot_dimension_numbers<[1], [0], [0], [1], [0, 0, 1, 1], [], []>, transpose_lhs_hint = false} : vector<10112x16xf32>, vector<16x8xf32>, vector<10112x8xf32> -> vector<10112x8xf32>
    %mul3A_28 = vector.broadcast %get3A_1 : vector<10112x1xf32> to vector<10112x8xf32>
    %mul3A_29 = arith.mulf %mul3A_28, %dot_general3A_27 : vector<10112x8xf32>
    %swap3A = arith.constant 0 : index
    %swap3A_30 = arith.constant 0 : index
    %swap3A_31 = vector.load %arg5[%swap3A, %swap3A_30] : memref<10112x8xf32, #tpu.memory_space<vmem>>, vector<10112x8xf32>
    tpu.vector_store %arg5[%swap3A, %swap3A_30], %mul3A_29 {strides = array<i32>} : memref<10112x8xf32, #tpu.memory_space<vmem>>, vector<10112x8xf32>,
    return
  }
}

module attributes {stable_mosaic.version = 14 : i64} {
  func.func @_mid_body(%arg0: memref<2x10112x8xf32, #tpu.memory_space<vmem>>, %arg1: memref<10112x8xf32, #tpu.memory_space<vmem>>, %arg2: memref<10112x1xf32, #tpu.memory_space<vmem>>, %arg3: memref<1x8xf32, #tpu.memory_space<vmem>>, %arg4: memref<8x1xf32, #tpu.memory_space<vmem>>, %arg5: memref<10112x1xf32, #tpu.memory_space<vmem>>) attributes {dimension_semantics = [], scalar_prefetch = 0 : i64, scratch_operands = 0 : i64, tpu.core_type = #tpu.core_type<tc>} {
    %get3A = arith.constant 0 : index
    %get3A_0 = arith.constant 0 : index
    %get3A_1 = vector.load %arg2[%get3A, %get3A_0] : memref<10112x1xf32, #tpu.memory_space<vmem>>, vector<10112x1xf32>
    %get3A_2 = arith.constant 0 : index
    %get3A_3 = arith.constant 0 : index
    %get3A_4 = arith.constant 0 : index
    %get3A_5 = vector.load %arg0[%get3A_2, %get3A_3, %get3A_4] : memref<2x10112x8xf32, #tpu.memory_space<vmem>>, vector<1x10112x8xf32>
    %get3A_6 = vector.shape_cast %get3A_5 : vector<1x10112x8xf32> to vector<10112x8xf32>
    %get3A_7 = arith.constant 1 : index
    %get3A_8 = arith.constant 0 : index
    %get3A_9 = arith.constant 0 : index
    %get3A_10 = vector.load %arg0[%get3A_7, %get3A_8, %get3A_9] : memref<2x10112x8xf32, #tpu.memory_space<vmem>>, vector<1x10112x8xf32>
    %get3A_11 = vector.shape_cast %get3A_10 : vector<1x10112x8xf32> to vector<10112x8xf32>
    %add3A = arith.addf %get3A_6, %get3A_11 : vector<10112x8xf32>
    %get3A_12 = arith.constant 0 : index
    %get3A_13 = arith.constant 0 : index
    %get3A_14 = vector.load %arg1[%get3A_12, %get3A_13] : memref<10112x8xf32, #tpu.memory_space<vmem>>, vector<10112x8xf32>
    %add3A_15 = arith.addf %add3A, %get3A_14 : vector<10112x8xf32>
    %mul3A = vector.broadcast %get3A_1 : vector<10112x1xf32> to vector<10112x8xf32>
    %mul3A_16 = arith.mulf %mul3A, %add3A_15 : vector<10112x8xf32>
    %get3A_17 = arith.constant 0 : index
    %get3A_18 = arith.constant 0 : index
    %get3A_19 = vector.load %arg3[%get3A_17, %get3A_18] : memref<1x8xf32, #tpu.memory_space<vmem>>, vector<1x8xf32>
    %add3A_20 = vector.broadcast %get3A_19 : vector<1x8xf32> to vector<10112x8xf32>
    %add3A_21 = arith.addf %mul3A_16, %add3A_20 : vector<10112x8xf32>
    %max3A = arith.constant 0.000000e+00 : f32
    %max3A_22 = vector.broadcast %max3A : f32 to vector<10112x8xf32>
    %max3A_23 = arith.maximumf %add3A_21, %max3A_22 : vector<10112x8xf32>
    %get3A_24 = arith.constant 0 : index
    %get3A_25 = arith.constant 0 : index
    %get3A_26 = vector.load %arg4[%get3A_24, %get3A_25] : memref<8x1xf32, #tpu.memory_space<vmem>>, vector<8x1xf32>
    %dot_general3A = arith.constant dense<0.000000e+00> : vector<10112x1xf32>
    %dot_general3A_27 = tpu.matmul %max3A_23, %get3A_26, %dot_general3A {dimension_numbers = #tpu.dot_dimension_numbers<[1], [0], [0], [1], [0, 0, 1, 1], [], []>, transpose_lhs_hint = false} : vector<10112x8xf32>, vector<8x1xf32>, vector<10112x1xf32> -> vector<10112x1xf32>
    %mul3A_28 = arith.mulf %get3A_1, %dot_general3A_27 : vector<10112x1xf32>
    %swap3A = arith.constant 0 : index
    %swap3A_29 = arith.constant 0 : index
    %swap3A_30 = vector.load %arg5[%swap3A, %swap3A_29] : memref<10112x1xf32, #tpu.memory_space<vmem>>, vector<10112x1xf32>
    tpu.vector_store %arg5[%swap3A, %swap3A_29], %mul3A_28 {strides = array<i32>} : memref<10112x1xf32, #tpu.memory_space<vmem>>, vector<10112x1xf32>,
    return
  }
}

module attributes {stable_mosaic.version = 14 : i64} {
  func.func @_fin_body(%arg0: memref<10112x32xf32, #tpu.memory_space<vmem>>, %arg1: memref<10112x1xf32, #tpu.memory_space<vmem>>, %arg2: memref<10112x1xf32, #tpu.memory_space<vmem>>, %arg3: memref<1x1xf32, #tpu.memory_space<vmem>>, %arg4: memref<10112x1xf32, #tpu.memory_space<vmem>>) attributes {dimension_semantics = [], scalar_prefetch = 0 : i64, scratch_operands = 0 : i64, tpu.core_type = #tpu.core_type<tc>} {
    %get3A = arith.constant 0 : index
    %get3A_0 = arith.constant 0 : index
    %get3A_1 = vector.load %arg0[%get3A, %get3A_0] : memref<10112x32xf32, #tpu.memory_space<vmem>>, vector<10112x32xf32>
    %reduce_sum3A = arith.constant dense<0.000000e+00> : vector<10112xf32>
    %reduce_sum3A_2 = vector.multi_reduction <add>, %get3A_1, %reduce_sum3A [1] : vector<10112x32xf32> to vector<10112xf32>
    %broadcast_in_dim3A = vector.shape_cast %reduce_sum3A_2 : vector<10112xf32> to vector<10112x1xf32>
    %get3A_3 = arith.constant 0 : index
    %get3A_4 = arith.constant 0 : index
    %get3A_5 = vector.load %arg2[%get3A_3, %get3A_4] : memref<10112x1xf32, #tpu.memory_space<vmem>>, vector<10112x1xf32>
    %get3A_6 = arith.constant 0 : index
    %get3A_7 = arith.constant 0 : index
    %get3A_8 = vector.load %arg1[%get3A_6, %get3A_7] : memref<10112x1xf32, #tpu.memory_space<vmem>>, vector<10112x1xf32>
    %add3A = arith.addf %broadcast_in_dim3A, %get3A_8 : vector<10112x1xf32>
    %mul3A = arith.mulf %get3A_5, %add3A : vector<10112x1xf32>
    %get3A_9 = arith.constant 0 : index
    %get3A_10 = arith.constant 0 : index
    %get3A_11 = vector.load %arg3[%get3A_9, %get3A_10] : memref<1x1xf32, #tpu.memory_space<vmem>>, vector<1x1xf32>
    %add3A_12 = vector.broadcast %get3A_11 : vector<1x1xf32> to vector<10112x1xf32>
    %add3A_13 = arith.addf %mul3A, %add3A_12 : vector<10112x1xf32>
    %logistic3A = arith.negf %add3A_13 : vector<10112x1xf32>
    %logistic3A_14 = math.exp %logistic3A : vector<10112x1xf32>
    %logistic3A_15 = arith.constant 1.000000e+00 : f32
    %logistic3A_16 = vector.broadcast %logistic3A_15 : f32 to vector<10112x1xf32>
    %logistic3A_17 = arith.addf %logistic3A_16, %logistic3A_14 : vector<10112x1xf32>
    %logistic3A_18 = arith.divf %logistic3A_16, %logistic3A_17 : vector<10112x1xf32>
    %swap3A = arith.constant 0 : index
    %swap3A_19 = arith.constant 0 : index
    %swap3A_20 = vector.load %arg4[%swap3A, %swap3A_19] : memref<10112x1xf32, #tpu.memory_space<vmem>>, vector<10112x1xf32>
    tpu.vector_store %arg4[%swap3A, %swap3A_19], %logistic3A_18 {strides = array<i32>} : memref<10112x1xf32, #tpu.memory_space<vmem>>, vector<10112x1xf32>,
    return
  }
}

</mosaic_0001>

<sc_bundles>
// kernel: kernel.11.cloned.1.call-start
scs
__scs_entry_jumppad:
0x0: {  	(pc) =	sbr.rel $0x88, $3  }
0x1: {  	(tag) =	ssettag $0x0;
	lr =	simm.s32 $0x1  }
0x2: {  	[smem:$0x3F97] =	sst lr;
	_ =	strace $0xD0000000  }
0x3: {  	_ = 	snop  }
0x4: {  	_ = 	snop  }
0x5: {  	_ = 	snop  }
0x6: {  	_ = 	snop  }
0x7: {  	_ = 	snop  }
__scs_overlays_trampoline_lowered:
0x8: {  	[smem:$0x3FA6] =	sst s0  }
0x9: {  	[smem:$0x3FA7] =	sst s1  }
0xa: {  	[smem:$0x3FA8] =	sst s2  }
0xb: {  	[smem:$0x3FA9] =	sst s3  }
0xc: {  	[smem:$0x3FAA] =	sst s4  }
0xd: {  	[smem:$0x3FAB] =	sst s5  }
0xe: {  	[smem:$0x3FAC] =	sst s6  }
0xf: {  	[smem:$0x3FAD] =	sst s7  }
0x10: {  	[smem:$0x3FAE] =	sst s8  }
0x11: {  	[smem:$0x3FAF] =	sst s9;
	s0 =	simm.s32 @!p0 $0x0  }
0x12: {  	s1 =	sld [smem:$0x3F95];
	s0 =	simm.s32 @p0 $0x1  }
0x13: {  	[smem:$0x3FB0] =	sst s0;
	s0 =	simm.s32 @!p1 $0x0  }
0x14: {  	s2 =	sld [smem:$0x3F94];
	s0 =	simm.s32 @p1 $0x1  }
0x15: {  	[smem:$0x3FB1] =	sst s0;
	s0 =	simm.s32 @!p2 $0x0  }
0x16: {  	s3 =	sld [smem:$0x3FDB];
	s0 =	simm.s32 @p2 $0x1  }
0x17: {  	s4 =	simm.s32 $0x1BF5;
	[smem:$0x3FB3] =	sst s0  }
0x18: {  	s0 =	sld [smem:$0x3F96];
	_ =	swait.ge [sflag:s4], $0x0  }
0x19: {  	s7 =	sld [smem:$0x3F97]  }
0x1a: {  	s8 =	sadd.s32 $0xFFFFE003, lr  }
0x1b: {  	s9 =	sadd.s32 $0xFFFFFEF7, lr;
	s5 =	simm.s32 $0xFFFFFFFF;
	p2 =	slt.u32 s8, $0xFFFFF086  }
0x1c: {  	p1 =	slt.u32 s9, $0xF7A;
	s5 =	simm.s32 @!p2 $0x0  }
0x1d: {  	s5 =	simm.s32 @p1 $0x1;
	p0 =	seq.s32 s7, s2  }
0x1e: {  	s7 =	smul.u32 @!p0 $0xF7A, s2;
	p2 =	seq.s32 @!p0 s5, $0x0  }
0x1f: {  	s9 =	smul.u32 $0xF7A, s1;
	s8 =	simm.s32 @!p0 $0x1BF5;
	p2 =	por !p2, p0  }
0x20: {  	[sflag:s8] =	ssyncset.s32 @!p0 $0xFFFFF086;
	s6 =	sadd.s32 @!p0 s3, s7;
	s7 =	simm.s32 @!p0 $0x108  }
0x21: {  	s3 =	sadd.s32 s3, s9;
	s6 =	sadd.s32 @!p0 $0x88, s6;
	s7 =	simm.s32 @p2 $0x1082  }
0x22: {  	[simem:s7], [sflag:s8] =	dma.local @!p0 [hbm:s6], $0xF7A  }
0x23: {  	s9 =	sor.u32 $0xD0000000, s2;
	s6 =	simm.s32 $0x108;
	_ =	swait.ge @!p0 [sflag:s8], $0x0  }
0x24: {  	s3 =	sadd.s32 $0x88, s3;
	s6 =	simm.s32 @!p1 $0x1082;
	[sflag:s4] =	ssyncset.s32 $0xFFFFF086  }
0x25: {  	[simem:s6], [sflag:s4] =	dma.local [hbm:s3], $0xF7A  }
0x26: {  	[smem:$0x3F97] =	sst s1;
	(tag) =	ssettag s2;
	_ =	strace s9  }
0x27: {  	s1 =	sld [smem:$0x3FA7]  }
0x28: {  	s2 =	sld [smem:$0x3FA8]  }
0x29: {  	s4 =	sld [smem:$0x3FAA]  }
0x2a: {  	p0 =	seq.s32 s5, $0x0;
	s5 =	sld [smem:$0x3FAB]  }
0x2b: {  	s6 =	sld [smem:$0x3FAC]  }
0x2c: {  	s7 =	sld [smem:$0x3FAD]  }
0x2d: {  	s3 =	simm.s32 $0x108;
	s8 =	sld [smem:$0x3FAE]  }
0x2e: {  	s3 =	simm.s32 @!p0 $0x1082;
	s9 =	sld [smem:$0x3FAF]  }
0x2f: {  	lr =	sadd.s32 s0, s3;
	s0 =	sld [smem:$0x3FA6]  }
0x30: {  	s3 =	sld [smem:$0x3FA9]  }
0x31: {  	[smem:$0x3FB2] =	sst s10  }
0x32: {  	s10 =	sld [smem:$0x3FB0];
	_ =	sdelay $0x3  }
0x33: {  	p0 =	seq.s32 s10, $0x1;
	s10 =	sld [smem:$0x3FB2];
	_ =	sdelay $0x3  }
0x34: {  	[smem:$0x3FB2] =	sst s10  }
0x35: {  	s10 =	sld [smem:$0x3FB1];
	_ =	sdelay $0x3  }
0x36: {  	p1 =	seq.s32 s10, $0x1;
	s10 =	sld [smem:$0x3FB2];
	_ =	sdelay $0x3  }
0x37: {  	[smem:$0x3FB2] =	sst s10  }
0x38: {  	s10 =	sld [smem:$0x3FB3]  }
0x39: {  	_ = 	snop;
	(pc) =	sbr.ind lr, $3  }
0x3a: {  	_ = 	snop  }
0x3b: {  	_ = 	snop  }
0x3c: {  	p2 =	seq.s32 s10, $0x1;
	s10 =	sld [smem:$0x3FB2]  }
0x3d: {  	_ =	shalt  }
0x3e: {  	_ =	shalt  }
0x3f: {  	_ =	shalt  }
0x40: {  	_ =	shalt  }
0x41: {  	_ =	shalt  }
0x42: {  	_ =	shalt  }
0x43: {  	_ =	shalt  }
0x44: {  	_ =	shalt  }
0x45: {  	_ =	shalt  }
0x46: {  	_ =	shalt  }
0x47: {  	_ =	shalt  }
0x48: {  	_ =	shalt  }
0x49: {  	_ =	shalt  }
0x4a: {  	_ =	shalt  }
0x4b: {  	_ =	shalt  }
0x4c: {  	_ =	shalt  }
0x4d: {  	_ =	shalt  }
0x4e: {  	_ =	shalt  }
0x4f: {  	_ =	shalt  }
0x50: {  	_ =	shalt  }
0x51: {  	_ =	shalt  }
0x52: {  	_ =	shalt  }
0x53: {  	_ =	shalt  }
0x54: {  	_ =	shalt  }
0x55: {  	_ =	shalt  }
0x56: {  	_ =	shalt  }
0x57: {  	_ =	shalt  }
0x58: {  	_ =	shalt  }
0x59: {  	_ =	shalt  }
0x5a: {  	_ =	shalt  }
0x5b: {  	_ =	shalt  }
0x5c: {  	_ =	shalt  }
0x5d: {  	_ =	shalt  }
0x5e: {  	_ =	shalt  }
0x5f: {  	_ =	shalt  }
0x60: {  	_ =	shalt  }
0x61: {  	_ =	shalt  }
0x62: {  	_ =	shalt  }
0x63: {  	_ =	shalt  }
0x64: {  	_ =	shalt  }
0x65: {  	_ =	shalt  }
0x66: {  	_ =	shalt  }
0x67: {  	_ =	shalt  }
0x68: {  	_ =	shalt  }
0x69: {  	_ =	shalt  }
0x6a: {  	_ =	shalt  }
0x6b: {  	_ =	shalt  }
0x6c: {  	_ =	shalt  }
0x6d: {  	_ =	shalt  }
0x6e: {  	_ =	shalt  }
0x6f: {  	_ =	shalt  }
0x70: {  	_ =	shalt  }
0x71: {  	_ =	shalt  }
0x72: {  	_ =	shalt  }
0x73: {  	_ =	shalt  }
0x74: {  	_ =	shalt  }
0x75: {  	_ =	shalt  }
0x76: {  	_ =	shalt  }
0x77: {  	_ =	shalt  }
0x78: {  	_ =	shalt  }
0x79: {  	_ =	shalt  }
0x7a: {  	_ =	shalt  }
0x7b: {  	_ =	shalt  }
0x7c: {  	_ =	shalt  }
0x7d: {  	_ =	shalt  }
0x7e: {  	_ =	shalt  }
0x7f: {  	_ =	shalt  }
0x80: {  	_ =	shalt  }
0x81: {  	_ =	shalt  }
0x82: {  	_ =	shalt  }
0x83: {  	_ =	shalt  }
0x84: {  	_ =	shalt  }
0x85: {  	_ =	shalt  }
0x86: {  	_ =	shalt  }
0x87: {  	_ =	shalt  }
.Lfunc_end0:
.L_simem_size_0:
called_computation_lowered:
.L_overlay_start_0:
0x88: {  	s2 =	sld [smem:$0x3FD9]  }
0x89: {  	s3 =	sld [smem:$0x3FFE];
	_ =	sdelay $0x1  }
0x8a: {  	s1 =	srdreg.scid  }
0x8b: {  	s0 =	sand.u32 $0x1, s1  }
0x8c: {  	s16 =	sshll.u32 s0, $0xA;
	s2 =	sadd.s32 s3, s2  }
0x8d: {  	s2 =	sadd.s32 s2, s16  }
0x8e: {  	[smem:$0x3FBE] =	sst s2  }
0x8f: {  	_ = 	snop  }
0x90: {  	(tm) =	ssettm $0x1  }
0x91: {  	s17 =	sld [smem:$0x3FFB];
	_ =	sdelay $0x3  }
0x92: {  	_ =	strace s17  }
0x93: {  	s2 =	sld [smem:$0x3FFC];
	_ =	sdelay $0x3  }
0x94: {  	_ =	strace s2  }
0x95: {  	s2 =	sld [smem:$0x3FFD];
	_ =	sdelay $0x3  }
0x96: {  	_ =	strace s2  }
0x97: {  	_ =	strace $0x8FFFFFFF  }
0x98: {  	s18 =	sld [smem:$0x3FDB];
	_ =	sdelay $0x1  }
0x99: {  	s19 =	simm.s32 $_scs_section_size  }
0x9a: {  	s4 =	simm.s32 $_size__tile_overlayer_lowered;
	s5 =	simm.s32 $_tile_overlayer_lowered  }
0x9b: {  	s22 =	simm.s32 $0x1BFF;
	s21 =	sshll.u32 s5, $0x1;
	s2 =	sadd.s32 s19, s18  }
0x9c: {  	s6 =	simm.s32 $0x0;
	s20 =	sshll.u32 s4, $0x1;
	s4 =	sadd.s32 s21, s2  }
0x9d: {  	[timem:s6], [sflag:s22] =	dma.local [hbm:s4], s20  }
0x9e: {  	_ =	swait.ge [sflag:s22], s20  }
0x9f: {  	s3 =	ssub.s32 $0x0, s20;
	[sflag:s22] =	ssyncset.done $0x0  }
0xa0: {  	[sflag:s22] =	ssyncadd.s32 s3;
	_ =	sdelay $0x1  }
0xa1: {  	s23 =	simm.s32 $0x1B8B  }
0xa2: {  	_ =	swait.ge [sflag:s23], $0x1  }
0xa3: {  	[sflag:s23] =	ssyncset.done $0x0  }
0xa4: {  	s25 =	simm.s32 $0x1B8E;
	s24 =	sld [smem:$0x3FFE];
	[sflag:s23] =	ssyncadd.s32 $0xFFFFFFFF  }
0xa5: {  	s26 =	simm.s32 $execute0_lowered;
	[smem:$0x3FD2] =	sst s25  }
0xa6: {  	s4 =	sshll.u32 s26, $0x1;
	_ =	strace $0x80000046;
	[dreg:$0x1] =	wrdreg $0xFFFFFFFF  }
0xa7: {  	s28 =	simm.s32 $_size_execute0_lowered;
	s2 =	sadd.s32 s2, s4;
	[dreg:$0x0] =	wrdreg $0x0  }
0xa8: {  	s4 =	sshll.u32 s28, $0x1;
	[dreg:$0x2] =	wrdreg s2  }
0xa9: {  	[dreg:$0x3] =	wrdreg s4  }
0xaa: {  	[dreg:$0x4] =	wrdreg $0xC0  }
0xab: {  	_ =	task [dreg:s6], $0x5FFFF  }
0xac: {  	[dreg:$0x1] =	wrdreg $0xFFFFFFFF  }
0xad: {  	[dreg:$0x0] =	wrdreg $0x60  }
0xae: {  	[dreg:$0x2] =	wrdreg s24  }
0xaf: {  	[dreg:$0x3] =	wrdreg $0x9  }
0xb0: {  	_ =	task.clear_ibuf [dreg:s6], $0x4FFFF;
	_ =	strace $0x90000046  }
0xb1: {  	s29 =	simm.s32 $0x9;
	_ =	strace $0x80000048  }
0xb2: {  	_ =	swait.ge [sflag:s29], $0x1  }
0xb3: {  	[sflag:s29] =	ssyncadd.s32 $0xFFFFFFFF  }
0xb4: {  	_ =	strace $0x90000048  }
0xb5: {  	_ =	sfence  }
0xb6: {  	s30 =	sld [smem:$0x0];
	_ =	sdelay $0x2  }
0xb7: {  	s31 =	sshll.u32 s1, $0xD;
	s1 =	sshrl.u32 s1, $0x2  }
0xb8: {  	s3 =	sand.u32 $0x4000, s31;
	s1 =	sadd.s32 s1, s30  }
0xb9: {  	s0 =	sor.u32 s3, s0;
	s1 =	sshll.u32 s1, $0x11  }
0xba: {  	s0 =	sor.u32 s1, s0  }
0xbb: {  	s0 =	sadd.s32 $0x8F2B, s0  }
0xbc: {  	[sflag:s0] =	ssyncadd.remote.s32 $0x1  }
0xbd: {  	_ =	sfence.sel $0xFFFF  }
0xbe: {  	[dreg:$0x0] =	wrdreg $0xFFFFFFFF;
	(pc) =	sbr.abs _section_cstart, $3  }
0xbf: {  	[dreg:$0x1] =	wrdreg $0xFFFFFFFF  }
0xc0: {  	_ =	task.clear_ibuf [dreg:s6], $0x2FFFF;
	_ =	strace $0x9FFFFFFF  }
0xc1: {  	(tm) =	ssettm $0x7FFFFFFF  }
tec
execute0_lowered:
.L_overlay_start_1:
0x0: {  	(tag) =	ssettag $0x1  }
0x1: {  	s0 =	srdreg.scid  }
0x2: {  	s3 =	sand.u32 $0x1, s0  }
0x3: {  	s4 =	rddreg [dreg:$0x0];
	s0 =	stileid.u32;
	s1 =	sshll.u32 s3, $0x4  }
0x4: {  	s2 =	simm.s32 $0x0;
	s8 =	simm.s32 $0x0;
	s5 =	sor.u32 s0, s1  }
0x5: {  	[smem:$0x7FF] =	sst s2;
	s3 =	ssub.s32 $0x2, s3;
	s6 =	smul.u32 $0xA00, s5  }
0x6: {  	s1 =	rddreg [dreg:$0x1];
	s7 =	sshrl.u32 s3, $0x1;
	s5 =	smul.u32 $0x4F0, s5  }
0x7: {  	_ =	strace $0x80000047;
	s31 =	ssub.s32 s3, s7;
	s7 =	simm.s32 $0x5000  }
0x8: {  	s6 =	sadd.s32 s6, s4;
	s4 =	sadd.s32 s5, s4;
	s5 =	smax.u32 s31, $0x1  }
0x9: {  	v0 =	vimm.f32 $0.0e+00;
	v1 =	vimm.f32 $1.000000000e+00;
	s3 =	sadd.s32 $0x15A00, s6;
	s4 =	sadd.s32 $0x29A00, s4;
	s6 =	simm.s32 $0x1  }
.LBB2_1:
0xa: {  	[tilespmem:s2], [sflag:$0x1] =	stream.linear.gather [hbm4b:s3+s2], $0x5000, $0x38;
	[tilespmem:$0x7780] =	vst v63  }
0xb: {  	_ =	swait.ge [sflag:s6], $0x5000  }
0xc: {  	[sflag:s6] =	ssyncset.done $0x0  }
0xd: {  	s9 =	simm.s32 $0x0;
	[sflag:s6] =	ssyncadd.s32 $0xFFFFB000  }
.LBB2_2:
0xe: {  	p0 =	sne.s32 s9, $0x9DC0  }
.Ltmp0:
0xf: {  	_ = 	snop;
	(pc) =	sbr.rel @p0 .LBB2_2-.Ltmp0, $3  }
0x10: {  	_ =	sdelay $0x1  }
0x11: {  	s10 =	sshra.s32 s9, $0x2  }
0x12: {  	s9 =	sadd.s32 $0x40, s9;
	[tilespmem:s10+$0x5000] =	vst v0  }
0x13: {  	s10 =	simm.s32 $0x0;
	s9 =	simm.s32 $0x40  }
.LBB2_4:
0x14: {  	p0 =	sne.s32 s9, $0x13FC0;
	v2 =	vld [tilespmem:s10+$0x0];
	_ =	sdelay $0x3  }
.Ltmp1:
0x15: {  	(pc) =	sbr.rel @p0 .LBB2_4-.Ltmp1, $2  }
0x16: {  	_ =	sdelay $0x2  }
0x17: {  	s10 =	sshra.s32 s9, $0x2;
	s9 =	sadd.s32 $0x40, s9;
	[tilespmem:v2+s7+$0x0] =	vst.idx.add.f32.msk $0xffff, v1  }
0x18: {  	v2 =	vld [tilespmem:s10+$0x0];
	_ =	sdelay $0x5  }
0x19: {  	s8 =	sadd.s32 $0x1, s8  }
0x1a: {  	p0 =	sne.s32 s8, s5  }
.Ltmp2:
0x1b: {  	[tilespmem:v2+s7+$0x0] =	vst.idx.add.f32.msk $0xffff, v1;
	(pc) =	sbr.rel @p0 .LBB2_1-.Ltmp2, $4  }
0x1c: {  	[hbm4b:s4+s2] =	stream.linear.scatter [tilespmem:s7], [sflag:$0x1], $0x2780, $0x38;
	[tilespmem:$0x7780] =	vst v63  }
0x1d: {  	_ =	swait.ge [sflag:s6], $0x2780  }
0x1e: {  	[sflag:s6] =	ssyncset.done $0x0  }
0x1f: {  	[sflag:s6] =	ssyncadd.s32 $0xFFFFD880  }
0x20: {  	_ =	sfence.sel $0x180000  }
0x21: {  	[bflag:$0x0] =	sbarrier.arrive $0xFFFF  }
0x22: {  	p0 =	sne.s32 s0, $0x0;
	_ =	strace $0x90000047  }
0x23: {  	s0 =	sadd.s32 @!p0 $0x100000, s1;
	[bflag:$0x2] =	sbarrier.arrive $0xFFFF  }
0x24: {  	[sflag:s0] =	ssyncadd.tile.s32 @!p0 $0x1;
	_ =	shalt  }
.Lfunc_end2:
_tile_overlayer_lowered:
.L_overlay_start_2:
0x25: {  	(tag) =	ssettag $0x2  }
0x26: {  	s0 =	rddreg [dreg:$0x0];
	s2 =	stileid.u32  }
0x27: {  	s1 =	rddreg [dreg:$0x1];
	p0 =	sne.s32 s2, $0x0  }
0x28: {  	s3 =	rddreg [dreg:$0x2];
	[bflag:$0x3] =	sbarrier.arrive $0xFFFF;
	s2 =	simm.s32 @!p0 $0x1C01  }
0x29: {  	[timem:s3], [sflag:s2] =	dma.local @!p0 [hbm:s0], s1  }
0x2a: {  	s0 =	simm.s32 @!p0 $0x1  }
0x2b: {  	_ =	swait.ge @!p0 [sflag:s0], s1  }
0x2c: {  	s1 =	ssub.s32 @!p0 $0x0, s1;
	[sflag:s0] =	ssyncset.done @!p0 $0x0  }
0x2d: {  	[sflag:s0] =	ssyncadd.s32 @!p0 s1  }
0x2e: {  	[bflag:$0x3] =	sbarrier.arrive $0xFFFF  }
0x2f: {  	_ =	shalt  }

// kernel: kernel.14.cloned.1.call-start
scs
__scs_entry_jumppad:
0x0: {  	(pc) =	sbr.rel $0x88, $3  }
0x1: {  	(tag) =	ssettag $0x0;
	lr =	simm.s32 $0x1  }
0x2: {  	[smem:$0x3F97] =	sst lr;
	_ =	strace $0xD0000000  }
0x3: {  	_ = 	snop  }
0x4: {  	_ = 	snop  }
0x5: {  	_ = 	snop  }
0x6: {  	_ = 	snop  }
0x7: {  	_ = 	snop  }
__scs_overlays_trampoline_lowered:
0x8: {  	[smem:$0x3FA6] =	sst s0  }
0x9: {  	[smem:$0x3FA7] =	sst s1  }
0xa: {  	[smem:$0x3FA8] =	sst s2  }
0xb: {  	[smem:$0x3FA9] =	sst s3  }
0xc: {  	[smem:$0x3FAA] =	sst s4  }
0xd: {  	[smem:$0x3FAB] =	sst s5  }
0xe: {  	[smem:$0x3FAC] =	sst s6  }
0xf: {  	[smem:$0x3FAD] =	sst s7  }
0x10: {  	[smem:$0x3FAE] =	sst s8  }
0x11: {  	[smem:$0x3FAF] =	sst s9;
	s0 =	simm.s32 @!p0 $0x0  }
0x12: {  	s1 =	sld [smem:$0x3F95];
	s0 =	simm.s32 @p0 $0x1  }
0x13: {  	[smem:$0x3FB0] =	sst s0;
	s0 =	simm.s32 @!p1 $0x0  }
0x14: {  	s2 =	sld [smem:$0x3F94];
	s0 =	simm.s32 @p1 $0x1  }
0x15: {  	[smem:$0x3FB1] =	sst s0;
	s0 =	simm.s32 @!p2 $0x0  }
0x16: {  	s3 =	sld [smem:$0x3FDB];
	s0 =	simm.s32 @p2 $0x1  }
0x17: {  	s4 =	simm.s32 $0x1BF5;
	[smem:$0x3FB3] =	sst s0  }
0x18: {  	s0 =	sld [smem:$0x3F96];
	_ =	swait.ge [sflag:s4], $0x0  }
0x19: {  	s7 =	sld [smem:$0x3F97]  }
0x1a: {  	s8 =	sadd.s32 $0xFFFFE003, lr  }
0x1b: {  	s9 =	sadd.s32 $0xFFFFFEF7, lr;
	s5 =	simm.s32 $0xFFFFFFFF;
	p2 =	slt.u32 s8, $0xFFFFF086  }
0x1c: {  	p1 =	slt.u32 s9, $0xF7A;
	s5 =	simm.s32 @!p2 $0x0  }
0x1d: {  	s5 =	simm.s32 @p1 $0x1;
	p0 =	seq.s32 s7, s2  }
0x1e: {  	s7 =	smul.u32 @!p0 $0xF7A, s2;
	p2 =	seq.s32 @!p0 s5, $0x0  }
0x1f: {  	s9 =	smul.u32 $0xF7A, s1;
	s8 =	simm.s32 @!p0 $0x1BF5;
	p2 =	por !p2, p0  }
0x20: {  	[sflag:s8] =	ssyncset.s32 @!p0 $0xFFFFF086;
	s6 =	sadd.s32 @!p0 s3, s7;
	s7 =	simm.s32 @!p0 $0x108  }
0x21: {  	s3 =	sadd.s32 s3, s9;
	s6 =	sadd.s32 @!p0 $0x88, s6;
	s7 =	simm.s32 @p2 $0x1082  }
0x22: {  	[simem:s7], [sflag:s8] =	dma.local @!p0 [hbm:s6], $0xF7A  }
0x23: {  	s9 =	sor.u32 $0xD0000000, s2;
	s6 =	simm.s32 $0x108;
	_ =	swait.ge @!p0 [sflag:s8], $0x0  }
0x24: {  	s3 =	sadd.s32 $0x88, s3;
	s6 =	simm.s32 @!p1 $0x1082;
	[sflag:s4] =	ssyncset.s32 $0xFFFFF086  }
0x25: {  	[simem:s6], [sflag:s4] =	dma.local [hbm:s3], $0xF7A  }
0x26: {  	[smem:$0x3F97] =	sst s1;
	(tag) =	ssettag s2;
	_ =	strace s9  }
0x27: {  	s1 =	sld [smem:$0x3FA7]  }
0x28: {  	s2 =	sld [smem:$0x3FA8]  }
0x29: {  	s4 =	sld [smem:$0x3FAA]  }
0x2a: {  	p0 =	seq.s32 s5, $0x0;
	s5 =	sld [smem:$0x3FAB]  }
0x2b: {  	s6 =	sld [smem:$0x3FAC]  }
0x2c: {  	s7 =	sld [smem:$0x3FAD]  }
0x2d: {  	s3 =	simm.s32 $0x108;
	s8 =	sld [smem:$0x3FAE]  }
0x2e: {  	s3 =	simm.s32 @!p0 $0x1082;
	s9 =	sld [smem:$0x3FAF]  }
0x2f: {  	lr =	sadd.s32 s0, s3;
	s0 =	sld [smem:$0x3FA6]  }
0x30: {  	s3 =	sld [smem:$0x3FA9]  }
0x31: {  	[smem:$0x3FB2] =	sst s10  }
0x32: {  	s10 =	sld [smem:$0x3FB0];
	_ =	sdelay $0x3  }
0x33: {  	p0 =	seq.s32 s10, $0x1;
	s10 =	sld [smem:$0x3FB2];
	_ =	sdelay $0x3  }
0x34: {  	[smem:$0x3FB2] =	sst s10  }
0x35: {  	s10 =	sld [smem:$0x3FB1];
	_ =	sdelay $0x3  }
0x36: {  	p1 =	seq.s32 s10, $0x1;
	s10 =	sld [smem:$0x3FB2];
	_ =	sdelay $0x3  }
0x37: {  	[smem:$0x3FB2] =	sst s10  }
0x38: {  	s10 =	sld [smem:$0x3FB3]  }
0x39: {  	_ = 	snop;
	(pc) =	sbr.ind lr, $3  }
0x3a: {  	_ = 	snop  }
0x3b: {  	_ = 	snop  }
0x3c: {  	p2 =	seq.s32 s10, $0x1;
	s10 =	sld [smem:$0x3FB2]  }
0x3d: {  	_ =	shalt  }
0x3e: {  	_ =	shalt  }
0x3f: {  	_ =	shalt  }
0x40: {  	_ =	shalt  }
0x41: {  	_ =	shalt  }
0x42: {  	_ =	shalt  }
0x43: {  	_ =	shalt  }
0x44: {  	_ =	shalt  }
0x45: {  	_ =	shalt  }
0x46: {  	_ =	shalt  }
0x47: {  	_ =	shalt  }
0x48: {  	_ =	shalt  }
0x49: {  	_ =	shalt  }
0x4a: {  	_ =	shalt  }
0x4b: {  	_ =	shalt  }
0x4c: {  	_ =	shalt  }
0x4d: {  	_ =	shalt  }
0x4e: {  	_ =	shalt  }
0x4f: {  	_ =	shalt  }
0x50: {  	_ =	shalt  }
0x51: {  	_ =	shalt  }
0x52: {  	_ =	shalt  }
0x53: {  	_ =	shalt  }
0x54: {  	_ =	shalt  }
0x55: {  	_ =	shalt  }
0x56: {  	_ =	shalt  }
0x57: {  	_ =	shalt  }
0x58: {  	_ =	shalt  }
0x59: {  	_ =	shalt  }
0x5a: {  	_ =	shalt  }
0x5b: {  	_ =	shalt  }
0x5c: {  	_ =	shalt  }
0x5d: {  	_ =	shalt  }
0x5e: {  	_ =	shalt  }
0x5f: {  	_ =	shalt  }
0x60: {  	_ =	shalt  }
0x61: {  	_ =	shalt  }
0x62: {  	_ =	shalt  }
0x63: {  	_ =	shalt  }
0x64: {  	_ =	shalt  }
0x65: {  	_ =	shalt  }
0x66: {  	_ =	shalt  }
0x67: {  	_ =	shalt  }
0x68: {  	_ =	shalt  }
0x69: {  	_ =	shalt  }
0x6a: {  	_ =	shalt  }
0x6b: {  	_ =	shalt  }
0x6c: {  	_ =	shalt  }
0x6d: {  	_ =	shalt  }
0x6e: {  	_ =	shalt  }
0x6f: {  	_ =	shalt  }
0x70: {  	_ =	shalt  }
0x71: {  	_ =	shalt  }
0x72: {  	_ =	shalt  }
0x73: {  	_ =	shalt  }
0x74: {  	_ =	shalt  }
0x75: {  	_ =	shalt  }
0x76: {  	_ =	shalt  }
0x77: {  	_ =	shalt  }
0x78: {  	_ =	shalt  }
0x79: {  	_ =	shalt  }
0x7a: {  	_ =	shalt  }
0x7b: {  	_ =	shalt  }
0x7c: {  	_ =	shalt  }
0x7d: {  	_ =	shalt  }
0x7e: {  	_ =	shalt  }
0x7f: {  	_ =	shalt  }
0x80: {  	_ =	shalt  }
0x81: {  	_ =	shalt  }
0x82: {  	_ =	shalt  }
0x83: {  	_ =	shalt  }
0x84: {  	_ =	shalt  }
0x85: {  	_ =	shalt  }
0x86: {  	_ =	shalt  }
0x87: {  	_ =	shalt  }
.Lfunc_end0:
.L_simem_size_0:
called_computation.1_lowered:
.L_overlay_start_0:
0x88: {  	s2 =	sld [smem:$0x3FD9]  }
0x89: {  	s3 =	sld [smem:$0x3FFE];
	_ =	sdelay $0x1  }
0x8a: {  	s1 =	srdreg.scid  }
0x8b: {  	s0 =	sand.u32 $0x1, s1  }
0x8c: {  	s16 =	sshll.u32 s0, $0xA;
	s2 =	sadd.s32 s3, s2  }
0x8d: {  	s2 =	sadd.s32 s2, s16  }
0x8e: {  	[smem:$0x3FBE] =	sst s2  }
0x8f: {  	_ = 	snop  }
0x90: {  	(tm) =	ssettm $0x1  }
0x91: {  	s17 =	sld [smem:$0x3FFB];
	_ =	sdelay $0x3  }
0x92: {  	_ =	strace s17  }
0x93: {  	s2 =	sld [smem:$0x3FFC];
	_ =	sdelay $0x3  }
0x94: {  	_ =	strace s2  }
0x95: {  	s2 =	sld [smem:$0x3FFD];
	_ =	sdelay $0x3  }
0x96: {  	_ =	strace s2  }
0x97: {  	_ =	strace $0x8FFFFFFF  }
0x98: {  	s18 =	sld [smem:$0x3FDB];
	_ =	sdelay $0x1  }
0x99: {  	s19 =	simm.s32 $_scs_section_size  }
0x9a: {  	s4 =	simm.s32 $_size__tile_overlayer_lowered;
	s5 =	simm.s32 $_tile_overlayer_lowered  }
0x9b: {  	s22 =	simm.s32 $0x1BFF;
	s21 =	sshll.u32 s5, $0x1;
	s2 =	sadd.s32 s19, s18  }
0x9c: {  	s6 =	simm.s32 $0x0;
	s20 =	sshll.u32 s4, $0x1;
	s4 =	sadd.s32 s21, s2  }
0x9d: {  	[timem:s6], [sflag:s22] =	dma.local [hbm:s4], s20  }
0x9e: {  	_ =	swait.ge [sflag:s22], s20  }
0x9f: {  	s3 =	ssub.s32 $0x0, s20;
	[sflag:s22] =	ssyncset.done $0x0  }
0xa0: {  	[sflag:s22] =	ssyncadd.s32 s3;
	_ =	sdelay $0x1  }
0xa1: {  	s23 =	simm.s32 $0x1B8B  }
0xa2: {  	_ =	swait.ge [sflag:s23], $0x1  }
0xa3: {  	[sflag:s23] =	ssyncset.done $0x0  }
0xa4: {  	s25 =	simm.s32 $0x1B8E;
	s24 =	sld [smem:$0x3FFE];
	[sflag:s23] =	ssyncadd.s32 $0xFFFFFFFF  }
0xa5: {  	s26 =	simm.s32 $execute0_lowered;
	[smem:$0x3FD2] =	sst s25  }
0xa6: {  	s4 =	sshll.u32 s26, $0x1;
	_ =	strace $0x80000049;
	[dreg:$0x1] =	wrdreg $0xFFFFFFFF  }
0xa7: {  	s28 =	simm.s32 $_size_execute0_lowered;
	s2 =	sadd.s32 s2, s4;
	[dreg:$0x0] =	wrdreg $0x0  }
0xa8: {  	s4 =	sshll.u32 s28, $0x1;
	[dreg:$0x2] =	wrdreg s2  }
0xa9: {  	[dreg:$0x3] =	wrdreg s4  }
0xaa: {  	[dreg:$0x4] =	wrdreg $0xC0  }
0xab: {  	_ =	task [dreg:s6], $0x5FFFF  }
0xac: {  	[dreg:$0x1] =	wrdreg $0xFFFFFFFF  }
0xad: {  	[dreg:$0x0] =	wrdreg $0x60  }
0xae: {  	[dreg:$0x2] =	wrdreg s24  }
0xaf: {  	[dreg:$0x3] =	wrdreg $0x12F000  }
0xb0: {  	[dreg:$0x4] =	wrdreg $0x107800  }
0xb1: {  	[dreg:$0x5] =	wrdreg $0x9  }
0xb2: {  	_ =	task.clear_ibuf [dreg:s6], $0x6FFFF;
	_ =	strace $0x90000049  }
0xb3: {  	s29 =	simm.s32 $0x9;
	_ =	strace $0x8000004B  }
0xb4: {  	_ =	swait.ge [sflag:s29], $0x1  }
0xb5: {  	[sflag:s29] =	ssyncadd.s32 $0xFFFFFFFF  }
0xb6: {  	_ =	strace $0x9000004B  }
0xb7: {  	_ =	sfence  }
0xb8: {  	s30 =	sld [smem:$0x0];
	_ =	sdelay $0x2  }
0xb9: {  	s31 =	sshll.u32 s1, $0xD;
	s1 =	sshrl.u32 s1, $0x2  }
0xba: {  	s3 =	sand.u32 $0x4000, s31;
	s1 =	sadd.s32 s1, s30  }
0xbb: {  	s0 =	sor.u32 s3, s0;
	s1 =	sshll.u32 s1, $0x11  }
0xbc: {  	s0 =	sor.u32 s1, s0  }
0xbd: {  	s0 =	sadd.s32 $0x8F2B, s0  }
0xbe: {  	[sflag:s0] =	ssyncadd.remote.s32 $0x1  }
0xbf: {  	_ =	sfence.sel $0xFFFF  }
0xc0: {  	[dreg:$0x0] =	wrdreg $0xFFFFFFFF;
	(pc) =	sbr.abs _section_cstart, $3  }
0xc1: {  	[dreg:$0x1] =	wrdreg $0xFFFFFFFF  }
0xc2: {  	_ =	task.clear_ibuf [dreg:s6], $0x2FFFF;
	_ =	strace $0x9FFFFFFF  }
0xc3: {  	(tm) =	ssettm $0x7FFFFFFF  }
tec
execute0_lowered:
.L_overlay_start_1:
0x0: {  	(tag) =	ssettag $0x1  }
0x1: {  	s0 =	rddreg [dreg:$0x0]  }
0x2: {  	s2 =	rddreg [dreg:$0x1]  }
0x3: {  	s3 =	rddreg [dreg:$0x2];
	s10 =	stileid.u32;
	s4 =	simm.s32 $0x0  }
0x4: {  	s5 =	srdreg.scid;
	s13 =	simm.s32 $0xE000;
	s14 =	simm.s32 $0x3  }
0x5: {  	s16 =	simm.s32 $0x80;
	s17 =	simm.s32 $0xA000;
	s18 =	simm.s32 $0xA800  }
0x6: {  	s20 =	simm.s32 $0xB000;
	s28 =	simm.s32 $0x1;
	s29 =	simm.s32 $0x2  }
0x7: {  	s30 =	simm.s32 $0x0;
	s1 =	smul.u32 $0x2780, s10;
	[smem:$0x7FF] =	sst s4  }
0x8: {  	s5 =	sand.u32 $0x1, s5;
	s9 =	sadd.s32 $0x33800, s0;
	_ =	strace $0x8000004A  }
0x9: {  	s7 =	smul.u32 $0x27800, s5;
	s22 =	sshll.u32 s5, $0x4;
	s5 =	ssub.s32 $0x2, s5  }
0xa: {  	s6 =	sshrl.u32 s1, $0x3;
	s10 =	sor.u32 s10, s22;
	s24 =	sshrl.u32 s5, $0x1  }
0xb: {  	s22 =	simm.s32 $0xB800;
	s8 =	sadd.s32 s6, s0;
	s7 =	sadd.s32 s1, s7  }
0xc: {  	s11 =	smul.u32 $0x5000, s10;
	s12 =	ssub.s32 s5, s24;
	s6 =	sadd.s32 s1, s2  }
0xd: {  	s10 =	smul.u32 $0xA00, s10;
	s24 =	simm.s32 $0xC800;
	s23 =	sshrl.u32 s7, $0x3  }
0xe: {  	s25 =	sadd.s32 $0x5B800, s8;
	s26 =	sadd.s32 $0x29A00, s8;
	s8 =	sadd.s32 s1, s3  }
0xf: {  	s12 =	smax.u32 s12, $0x1;
	s0 =	sadd.s32 s23, s0;
	[dreg:$0x4] =	wrdreg s25  }
0x10: {  	s11 =	sshrl.u32 s11, $0x3;
	[dreg:$0x5] =	wrdreg s26;
	s23 =	simm.s32 $0xC000  }
0x11: {  	s25 =	simm.s32 $0xD000;
	s26 =	simm.s32 $0xD800;
	s31 =	sadd.s32 s9, s11  }
0x12: {  	s9 =	sadd.s32 s9, s10;
	s11 =	sadd.s32 $0x60800, s0;
	s10 =	sadd.s32 $0x14000, s31  }
.LBB2_1:
0x13: {  	s0 =	rddreg [dreg:$0x4]  }
0x14: {  	[tilespmem:s13], [sflag:$0x3] =	stream.linear.gather [hbm4b:s0+s4], $0x2780, $0x38;
	[tilespmem:$0x15680] =	vst v63  }
0x15: {  	_ =	swait.ge [sflag:s14], $0x2780  }
0x16: {  	[sflag:s14] =	ssyncset.done $0x0  }
0x17: {  	[sflag:s14] =	ssyncadd.s32 $0xFFFFD880  }
0x18: {  	[spmem:s6] =	stream.linear.scatter [tilespmem:s13], [sflag:$0x3], $0x2780, $0x38;
	[tilespmem:$0x15680] =	vst v63  }
0x19: {  	_ =	swait.ge [sflag:s14], $0x2780  }
0x1a: {  	[sflag:s14] =	ssyncset.done $0x0  }
0x1b: {  	s15 =	rddreg [dreg:$0x5];
	[sflag:s14] =	ssyncadd.s32 $0xFFFFD880  }
0x1c: {  	[tilespmem:s13], [sflag:$0x3] =	stream.linear.gather [hbm4b:s15+s4], $0x2780, $0x38;
	[tilespmem:$0x15680] =	vst v63  }
0x1d: {  	_ =	swait.ge [sflag:s14], $0x2780  }
0x1e: {  	[sflag:s14] =	ssyncset.done $0x0  }
0x1f: {  	[sflag:s14] =	ssyncadd.s32 $0xFFFFD880  }
0x20: {  	[spmem:s8] =	stream.linear.scatter [tilespmem:s13], [sflag:$0x3], $0x2780, $0x38;
	[tilespmem:$0x15680] =	vst v63  }
0x21: {  	_ =	swait.ge [sflag:s14], $0x2780  }
0x22: {  	[sflag:s14] =	ssyncset.done $0x0  }
0x23: {  	[sflag:s14] =	ssyncadd.s32 $0xFFFFD880  }
0x24: {  	[tilespmem:s4], [sflag:$0x3] =	stream.linear.gather [hbm4b:s9+s4], $0x5000, $0x38;
	[tilespmem:$0x15680] =	vst v63  }
0x25: {  	_ =	swait.ge [sflag:s14], $0x5000  }
0x26: {  	[sflag:s14] =	ssyncset.done $0x0  }
0x27: {  	s19 =	simm.s32 $0x5000;
	[sflag:s14] =	ssyncadd.s32 $0xFFFFB000  }
0x28: {  	[tilespmem:s19], [sflag:$0x3] =	stream.linear.gather [hbm4b:s10+s4], $0x5000, $0x38;
	[tilespmem:$0x15680] =	vst v63  }
0x29: {  	_ =	swait.ge [sflag:s14], $0x5000  }
0x2a: {  	[sflag:s14] =	ssyncset.done $0x0  }
0x2b: {  	[sflag:s14] =	ssyncadd.s32 $0xFFFFB000  }
0x2c: {  	[bflag:$0x0] =	sbarrier.arrive $0xFFFF  }
0x2d: {  	[tilespmem:s17], [sflag:$0x1] =	stream.indirect.gather [spmem:s3], $0x10, s4, s16, $0xb8;
	[tilespmem:$0x15680] =	vst v63  }
0x2e: {  	p0 =	por $0x1, $0x1  }
0x2f: {  	[tilespmem:s18], [sflag:$0x1] =	stream.indirect.gather [spmem:s3], $0x10, s16, s16, $0xb8;
	[tilespmem:$0x15680] =	vst v63  }
0x30: {  	s21 =	simm.s32 $0x100;
	p0 =	por p0, p0  }
0x31: {  	[tilespmem:s20], [sflag:$0x1] =	stream.indirect.gather [spmem:s3], $0x10, s21, s16, $0xb8;
	[tilespmem:$0x15680] =	vst v63  }
0x32: {  	s1 =	simm.s32 $0x180;
	s0 =	simm.s32 @!p0 $0x2  }
0x33: {  	[tilespmem:s22], [sflag:$0x1] =	stream.indirect.gather [spmem:s3], $0x10, s1, s16, $0xb8;
	[tilespmem:$0x15680] =	vst v63  }
0x34: {  	_ =	swait.ge @!p0 [sflag:s0], $0x800  }
0x35: {  	[sflag:s0] =	ssyncset.done @!p0 $0x0  }
0x36: {  	[sflag:s0] =	ssyncadd.s32 @!p0 $0xFFFFF800  }
0x37: {  	_ =	swait.ge @!p0 [sflag:s0], $0x800  }
0x38: {  	[sflag:s0] =	ssyncset.done @!p0 $0x0  }
0x39: {  	[sflag:s0] =	ssyncadd.s32 @!p0 $0xFFFFF800  }
0x3a: {  	_ =	swait.ge @!p0 [sflag:s0], $0x800  }
0x3b: {  	[sflag:s0] =	ssyncset.done @!p0 $0x0  }
0x3c: {  	[sflag:s0] =	ssyncadd.s32 @!p0 $0xFFFFF800  }
0x3d: {  	_ =	swait.ge @!p0 [sflag:s0], $0x800  }
0x3e: {  	[sflag:s0] =	ssyncset.done @!p0 $0x0  }
0x3f: {  	s5 =	simm.s32 $0x200;
	[sflag:s0] =	ssyncadd.s32 @!p0 $0xFFFFF800  }
0x40: {  	[tilespmem:s23], [sflag:$0x1] =	stream.indirect.gather [spmem:s3], $0x10, s5, s16, $0xb8;
	[tilespmem:$0x15680] =	vst v63  }
0x41: {  	s7 =	simm.s32 $0x280  }
0x42: {  	[tilespmem:s24], [sflag:$0x1] =	stream.indirect.gather [spmem:s3], $0x10, s7, s16, $0xb8;
	[tilespmem:$0x15680] =	vst v63  }
0x43: {  	s15 =	simm.s32 $0x300  }
0x44: {  	[tilespmem:s25], [sflag:$0x1] =	stream.indirect.gather [spmem:s3], $0x10, s15, s16, $0xb8;
	[tilespmem:$0x15680] =	vst v63  }
0x45: {  	s19 =	simm.s32 $0x380  }
0x46: {  	[tilespmem:s26], [sflag:$0x1] =	stream.indirect.gather [spmem:s3], $0x10, s19, s16, $0xb8;
	[tilespmem:$0x15680] =	vst v63  }
0x47: {  	_ =	swait.ge [sflag:s28], $0x800  }
0x48: {  	[sflag:s28] =	ssyncset.done $0x0  }
0x49: {  	[sflag:s28] =	ssyncadd.s32 $0xFFFFF800  }
0x4a: {  	_ =	swait.ge [sflag:s28], $0x800  }
0x4b: {  	[sflag:s28] =	ssyncset.done $0x0  }
0x4c: {  	[sflag:s28] =	ssyncadd.s32 $0xFFFFF800  }
0x4d: {  	_ =	swait.ge [sflag:s28], $0x800  }
0x4e: {  	[sflag:s28] =	ssyncset.done $0x0  }
0x4f: {  	[sflag:s28] =	ssyncadd.s32 $0xFFFFF800  }
0x50: {  	_ =	swait.ge [sflag:s28], $0x800  }
0x51: {  	[sflag:s28] =	ssyncset.done $0x0  }
0x52: {  	s21 =	simm.s32 $0x5000;
	[sflag:s28] =	ssyncadd.s32 $0xFFFFF800  }
0x53: {  	[spmem:s2] =	stream.indirect.scatter.add.f32 [tilespmem:s17], [sflag:$0x2], $0x10, s21, s16, $0xb8;
	[tilespmem:$0x15680] =	vst v63  }
0x54: {  	s1 =	simm.s32 $0x5080  }
0x55: {  	[spmem:s2] =	stream.indirect.scatter.add.f32 [tilespmem:s18], [sflag:$0x2], $0x10, s1, s16, $0xb8;
	[tilespmem:$0x15680] =	vst v63  }
0x56: {  	s5 =	simm.s32 $0x5100  }
0x57: {  	[spmem:s2] =	stream.indirect.scatter.add.f32 [tilespmem:s20], [sflag:$0x2], $0x10, s5, s16, $0xb8;
	[tilespmem:$0x15680] =	vst v63  }
0x58: {  	s7 =	simm.s32 $0x5180  }
0x59: {  	[spmem:s2] =	stream.indirect.scatter.add.f32 [tilespmem:s22], [sflag:$0x2], $0x10, s7, s16, $0xb8;
	[tilespmem:$0x15680] =	vst v63  }
0x5a: {  	_ =	swait.ge [sflag:s29], $0x800  }
0x5b: {  	[sflag:s29] =	ssyncset.done $0x0  }
0x5c: {  	[sflag:s29] =	ssyncadd.s32 $0xFFFFF800  }
0x5d: {  	_ =	swait.ge [sflag:s29], $0x800  }
0x5e: {  	[sflag:s29] =	ssyncset.done $0x0  }
0x5f: {  	[sflag:s29] =	ssyncadd.s32 $0xFFFFF800  }
0x60: {  	_ =	swait.ge [sflag:s29], $0x800  }
0x61: {  	[sflag:s29] =	ssyncset.done $0x0  }
0x62: {  	[sflag:s29] =	ssyncadd.s32 $0xFFFFF800  }
0x63: {  	p0 =	por $0x0, $0x0;
	_ =	swait.ge [sflag:s29], $0x800  }
0x64: {  	s0 =	simm.s32 @!p0 $0xA000;
	[sflag:s29] =	ssyncset.done $0x0  }
0x65: {  	s15 =	simm.s32 @!p0 $0x80;
	s1 =	simm.s32 @!p0 $0x400;
	[sflag:s29] =	ssyncadd.s32 $0xFFFFF800  }
0x66: {  	[tilespmem:s0], [sflag:$0x1] =	stream.indirect.gather @!p0 [spmem:s3], $0x10, s1, s15, $0xb8;
	[tilespmem:$0x15680] =	vst v63  }
0x67: {  	s0 =	simm.s32 @!p0 $0x480;
	s1 =	simm.s32 @!p0 $0xA800  }
0x68: {  	[tilespmem:s1], [sflag:$0x1] =	stream.indirect.gather @!p0 [spmem:s3], $0x10, s0, s15, $0xb8;
	[tilespmem:$0x15680] =	vst v63  }
0x69: {  	s0 =	simm.s32 @!p0 $0x500;
	s1 =	simm.s32 @!p0 $0xB000  }
0x6a: {  	[tilespmem:s1], [sflag:$0x1] =	stream.indirect.gather @!p0 [spmem:s3], $0x10, s0, s15, $0xb8;
	[tilespmem:$0x15680] =	vst v63  }
0x6b: {  	s0 =	simm.s32 @!p0 $0x580;
	s1 =	simm.s32 @!p0 $0xB800  }
0x6c: {  	[tilespmem:s1], [sflag:$0x1] =	stream.indirect.gather @!p0 [spmem:s3], $0x10, s0, s15, $0xb8;
	[tilespmem:$0x15680] =	vst v63  }
0x6d: {  	_ =	swait.ge [sflag:s28], $0x800  }
0x6e: {  	[sflag:s28] =	ssyncset.done $0x0  }
0x6f: {  	[sflag:s28] =	ssyncadd.s32 $0xFFFFF800  }
0x70: {  	_ =	swait.ge [sflag:s28], $0x800  }
0x71: {  	[sflag:s28] =	ssyncset.done $0x0  }
0x72: {  	[sflag:s28] =	ssyncadd.s32 $0xFFFFF800  }
0x73: {  	_ =	swait.ge [sflag:s28], $0x800  }
0x74: {  	[sflag:s28] =	ssyncset.done $0x0  }
0x75: {  	[sflag:s28] =	ssyncadd.s32 $0xFFFFF800  }
0x76: {  	_ =	swait.ge [sflag:s28], $0x800  }
0x77: {  	[sflag:s28] =	ssyncset.done $0x0  }
0x78: {  	s31 =	simm.s32 $0x1000;
	s15 =	simm.s32 $0x5200;
	[sflag:s28] =	ssyncadd.s32 $0xFFFFF800  }
0x79: {  	[spmem:s2] =	stream.indirect.scatter.add.f32 [tilespmem:s23], [sflag:$0x2], $0x10, s15, s16, $0xb8;
	[tilespmem:$0x15680] =	vst v63  }
0x7a: {  	p6 =	por $0x0, $0x0;
	s19 =	simm.s32 $0x5280;
	s21 =	simm.s32 $0x5300  }
0x7b: {  	[spmem:s2] =	stream.indirect.scatter.add.f32 [tilespmem:s24], [sflag:$0x2], $0x10, s19, s16, $0xb8;
	[tilespmem:$0x15680] =	vst v63  }
0x7c: {  	s0 =	simm.s32 $0x2000;
	p0 =	por p6, p6;
	s1 =	simm.s32 $0x5380  }
0x7d: {  	[spmem:s2] =	stream.indirect.scatter.add.f32 [tilespmem:s25], [sflag:$0x2], $0x10, s21, s16, $0xb8;
	[tilespmem:$0x15680] =	vst v63  }
.LBB2_2:
0x7e: {  	[spmem:s2] =	stream.indirect.scatter.add.f32 [tilespmem:s26], [sflag:$0x2], $0x10, s1, s16, $0xb8;
	[tilespmem:$0x15680] =	vst v63  }
0x7f: {  	s15 =	smov.u32 s0  }
0x80: {  	s0 =	sadd.s32 $0x1000, s0;
	s19 =	simm.s32 @!p0 $0x2;
	p2 =	seq.s32 s15, $0x0  }
0x81: {  	p1 =	sne.s32 s0, $0x14000;
	_ =	swait.ge @!p0 [sflag:s19], $0x800  }
0x82: {  	[sflag:s19] =	ssyncset.done @!p0 $0x0  }
0x83: {  	[sflag:s19] =	ssyncadd.s32 @!p0 $0xFFFFF800  }
0x84: {  	_ =	swait.ge @!p0 [sflag:s19], $0x800  }
0x85: {  	[sflag:s19] =	ssyncset.done @!p0 $0x0  }
0x86: {  	[sflag:s19] =	ssyncadd.s32 @!p0 $0xFFFFF800  }
0x87: {  	_ =	swait.ge @!p0 [sflag:s19], $0x800  }
0x88: {  	[sflag:s19] =	ssyncset.done @!p0 $0x0  }
0x89: {  	[sflag:s19] =	ssyncadd.s32 @!p0 $0xFFFFF800  }
0x8a: {  	_ =	swait.ge @!p0 [sflag:s19], $0x800  }
0x8b: {  	s1 =	sshra.s32 s31, $0x2;
	[sflag:s19] =	ssyncset.done @!p0 $0x0  }
0x8c: {  	[sflag:s19] =	ssyncadd.s32 @!p0 $0xFFFFF800;
	s19 =	sadd.s32 $0x200, s1;
	p0 =	por p2, p2  }
0x8d: {  	[tilespmem:s23], [sflag:$0x1] =	stream.indirect.gather [spmem:s3], $0x10, s19, s16, $0xb8;
	[tilespmem:$0x15680] =	vst v63  }
0x8e: {  	s19 =	sadd.s32 $0x280, s1  }
0x8f: {  	[tilespmem:s24], [sflag:$0x1] =	stream.indirect.gather [spmem:s3], $0x10, s19, s16, $0xb8;
	[tilespmem:$0x15680] =	vst v63  }
0x90: {  	s19 =	sadd.s32 $0x300, s1  }
0x91: {  	[tilespmem:s25], [sflag:$0x1] =	stream.indirect.gather [spmem:s3], $0x10, s19, s16, $0xb8;
	[tilespmem:$0x15680] =	vst v63  }
0x92: {  	s19 =	sadd.s32 $0x380, s1  }
0x93: {  	[tilespmem:s26], [sflag:$0x1] =	stream.indirect.gather [spmem:s3], $0x10, s19, s16, $0xb8;
	[tilespmem:$0x15680] =	vst v63  }
0x94: {  	_ =	swait.ge [sflag:s28], $0x800  }
0x95: {  	[sflag:s28] =	ssyncset.done $0x0  }
0x96: {  	[sflag:s28] =	ssyncadd.s32 $0xFFFFF800  }
0x97: {  	_ =	swait.ge [sflag:s28], $0x800  }
0x98: {  	[sflag:s28] =	ssyncset.done $0x0  }
0x99: {  	[sflag:s28] =	ssyncadd.s32 $0xFFFFF800  }
0x9a: {  	_ =	swait.ge [sflag:s28], $0x800  }
0x9b: {  	[sflag:s28] =	ssyncset.done $0x0  }
0x9c: {  	[sflag:s28] =	ssyncadd.s32 $0xFFFFF800  }
0x9d: {  	_ =	swait.ge [sflag:s28], $0x800  }
0x9e: {  	[sflag:s28] =	ssyncset.done $0x0  }
0x9f: {  	s19 =	sadd.s32 $0x5000, s1;
	[sflag:s28] =	ssyncadd.s32 $0xFFFFF800  }
0xa0: {  	[spmem:s2] =	stream.indirect.scatter.add.f32 [tilespmem:s17], [sflag:$0x2], $0x10, s19, s16, $0xb8;
	[tilespmem:$0x15680] =	vst v63  }
0xa1: {  	s19 =	sadd.s32 $0x5080, s1  }
0xa2: {  	[spmem:s2] =	stream.indirect.scatter.add.f32 [tilespmem:s18], [sflag:$0x2], $0x10, s19, s16, $0xb8;
	[tilespmem:$0x15680] =	vst v63  }
0xa3: {  	s19 =	sadd.s32 $0x5100, s1  }
0xa4: {  	[spmem:s2] =	stream.indirect.scatter.add.f32 [tilespmem:s20], [sflag:$0x2], $0x10, s19, s16, $0xb8;
	[tilespmem:$0x15680] =	vst v63  }
0xa5: {  	s19 =	sadd.s32 $0x5180, s1  }
0xa6: {  	[spmem:s2] =	stream.indirect.scatter.add.f32 [tilespmem:s22], [sflag:$0x2], $0x10, s19, s16, $0xb8;
	[tilespmem:$0x15680] =	vst v63  }
0xa7: {  	_ =	swait.ge [sflag:s29], $0x800  }
0xa8: {  	[sflag:s29] =	ssyncset.done $0x0  }
0xa9: {  	[sflag:s29] =	ssyncadd.s32 $0xFFFFF800  }
0xaa: {  	_ =	swait.ge [sflag:s29], $0x800  }
0xab: {  	[sflag:s29] =	ssyncset.done $0x0  }
0xac: {  	[sflag:s29] =	ssyncadd.s32 $0xFFFFF800  }
0xad: {  	_ =	swait.ge [sflag:s29], $0x800  }
0xae: {  	[sflag:s29] =	ssyncset.done $0x0  }
0xaf: {  	[sflag:s29] =	ssyncadd.s32 $0xFFFFF800  }
0xb0: {  	p2 =	seq.s32 s31, $0x13000;
	_ =	swait.ge [sflag:s29], $0x800  }
0xb1: {  	s19 =	sshra.s32 @!p2 s31, $0x2;
	s31 =	simm.s32 @!p2 $0xA000;
	[sflag:s29] =	ssyncset.done $0x0  }
0xb2: {  	s5 =	simm.s32 @!p2 $0x80;
	s21 =	sadd.s32 @!p2 $0x400, s19;
	[sflag:s29] =	ssyncadd.s32 $0xFFFFF800  }
0xb3: {  	[tilespmem:s31], [sflag:$0x1] =	stream.indirect.gather @!p2 [spmem:s3], $0x10, s21, s5, $0xb8;
	[tilespmem:$0x15680] =	vst v63  }
0xb4: {  	s7 =	sadd.s32 @!p2 $0x500, s19;
	s21 =	sadd.s32 @!p2 $0x480, s19;
	s31 =	simm.s32 @!p2 $0xA800  }
0xb5: {  	[tilespmem:s31], [sflag:$0x1] =	stream.indirect.gather @!p2 [spmem:s3], $0x10, s21, s5, $0xb8;
	[tilespmem:$0x15680] =	vst v63  }
0xb6: {  	s19 =	sadd.s32 @!p2 $0x580, s19;
	s21 =	simm.s32 @!p2 $0xB000;
	s31 =	smov.u32 s15  }
0xb7: {  	[tilespmem:s21], [sflag:$0x1] =	stream.indirect.gather @!p2 [spmem:s3], $0x10, s7, s5, $0xb8;
	[tilespmem:$0x15680] =	vst v63  }
0xb8: {  	s7 =	simm.s32 @!p2 $0xB800  }
0xb9: {  	[tilespmem:s7], [sflag:$0x1] =	stream.indirect.gather @!p2 [spmem:s3], $0x10, s19, s5, $0xb8;
	[tilespmem:$0x15680] =	vst v63  }
0xba: {  	_ =	swait.ge [sflag:s28], $0x800  }
0xbb: {  	[sflag:s28] =	ssyncset.done $0x0  }
0xbc: {  	[sflag:s28] =	ssyncadd.s32 $0xFFFFF800  }
0xbd: {  	_ =	swait.ge [sflag:s28], $0x800  }
0xbe: {  	[sflag:s28] =	ssyncset.done $0x0  }
0xbf: {  	[sflag:s28] =	ssyncadd.s32 $0xFFFFF800  }
0xc0: {  	_ =	swait.ge [sflag:s28], $0x800  }
0xc1: {  	[sflag:s28] =	ssyncset.done $0x0  }
0xc2: {  	[sflag:s28] =	ssyncadd.s32 $0xFFFFF800  }
0xc3: {  	_ =	swait.ge [sflag:s28], $0x800  }
0xc4: {  	[sflag:s28] =	ssyncset.done $0x0  }
0xc5: {  	s5 =	sadd.s32 $0x5200, s1;
	[sflag:s28] =	ssyncadd.s32 $0xFFFFF800  }
0xc6: {  	[spmem:s2] =	stream.indirect.scatter.add.f32 [tilespmem:s23], [sflag:$0x2], $0x10, s5, s16, $0xb8;
	[tilespmem:$0x15680] =	vst v63  }
.Ltmp0:
0xc7: {  	s5 =	sadd.s32 $0x5280, s1;
	(pc) =	sbr.rel @p1 .LBB2_2-.Ltmp0, $4  }
0xc8: {  	[spmem:s2] =	stream.indirect.scatter.add.f32 [tilespmem:s24], [sflag:$0x2], $0x10, s5, s16, $0xb8;
	[tilespmem:$0x15680] =	vst v63  }
0xc9: {  	s5 =	sadd.s32 $0x5300, s1  }
0xca: {  	[spmem:s2] =	stream.indirect.scatter.add.f32 [tilespmem:s25], [sflag:$0x2], $0x10, s5, s16, $0xb8;
	[tilespmem:$0x15680] =	vst v63  }
0xcb: {  	s1 =	sadd.s32 $0x5380, s1  }
0xcc: {  	[spmem:s2] =	stream.indirect.scatter.add.f32 [tilespmem:s26], [sflag:$0x2], $0x10, s1, s16, $0xb8;
	[tilespmem:$0x15680] =	vst v63  }
0xcd: {  	s1 =	simm.s32 @!p0 $0x2  }
0xce: {  	_ =	swait.ge @!p0 [sflag:s1], $0x800  }
0xcf: {  	[sflag:s1] =	ssyncset.done @!p0 $0x0  }
0xd0: {  	[sflag:s1] =	ssyncadd.s32 @!p0 $0xFFFFF800  }
0xd1: {  	_ =	swait.ge @!p0 [sflag:s1], $0x800  }
0xd2: {  	[sflag:s1] =	ssyncset.done @!p0 $0x0  }
0xd3: {  	[sflag:s1] =	ssyncadd.s32 @!p0 $0xFFFFF800  }
0xd4: {  	_ =	swait.ge @!p0 [sflag:s1], $0x800  }
0xd5: {  	[sflag:s1] =	ssyncset.done @!p0 $0x0  }
0xd6: {  	[sflag:s1] =	ssyncadd.s32 @!p0 $0xFFFFF800  }
0xd7: {  	_ =	swait.ge @!p0 [sflag:s1], $0x800  }
0xd8: {  	s0 =	sshra.s32 s31, $0x2;
	[sflag:s1] =	ssyncset.done @!p0 $0x0  }
0xd9: {  	s5 =	sadd.s32 $0x200, s0;
	[sflag:s1] =	ssyncadd.s32 @!p0 $0xFFFFF800  }
0xda: {  	[tilespmem:s23], [sflag:$0x1] =	stream.indirect.gather [spmem:s3], $0x10, s5, s16, $0xb8;
	[tilespmem:$0x15680] =	vst v63  }
0xdb: {  	s7 =	sadd.s32 $0x280, s0  }
0xdc: {  	[tilespmem:s24], [sflag:$0x1] =	stream.indirect.gather [spmem:s3], $0x10, s7, s16, $0xb8;
	[tilespmem:$0x15680] =	vst v63  }
0xdd: {  	s15 =	sadd.s32 $0x300, s0  }
0xde: {  	[tilespmem:s25], [sflag:$0x1] =	stream.indirect.gather [spmem:s3], $0x10, s15, s16, $0xb8;
	[tilespmem:$0x15680] =	vst v63  }
0xdf: {  	s19 =	sadd.s32 $0x380, s0  }
0xe0: {  	[tilespmem:s26], [sflag:$0x1] =	stream.indirect.gather [spmem:s3], $0x10, s19, s16, $0xb8;
	[tilespmem:$0x15680] =	vst v63  }
0xe1: {  	_ =	swait.ge [sflag:s28], $0x800  }
0xe2: {  	[sflag:s28] =	ssyncset.done $0x0  }
0xe3: {  	[sflag:s28] =	ssyncadd.s32 $0xFFFFF800  }
0xe4: {  	_ =	swait.ge [sflag:s28], $0x800  }
0xe5: {  	[sflag:s28] =	ssyncset.done $0x0  }
0xe6: {  	[sflag:s28] =	ssyncadd.s32 $0xFFFFF800  }
0xe7: {  	_ =	swait.ge [sflag:s28], $0x800  }
0xe8: {  	[sflag:s28] =	ssyncset.done $0x0  }
0xe9: {  	[sflag:s28] =	ssyncadd.s32 $0xFFFFF800  }
0xea: {  	_ =	swait.ge [sflag:s28], $0x800  }
0xeb: {  	[sflag:s28] =	ssyncset.done $0x0  }
0xec: {  	s21 =	sadd.s32 $0x5000, s0;
	[sflag:s28] =	ssyncadd.s32 $0xFFFFF800  }
0xed: {  	[spmem:s2] =	stream.indirect.scatter.add.f32 [tilespmem:s17], [sflag:$0x2], $0x10, s21, s16, $0xb8;
	[tilespmem:$0x15680] =	vst v63  }
0xee: {  	s5 =	sadd.s32 $0x5080, s0  }
0xef: {  	[spmem:s2] =	stream.indirect.scatter.add.f32 [tilespmem:s18], [sflag:$0x2], $0x10, s5, s16, $0xb8;
	[tilespmem:$0x15680] =	vst v63  }
0xf0: {  	s7 =	sadd.s32 $0x5100, s0  }
0xf1: {  	[spmem:s2] =	stream.indirect.scatter.add.f32 [tilespmem:s20], [sflag:$0x2], $0x10, s7, s16, $0xb8;
	[tilespmem:$0x15680] =	vst v63  }
0xf2: {  	s15 =	sadd.s32 $0x5180, s0  }
0xf3: {  	[spmem:s2] =	stream.indirect.scatter.add.f32 [tilespmem:s22], [sflag:$0x2], $0x10, s15, s16, $0xb8;
	[tilespmem:$0x15680] =	vst v63  }
0xf4: {  	_ =	swait.ge [sflag:s29], $0x800  }
0xf5: {  	[sflag:s29] =	ssyncset.done $0x0  }
0xf6: {  	[sflag:s29] =	ssyncadd.s32 $0xFFFFF800  }
0xf7: {  	_ =	swait.ge [sflag:s29], $0x800  }
0xf8: {  	[sflag:s29] =	ssyncset.done $0x0  }
0xf9: {  	[sflag:s29] =	ssyncadd.s32 $0xFFFFF800  }
0xfa: {  	_ =	swait.ge [sflag:s29], $0x800  }
0xfb: {  	[sflag:s29] =	ssyncset.done $0x0  }
0xfc: {  	[sflag:s29] =	ssyncadd.s32 $0xFFFFF800  }
0xfd: {  	p0 =	seq.s32 s31, $0x13000;
	_ =	swait.ge [sflag:s29], $0x800  }
0xfe: {  	s1 =	sshra.s32 @!p0 s31, $0x2;
	s5 =	simm.s32 @!p0 $0xA000;
	[sflag:s29] =	ssyncset.done $0x0  }
0xff: {  	s7 =	sadd.s32 @!p0 $0x400, s1;
	s15 =	simm.s32 @!p0 $0x80;
	[sflag:s29] =	ssyncadd.s32 $0xFFFFF800  }
0x100: {  	[tilespmem:s5], [sflag:$0x1] =	stream.indirect.gather @!p0 [spmem:s3], $0x10, s7, s15, $0xb8;
	[tilespmem:$0x15680] =	vst v63  }
0x101: {  	s5 =	sadd.s32 @!p0 $0x480, s1;
	s7 =	simm.s32 @!p0 $0xA800  }
0x102: {  	[tilespmem:s7], [sflag:$0x1] =	stream.indirect.gather @!p0 [spmem:s3], $0x10, s5, s15, $0xb8;
	[tilespmem:$0x15680] =	vst v63  }
0x103: {  	s5 =	sadd.s32 @!p0 $0x500, s1;
	s7 =	simm.s32 @!p0 $0xB000  }
0x104: {  	[tilespmem:s7], [sflag:$0x1] =	stream.indirect.gather @!p0 [spmem:s3], $0x10, s5, s15, $0xb8;
	[tilespmem:$0x15680] =	vst v63  }
0x105: {  	s1 =	sadd.s32 @!p0 $0x580, s1;
	s5 =	simm.s32 @!p0 $0xB800  }
0x106: {  	[tilespmem:s5], [sflag:$0x1] =	stream.indirect.gather @!p0 [spmem:s3], $0x10, s1, s15, $0xb8;
	[tilespmem:$0x15680] =	vst v63  }
0x107: {  	_ =	swait.ge [sflag:s28], $0x800  }
0x108: {  	[sflag:s28] =	ssyncset.done $0x0  }
0x109: {  	[sflag:s28] =	ssyncadd.s32 $0xFFFFF800  }
0x10a: {  	_ =	swait.ge [sflag:s28], $0x800  }
0x10b: {  	[sflag:s28] =	ssyncset.done $0x0  }
0x10c: {  	[sflag:s28] =	ssyncadd.s32 $0xFFFFF800  }
0x10d: {  	_ =	swait.ge [sflag:s28], $0x800  }
0x10e: {  	[sflag:s28] =	ssyncset.done $0x0  }
0x10f: {  	[sflag:s28] =	ssyncadd.s32 $0xFFFFF800  }
0x110: {  	_ =	swait.ge [sflag:s28], $0x800  }
0x111: {  	[sflag:s28] =	ssyncset.done $0x0  }
0x112: {  	s19 =	sadd.s32 $0x5200, s0;
	[sflag:s28] =	ssyncadd.s32 $0xFFFFF800  }
0x113: {  	[spmem:s2] =	stream.indirect.scatter.add.f32 [tilespmem:s23], [sflag:$0x2], $0x10, s19, s16, $0xb8;
	[tilespmem:$0x15680] =	vst v63  }
0x114: {  	s21 =	sadd.s32 $0x5280, s0  }
0x115: {  	[spmem:s2] =	stream.indirect.scatter.add.f32 [tilespmem:s24], [sflag:$0x2], $0x10, s21, s16, $0xb8;
	[tilespmem:$0x15680] =	vst v63  }
0x116: {  	s31 =	sadd.s32 $0x5300, s0  }
0x117: {  	[spmem:s2] =	stream.indirect.scatter.add.f32 [tilespmem:s25], [sflag:$0x2], $0x10, s31, s16, $0xb8;
	[tilespmem:$0x15680] =	vst v63  }
0x118: {  	s0 =	sadd.s32 $0x5380, s0  }
0x119: {  	[spmem:s2] =	stream.indirect.scatter.add.f32 [tilespmem:s26], [sflag:$0x2], $0x10, s0, s16, $0xb8;
	[tilespmem:$0x15680] =	vst v63  }
0x11a: {  	_ =	swait.ge [sflag:s29], $0x800  }
0x11b: {  	[sflag:s29] =	ssyncset.done $0x0  }
0x11c: {  	[sflag:s29] =	ssyncadd.s32 $0xFFFFF800  }
0x11d: {  	_ =	swait.ge [sflag:s29], $0x800  }
0x11e: {  	[sflag:s29] =	ssyncset.done $0x0  }
0x11f: {  	[sflag:s29] =	ssyncadd.s32 $0xFFFFF800  }
0x120: {  	_ =	swait.ge [sflag:s29], $0x800  }
0x121: {  	[sflag:s29] =	ssyncset.done $0x0  }
0x122: {  	[sflag:s29] =	ssyncadd.s32 $0xFFFFF800  }
0x123: {  	_ =	swait.ge [sflag:s29], $0x800  }
0x124: {  	[sflag:s29] =	ssyncset.done $0x0  }
0x125: {  	[sflag:s29] =	ssyncadd.s32 $0xFFFFF800  }
0x126: {  	[bflag:$0x0] =	sbarrier.arrive $0xFFFF  }
0x127: {  	[tilespmem:s13], [sflag:$0x3] =	stream.linear.gather [spmem:s6], $0x2780, $0x38;
	[tilespmem:$0x15680] =	vst v63  }
0x128: {  	s30 =	sadd.s32 $0x1, s30;
	_ =	swait.ge [sflag:s14], $0x2780  }
0x129: {  	p0 =	sne.s32 s30, s12;
	[sflag:s14] =	ssyncset.done $0x0  }
.Ltmp1:
0x12a: {  	[sflag:s14] =	ssyncadd.s32 $0xFFFFD880;
	(pc) =	sbr.rel @p0 .LBB2_1-.Ltmp1, $4  }
0x12b: {  	[hbm4b:s11+s4] =	stream.linear.scatter [tilespmem:s13], [sflag:$0x3], $0x2780, $0x38;
	[tilespmem:$0x15680] =	vst v63  }
0x12c: {  	_ =	swait.ge [sflag:s14], $0x2780  }
0x12d: {  	[sflag:s14] =	ssyncset.done $0x0  }
0x12e: {  	[sflag:s14] =	ssyncadd.s32 $0xFFFFD880  }
0x12f: {  	_ =	sfence.sel $0x180000  }
0x130: {  	[bflag:$0x0] =	sbarrier.arrive $0xFFFF  }
0x131: {  	_ =	strace $0x9000004A  }
0x132: {  	s0 =	stileid.u32;
	[bflag:$0x2] =	sbarrier.arrive $0xFFFF  }
0x133: {  	p0 =	sne.s32 s0, $0x0;
	s0 =	rddreg [dreg:$0x3]  }
0x134: {  	s0 =	sadd.s32 @!p0 $0x100000, s0  }
0x135: {  	[sflag:s0] =	ssyncadd.tile.s32 @!p0 $0x1;
	_ =	shalt  }
.Lfunc_end2:
_tile_overlayer_lowered:
.L_overlay_start_2:
0x136: {  	(tag) =	ssettag $0x2  }
0x137: {  	s0 =	rddreg [dreg:$0x0];
	s2 =	stileid.u32  }
0x138: {  	s1 =	rddreg [dreg:$0x1];
	p0 =	sne.s32 s2, $0x0  }
0x139: {  	s3 =	rddreg [dreg:$0x2];
	[bflag:$0x3] =	sbarrier.arrive $0xFFFF;
	s2 =	simm.s32 @!p0 $0x1C03  }
0x13a: {  	[timem:s3], [sflag:s2] =	dma.local @!p0 [hbm:s0], s1  }
0x13b: {  	s0 =	simm.s32 @!p0 $0x3  }
0x13c: {  	_ =	swait.ge @!p0 [sflag:s0], s1  }
0x13d: {  	s1 =	ssub.s32 @!p0 $0x0, s1;
	[sflag:s0] =	ssyncset.done @!p0 $0x0  }
0x13e: {  	[sflag:s0] =	ssyncadd.s32 @!p0 s1  }
0x13f: {  	[bflag:$0x3] =	sbarrier.arrive $0xFFFF  }
0x140: {  	_ =	shalt  }

// kernel: kernel.17.cloned.1.call-start
scs
__scs_entry_jumppad:
0x0: {  	(pc) =	sbr.rel $0x88, $3  }
0x1: {  	(tag) =	ssettag $0x0;
	lr =	simm.s32 $0x1  }
0x2: {  	[smem:$0x3F97] =	sst lr;
	_ =	strace $0xD0000000  }
0x3: {  	_ = 	snop  }
0x4: {  	_ = 	snop  }
0x5: {  	_ = 	snop  }
0x6: {  	_ = 	snop  }
0x7: {  	_ = 	snop  }
__scs_overlays_trampoline_lowered:
0x8: {  	[smem:$0x3FA6] =	sst s0  }
0x9: {  	[smem:$0x3FA7] =	sst s1  }
0xa: {  	[smem:$0x3FA8] =	sst s2  }
0xb: {  	[smem:$0x3FA9] =	sst s3  }
0xc: {  	[smem:$0x3FAA] =	sst s4  }
0xd: {  	[smem:$0x3FAB] =	sst s5  }
0xe: {  	[smem:$0x3FAC] =	sst s6  }
0xf: {  	[smem:$0x3FAD] =	sst s7  }
0x10: {  	[smem:$0x3FAE] =	sst s8  }
0x11: {  	[smem:$0x3FAF] =	sst s9;
	s0 =	simm.s32 @!p0 $0x0  }
0x12: {  	s1 =	sld [smem:$0x3F95];
	s0 =	simm.s32 @p0 $0x1  }
0x13: {  	[smem:$0x3FB0] =	sst s0;
	s0 =	simm.s32 @!p1 $0x0  }
0x14: {  	s2 =	sld [smem:$0x3F94];
	s0 =	simm.s32 @p1 $0x1  }
0x15: {  	[smem:$0x3FB1] =	sst s0;
	s0 =	simm.s32 @!p2 $0x0  }
0x16: {  	s3 =	sld [smem:$0x3FDB];
	s0 =	simm.s32 @p2 $0x1  }
0x17: {  	s4 =	simm.s32 $0x1BF5;
	[smem:$0x3FB3] =	sst s0  }
0x18: {  	s0 =	sld [smem:$0x3F96];
	_ =	swait.ge [sflag:s4], $0x0  }
0x19: {  	s7 =	sld [smem:$0x3F97]  }
0x1a: {  	s8 =	sadd.s32 $0xFFFFE003, lr  }
0x1b: {  	s9 =	sadd.s32 $0xFFFFFEF7, lr;
	s5 =	simm.s32 $0xFFFFFFFF;
	p2 =	slt.u32 s8, $0xFFFFF086  }
0x1c: {  	p1 =	slt.u32 s9, $0xF7A;
	s5 =	simm.s32 @!p2 $0x0  }
0x1d: {  	s5 =	simm.s32 @p1 $0x1;
	p0 =	seq.s32 s7, s2  }
0x1e: {  	s7 =	smul.u32 @!p0 $0xF7A, s2;
	p2 =	seq.s32 @!p0 s5, $0x0  }
0x1f: {  	s9 =	smul.u32 $0xF7A, s1;
	s8 =	simm.s32 @!p0 $0x1BF5;
	p2 =	por !p2, p0  }
0x20: {  	[sflag:s8] =	ssyncset.s32 @!p0 $0xFFFFF086;
	s6 =	sadd.s32 @!p0 s3, s7;
	s7 =	simm.s32 @!p0 $0x108  }
0x21: {  	s3 =	sadd.s32 s3, s9;
	s6 =	sadd.s32 @!p0 $0x88, s6;
	s7 =	simm.s32 @p2 $0x1082  }
0x22: {  	[simem:s7], [sflag:s8] =	dma.local @!p0 [hbm:s6], $0xF7A  }
0x23: {  	s9 =	sor.u32 $0xD0000000, s2;
	s6 =	simm.s32 $0x108;
	_ =	swait.ge @!p0 [sflag:s8], $0x0  }
0x24: {  	s3 =	sadd.s32 $0x88, s3;
	s6 =	simm.s32 @!p1 $0x1082;
	[sflag:s4] =	ssyncset.s32 $0xFFFFF086  }
0x25: {  	[simem:s6], [sflag:s4] =	dma.local [hbm:s3], $0xF7A  }
0x26: {  	[smem:$0x3F97] =	sst s1;
	(tag) =	ssettag s2;
	_ =	strace s9  }
0x27: {  	s1 =	sld [smem:$0x3FA7]  }
0x28: {  	s2 =	sld [smem:$0x3FA8]  }
0x29: {  	s4 =	sld [smem:$0x3FAA]  }
0x2a: {  	p0 =	seq.s32 s5, $0x0;
	s5 =	sld [smem:$0x3FAB]  }
0x2b: {  	s6 =	sld [smem:$0x3FAC]  }
0x2c: {  	s7 =	sld [smem:$0x3FAD]  }
0x2d: {  	s3 =	simm.s32 $0x108;
	s8 =	sld [smem:$0x3FAE]  }
0x2e: {  	s3 =	simm.s32 @!p0 $0x1082;
	s9 =	sld [smem:$0x3FAF]  }
0x2f: {  	lr =	sadd.s32 s0, s3;
	s0 =	sld [smem:$0x3FA6]  }
0x30: {  	s3 =	sld [smem:$0x3FA9]  }
0x31: {  	[smem:$0x3FB2] =	sst s10  }
0x32: {  	s10 =	sld [smem:$0x3FB0];
	_ =	sdelay $0x3  }
0x33: {  	p0 =	seq.s32 s10, $0x1;
	s10 =	sld [smem:$0x3FB2];
	_ =	sdelay $0x3  }
0x34: {  	[smem:$0x3FB2] =	sst s10  }
0x35: {  	s10 =	sld [smem:$0x3FB1];
	_ =	sdelay $0x3  }
0x36: {  	p1 =	seq.s32 s10, $0x1;
	s10 =	sld [smem:$0x3FB2];
	_ =	sdelay $0x3  }
0x37: {  	[smem:$0x3FB2] =	sst s10  }
0x38: {  	s10 =	sld [smem:$0x3FB3]  }
0x39: {  	_ = 	snop;
	(pc) =	sbr.ind lr, $3  }
0x3a: {  	_ = 	snop  }
0x3b: {  	_ = 	snop  }
0x3c: {  	p2 =	seq.s32 s10, $0x1;
	s10 =	sld [smem:$0x3FB2]  }
0x3d: {  	_ =	shalt  }
0x3e: {  	_ =	shalt  }
0x3f: {  	_ =	shalt  }
0x40: {  	_ =	shalt  }
0x41: {  	_ =	shalt  }
0x42: {  	_ =	shalt  }
0x43: {  	_ =	shalt  }
0x44: {  	_ =	shalt  }
0x45: {  	_ =	shalt  }
0x46: {  	_ =	shalt  }
0x47: {  	_ =	shalt  }
0x48: {  	_ =	shalt  }
0x49: {  	_ =	shalt  }
0x4a: {  	_ =	shalt  }
0x4b: {  	_ =	shalt  }
0x4c: {  	_ =	shalt  }
0x4d: {  	_ =	shalt  }
0x4e: {  	_ =	shalt  }
0x4f: {  	_ =	shalt  }
0x50: {  	_ =	shalt  }
0x51: {  	_ =	shalt  }
0x52: {  	_ =	shalt  }
0x53: {  	_ =	shalt  }
0x54: {  	_ =	shalt  }
0x55: {  	_ =	shalt  }
0x56: {  	_ =	shalt  }
0x57: {  	_ =	shalt  }
0x58: {  	_ =	shalt  }
0x59: {  	_ =	shalt  }
0x5a: {  	_ =	shalt  }
0x5b: {  	_ =	shalt  }
0x5c: {  	_ =	shalt  }
0x5d: {  	_ =	shalt  }
0x5e: {  	_ =	shalt  }
0x5f: {  	_ =	shalt  }
0x60: {  	_ =	shalt  }
0x61: {  	_ =	shalt  }
0x62: {  	_ =	shalt  }
0x63: {  	_ =	shalt  }
0x64: {  	_ =	shalt  }
0x65: {  	_ =	shalt  }
0x66: {  	_ =	shalt  }
0x67: {  	_ =	shalt  }
0x68: {  	_ =	shalt  }
0x69: {  	_ =	shalt  }
0x6a: {  	_ =	shalt  }
0x6b: {  	_ =	shalt  }
0x6c: {  	_ =	shalt  }
0x6d: {  	_ =	shalt  }
0x6e: {  	_ =	shalt  }
0x6f: {  	_ =	shalt  }
0x70: {  	_ =	shalt  }
0x71: {  	_ =	shalt  }
0x72: {  	_ =	shalt  }
0x73: {  	_ =	shalt  }
0x74: {  	_ =	shalt  }
0x75: {  	_ =	shalt  }
0x76: {  	_ =	shalt  }
0x77: {  	_ =	shalt  }
0x78: {  	_ =	shalt  }
0x79: {  	_ =	shalt  }
0x7a: {  	_ =	shalt  }
0x7b: {  	_ =	shalt  }
0x7c: {  	_ =	shalt  }
0x7d: {  	_ =	shalt  }
0x7e: {  	_ =	shalt  }
0x7f: {  	_ =	shalt  }
0x80: {  	_ =	shalt  }
0x81: {  	_ =	shalt  }
0x82: {  	_ =	shalt  }
0x83: {  	_ =	shalt  }
0x84: {  	_ =	shalt  }
0x85: {  	_ =	shalt  }
0x86: {  	_ =	shalt  }
0x87: {  	_ =	shalt  }
.Lfunc_end0:
.L_simem_size_0:
called_computation.2_lowered:
.L_overlay_start_0:
0x88: {  	s2 =	sld [smem:$0x3FD9]  }
0x89: {  	s3 =	sld [smem:$0x3FFE];
	_ =	sdelay $0x1  }
0x8a: {  	s1 =	srdreg.scid  }
0x8b: {  	s0 =	sand.u32 $0x1, s1  }
0x8c: {  	s16 =	sshll.u32 s0, $0xA;
	s2 =	sadd.s32 s3, s2  }
0x8d: {  	s2 =	sadd.s32 s2, s16  }
0x8e: {  	[smem:$0x3FBE] =	sst s2  }
0x8f: {  	_ = 	snop  }
0x90: {  	(tm) =	ssettm $0x1  }
0x91: {  	s17 =	sld [smem:$0x3FFB];
	_ =	sdelay $0x3  }
0x92: {  	_ =	strace s17  }
0x93: {  	s2 =	sld [smem:$0x3FFC];
	_ =	sdelay $0x3  }
0x94: {  	_ =	strace s2  }
0x95: {  	s2 =	sld [smem:$0x3FFD];
	_ =	sdelay $0x3  }
0x96: {  	_ =	strace s2  }
0x97: {  	_ =	strace $0x8FFFFFFF  }
0x98: {  	s18 =	sld [smem:$0x3FDB];
	_ =	sdelay $0x1  }
0x99: {  	s19 =	simm.s32 $_scs_section_size  }
0x9a: {  	s4 =	simm.s32 $_size__tile_overlayer_lowered;
	s5 =	simm.s32 $_tile_overlayer_lowered  }
0x9b: {  	s22 =	simm.s32 $0x1BFF;
	s21 =	sshll.u32 s5, $0x1;
	s2 =	sadd.s32 s19, s18  }
0x9c: {  	s6 =	simm.s32 $0x0;
	s20 =	sshll.u32 s4, $0x1;
	s4 =	sadd.s32 s21, s2  }
0x9d: {  	[timem:s6], [sflag:s22] =	dma.local [hbm:s4], s20  }
0x9e: {  	_ =	swait.ge [sflag:s22], s20  }
0x9f: {  	s3 =	ssub.s32 $0x0, s20;
	[sflag:s22] =	ssyncset.done $0x0  }
0xa0: {  	[sflag:s22] =	ssyncadd.s32 s3;
	_ =	sdelay $0x1  }
0xa1: {  	s23 =	simm.s32 $0x1B8B  }
0xa2: {  	_ =	swait.ge [sflag:s23], $0x1  }
0xa3: {  	[sflag:s23] =	ssyncset.done $0x0  }
0xa4: {  	s25 =	simm.s32 $0x1B8E;
	s24 =	sld [smem:$0x3FFE];
	[sflag:s23] =	ssyncadd.s32 $0xFFFFFFFF  }
0xa5: {  	s26 =	simm.s32 $execute0_lowered;
	[smem:$0x3FD2] =	sst s25  }
0xa6: {  	s4 =	sshll.u32 s26, $0x1;
	_ =	strace $0x8000004C;
	[dreg:$0x1] =	wrdreg $0xFFFFFFFF  }
0xa7: {  	s28 =	simm.s32 $_size_execute0_lowered;
	s2 =	sadd.s32 s2, s4;
	[dreg:$0x0] =	wrdreg $0x0  }
0xa8: {  	s4 =	sshll.u32 s28, $0x1;
	[dreg:$0x2] =	wrdreg s2  }
0xa9: {  	[dreg:$0x3] =	wrdreg s4  }
0xaa: {  	[dreg:$0x4] =	wrdreg $0xC0  }
0xab: {  	_ =	task [dreg:s6], $0x5FFFF  }
0xac: {  	[dreg:$0x1] =	wrdreg $0xFFFFFFFF  }
0xad: {  	[dreg:$0x0] =	wrdreg $0x60  }
0xae: {  	[dreg:$0x2] =	wrdreg s24  }
0xaf: {  	[dreg:$0x3] =	wrdreg $0xE7800  }
0xb0: {  	[dreg:$0x4] =	wrdreg $0xD3C00  }
0xb1: {  	[dreg:$0x5] =	wrdreg $0x9  }
0xb2: {  	_ =	task.clear_ibuf [dreg:s6], $0x6FFFF;
	_ =	strace $0x9000004C  }
0xb3: {  	s29 =	simm.s32 $0x9;
	_ =	strace $0x8000004E  }
0xb4: {  	_ =	swait.ge [sflag:s29], $0x1  }
0xb5: {  	[sflag:s29] =	ssyncadd.s32 $0xFFFFFFFF  }
0xb6: {  	_ =	strace $0x9000004E  }
0xb7: {  	_ =	sfence  }
0xb8: {  	s30 =	sld [smem:$0x0];
	_ =	sdelay $0x2  }
0xb9: {  	s31 =	sshll.u32 s1, $0xD;
	s1 =	sshrl.u32 s1, $0x2  }
0xba: {  	s3 =	sand.u32 $0x4000, s31;
	s1 =	sadd.s32 s1, s30  }
0xbb: {  	s0 =	sor.u32 s3, s0;
	s1 =	sshll.u32 s1, $0x11  }
0xbc: {  	s0 =	sor.u32 s1, s0  }
0xbd: {  	s0 =	sadd.s32 $0x8F2B, s0  }
0xbe: {  	[sflag:s0] =	ssyncadd.remote.s32 $0x1  }
0xbf: {  	_ =	sfence.sel $0xFFFF  }
0xc0: {  	[dreg:$0x0] =	wrdreg $0xFFFFFFFF;
	(pc) =	sbr.abs _section_cstart, $3  }
0xc1: {  	[dreg:$0x1] =	wrdreg $0xFFFFFFFF  }
0xc2: {  	_ =	task.clear_ibuf [dreg:s6], $0x2FFFF;
	_ =	strace $0x9FFFFFFF  }
0xc3: {  	(tm) =	ssettm $0x7FFFFFFF  }
tec
execute0_lowered:
.L_overlay_start_1:
0x0: {  	(tag) =	ssettag $0x1  }
0x1: {  	s0 =	rddreg [dreg:$0x0]  }
0x2: {  	s2 =	rddreg [dreg:$0x1]  }
0x3: {  	s3 =	rddreg [dreg:$0x2];
	s10 =	stileid.u32;
	s4 =	simm.s32 $0x0  }
0x4: {  	s5 =	srdreg.scid;
	s13 =	simm.s32 $0xC000;
	s14 =	simm.s32 $0x3  }
0x5: {  	s16 =	simm.s32 $0x80;
	s17 =	simm.s32 $0xA000;
	s18 =	simm.s32 $0xA400  }
0x6: {  	s20 =	simm.s32 $0xA800;
	s28 =	simm.s32 $0x1;
	s29 =	simm.s32 $0x2  }
0x7: {  	s30 =	simm.s32 $0x0;
	s1 =	smul.u32 $0x13C0, s10;
	[smem:$0x7FF] =	sst s4  }
0x8: {  	s5 =	sand.u32 $0x1, s5;
	s9 =	sadd.s32 $0x33800, s0;
	_ =	strace $0x8000004D  }
0x9: {  	s7 =	smul.u32 $0x13C00, s5;
	s22 =	sshll.u32 s5, $0x4;
	s5 =	ssub.s32 $0x2, s5  }
0xa: {  	s6 =	sshrl.u32 s1, $0x3;
	s10 =	sor.u32 s10, s22;
	s24 =	sshrl.u32 s5, $0x1  }
0xb: {  	s22 =	simm.s32 $0xAC00;
	s8 =	sadd.s32 s6, s0;
	s7 =	sadd.s32 s1, s7  }
0xc: {  	s11 =	smul.u32 $0x5000, s10;
	s12 =	ssub.s32 s5, s24;
	s6 =	sadd.s32 s1, s2  }
0xd: {  	s10 =	smul.u32 $0xA00, s10;
	s24 =	simm.s32 $0xB400;
	s23 =	sshrl.u32 s7, $0x3  }
0xe: {  	s25 =	sadd.s32 $0x2C200, s8;
	s26 =	sadd.s32 $0x29A00, s8;
	s8 =	sadd.s32 s1, s3  }
0xf: {  	s12 =	smax.u32 s12, $0x1;
	s0 =	sadd.s32 s23, s0;
	[dreg:$0x4] =	wrdreg s25  }
0x10: {  	s11 =	sshrl.u32 s11, $0x3;
	[dreg:$0x5] =	wrdreg s26;
	s23 =	simm.s32 $0xB000  }
0x11: {  	s25 =	simm.s32 $0xB800;
	s26 =	simm.s32 $0xBC00;
	s31 =	sadd.s32 s9, s11  }
0x12: {  	s9 =	sadd.s32 s9, s10;
	s11 =	sadd.s32 $0x5B800, s0;
	s10 =	sadd.s32 $0x14000, s31  }
.LBB2_1:
0x13: {  	s0 =	rddreg [dreg:$0x4]  }
0x14: {  	[tilespmem:s13], [sflag:$0x3] =	stream.linear.gather [hbm4b:s0+s4], $0x13C0, $0x38;
	[tilespmem:$0xFB40] =	vst v63  }
0x15: {  	_ =	swait.ge [sflag:s14], $0x13C0  }
0x16: {  	[sflag:s14] =	ssyncset.done $0x0  }
0x17: {  	[sflag:s14] =	ssyncadd.s32 $0xFFFFEC40  }
0x18: {  	[spmem:s6] =	stream.linear.scatter [tilespmem:s13], [sflag:$0x3], $0x13C0, $0x38;
	[tilespmem:$0xFB40] =	vst v63  }
0x19: {  	_ =	swait.ge [sflag:s14], $0x13C0  }
0x1a: {  	[sflag:s14] =	ssyncset.done $0x0  }
0x1b: {  	s15 =	rddreg [dreg:$0x5];
	[sflag:s14] =	ssyncadd.s32 $0xFFFFEC40  }
0x1c: {  	[tilespmem:s13], [sflag:$0x3] =	stream.linear.gather [hbm4b:s15+s4], $0x13C0, $0x38;
	[tilespmem:$0xFB40] =	vst v63  }
0x1d: {  	_ =	swait.ge [sflag:s14], $0x13C0  }
0x1e: {  	[sflag:s14] =	ssyncset.done $0x0  }
0x1f: {  	[sflag:s14] =	ssyncadd.s32 $0xFFFFEC40  }
0x20: {  	[spmem:s8] =	stream.linear.scatter [tilespmem:s13], [sflag:$0x3], $0x13C0, $0x38;
	[tilespmem:$0xFB40] =	vst v63  }
0x21: {  	_ =	swait.ge [sflag:s14], $0x13C0  }
0x22: {  	[sflag:s14] =	ssyncset.done $0x0  }
0x23: {  	[sflag:s14] =	ssyncadd.s32 $0xFFFFEC40  }
0x24: {  	[tilespmem:s4], [sflag:$0x3] =	stream.linear.gather [hbm4b:s9+s4], $0x5000, $0x38;
	[tilespmem:$0xFB40] =	vst v63  }
0x25: {  	_ =	swait.ge [sflag:s14], $0x5000  }
0x26: {  	[sflag:s14] =	ssyncset.done $0x0  }
0x27: {  	s19 =	simm.s32 $0x5000;
	[sflag:s14] =	ssyncadd.s32 $0xFFFFB000  }
0x28: {  	[tilespmem:s19], [sflag:$0x3] =	stream.linear.gather [hbm4b:s10+s4], $0x5000, $0x38;
	[tilespmem:$0xFB40] =	vst v63  }
0x29: {  	_ =	swait.ge [sflag:s14], $0x5000  }
0x2a: {  	[sflag:s14] =	ssyncset.done $0x0  }
0x2b: {  	[sflag:s14] =	ssyncadd.s32 $0xFFFFB000  }
0x2c: {  	[bflag:$0x0] =	sbarrier.arrive $0xFFFF  }
0x2d: {  	[tilespmem:s17], [sflag:$0x1] =	stream.indirect.gather [spmem:s3], $0x8, s4, s16, $0xb8;
	[tilespmem:$0xFB40] =	vst v63  }
0x2e: {  	p0 =	por $0x1, $0x1  }
0x2f: {  	[tilespmem:s18], [sflag:$0x1] =	stream.indirect.gather [spmem:s3], $0x8, s16, s16, $0xb8;
	[tilespmem:$0xFB40] =	vst v63  }
0x30: {  	s21 =	simm.s32 $0x100;
	p0 =	por p0, p0  }
0x31: {  	[tilespmem:s20], [sflag:$0x1] =	stream.indirect.gather [spmem:s3], $0x8, s21, s16, $0xb8;
	[tilespmem:$0xFB40] =	vst v63  }
0x32: {  	s1 =	simm.s32 $0x180;
	s0 =	simm.s32 @!p0 $0x2  }
0x33: {  	[tilespmem:s22], [sflag:$0x1] =	stream.indirect.gather [spmem:s3], $0x8, s1, s16, $0xb8;
	[tilespmem:$0xFB40] =	vst v63  }
0x34: {  	_ =	swait.ge @!p0 [sflag:s0], $0x400  }
0x35: {  	[sflag:s0] =	ssyncset.done @!p0 $0x0  }
0x36: {  	[sflag:s0] =	ssyncadd.s32 @!p0 $0xFFFFFC00  }
0x37: {  	_ =	swait.ge @!p0 [sflag:s0], $0x400  }
0x38: {  	[sflag:s0] =	ssyncset.done @!p0 $0x0  }
0x39: {  	[sflag:s0] =	ssyncadd.s32 @!p0 $0xFFFFFC00  }
0x3a: {  	_ =	swait.ge @!p0 [sflag:s0], $0x400  }
0x3b: {  	[sflag:s0] =	ssyncset.done @!p0 $0x0  }
0x3c: {  	[sflag:s0] =	ssyncadd.s32 @!p0 $0xFFFFFC00  }
0x3d: {  	_ =	swait.ge @!p0 [sflag:s0], $0x400  }
0x3e: {  	[sflag:s0] =	ssyncset.done @!p0 $0x0  }
0x3f: {  	s5 =	simm.s32 $0x200;
	[sflag:s0] =	ssyncadd.s32 @!p0 $0xFFFFFC00  }
0x40: {  	[tilespmem:s23], [sflag:$0x1] =	stream.indirect.gather [spmem:s3], $0x8, s5, s16, $0xb8;
	[tilespmem:$0xFB40] =	vst v63  }
0x41: {  	s7 =	simm.s32 $0x280  }
0x42: {  	[tilespmem:s24], [sflag:$0x1] =	stream.indirect.gather [spmem:s3], $0x8, s7, s16, $0xb8;
	[tilespmem:$0xFB40] =	vst v63  }
0x43: {  	s15 =	simm.s32 $0x300  }
0x44: {  	[tilespmem:s25], [sflag:$0x1] =	stream.indirect.gather [spmem:s3], $0x8, s15, s16, $0xb8;
	[tilespmem:$0xFB40] =	vst v63  }
0x45: {  	s19 =	simm.s32 $0x380  }
0x46: {  	[tilespmem:s26], [sflag:$0x1] =	stream.indirect.gather [spmem:s3], $0x8, s19, s16, $0xb8;
	[tilespmem:$0xFB40] =	vst v63  }
0x47: {  	_ =	swait.ge [sflag:s28], $0x400  }
0x48: {  	[sflag:s28] =	ssyncset.done $0x0  }
0x49: {  	[sflag:s28] =	ssyncadd.s32 $0xFFFFFC00  }
0x4a: {  	_ =	swait.ge [sflag:s28], $0x400  }
0x4b: {  	[sflag:s28] =	ssyncset.done $0x0  }
0x4c: {  	[sflag:s28] =	ssyncadd.s32 $0xFFFFFC00  }
0x4d: {  	_ =	swait.ge [sflag:s28], $0x400  }
0x4e: {  	[sflag:s28] =	ssyncset.done $0x0  }
0x4f: {  	[sflag:s28] =	ssyncadd.s32 $0xFFFFFC00  }
0x50: {  	_ =	swait.ge [sflag:s28], $0x400  }
0x51: {  	[sflag:s28] =	ssyncset.done $0x0  }
0x52: {  	s21 =	simm.s32 $0x5000;
	[sflag:s28] =	ssyncadd.s32 $0xFFFFFC00  }
0x53: {  	[spmem:s2] =	stream.indirect.scatter.add.f32 [tilespmem:s17], [sflag:$0x2], $0x8, s21, s16, $0xb8;
	[tilespmem:$0xFB40] =	vst v63  }
0x54: {  	s1 =	simm.s32 $0x5080  }
0x55: {  	[spmem:s2] =	stream.indirect.scatter.add.f32 [tilespmem:s18], [sflag:$0x2], $0x8, s1, s16, $0xb8;
	[tilespmem:$0xFB40] =	vst v63  }
0x56: {  	s5 =	simm.s32 $0x5100  }
0x57: {  	[spmem:s2] =	stream.indirect.scatter.add.f32 [tilespmem:s20], [sflag:$0x2], $0x8, s5, s16, $0xb8;
	[tilespmem:$0xFB40] =	vst v63  }
0x58: {  	s7 =	simm.s32 $0x5180  }
0x59: {  	[spmem:s2] =	stream.indirect.scatter.add.f32 [tilespmem:s22], [sflag:$0x2], $0x8, s7, s16, $0xb8;
	[tilespmem:$0xFB40] =	vst v63  }
0x5a: {  	_ =	swait.ge [sflag:s29], $0x400  }
0x5b: {  	[sflag:s29] =	ssyncset.done $0x0  }
0x5c: {  	[sflag:s29] =	ssyncadd.s32 $0xFFFFFC00  }
0x5d: {  	_ =	swait.ge [sflag:s29], $0x400  }
0x5e: {  	[sflag:s29] =	ssyncset.done $0x0  }
0x5f: {  	[sflag:s29] =	ssyncadd.s32 $0xFFFFFC00  }
0x60: {  	_ =	swait.ge [sflag:s29], $0x400  }
0x61: {  	[sflag:s29] =	ssyncset.done $0x0  }
0x62: {  	[sflag:s29] =	ssyncadd.s32 $0xFFFFFC00  }
0x63: {  	p0 =	por $0x0, $0x0;
	_ =	swait.ge [sflag:s29], $0x400  }
0x64: {  	s0 =	simm.s32 @!p0 $0xA000;
	[sflag:s29] =	ssyncset.done $0x0  }
0x65: {  	s15 =	simm.s32 @!p0 $0x80;
	s1 =	simm.s32 @!p0 $0x400;
	[sflag:s29] =	ssyncadd.s32 $0xFFFFFC00  }
0x66: {  	[tilespmem:s0], [sflag:$0x1] =	stream.indirect.gather @!p0 [spmem:s3], $0x8, s1, s15, $0xb8;
	[tilespmem:$0xFB40] =	vst v63  }
0x67: {  	s0 =	simm.s32 @!p0 $0x480;
	s1 =	simm.s32 @!p0 $0xA400  }
0x68: {  	[tilespmem:s1], [sflag:$0x1] =	stream.indirect.gather @!p0 [spmem:s3], $0x8, s0, s15, $0xb8;
	[tilespmem:$0xFB40] =	vst v63  }
0x69: {  	s0 =	simm.s32 @!p0 $0x500;
	s1 =	simm.s32 @!p0 $0xA800  }
0x6a: {  	[tilespmem:s1], [sflag:$0x1] =	stream.indirect.gather @!p0 [spmem:s3], $0x8, s0, s15, $0xb8;
	[tilespmem:$0xFB40] =	vst v63  }
0x6b: {  	s0 =	simm.s32 @!p0 $0x580;
	s1 =	simm.s32 @!p0 $0xAC00  }
0x6c: {  	[tilespmem:s1], [sflag:$0x1] =	stream.indirect.gather @!p0 [spmem:s3], $0x8, s0, s15, $0xb8;
	[tilespmem:$0xFB40] =	vst v63  }
0x6d: {  	_ =	swait.ge [sflag:s28], $0x400  }
0x6e: {  	[sflag:s28] =	ssyncset.done $0x0  }
0x6f: {  	[sflag:s28] =	ssyncadd.s32 $0xFFFFFC00  }
0x70: {  	_ =	swait.ge [sflag:s28], $0x400  }
0x71: {  	[sflag:s28] =	ssyncset.done $0x0  }
0x72: {  	[sflag:s28] =	ssyncadd.s32 $0xFFFFFC00  }
0x73: {  	_ =	swait.ge [sflag:s28], $0x400  }
0x74: {  	[sflag:s28] =	ssyncset.done $0x0  }
0x75: {  	[sflag:s28] =	ssyncadd.s32 $0xFFFFFC00  }
0x76: {  	_ =	swait.ge [sflag:s28], $0x400  }
0x77: {  	[sflag:s28] =	ssyncset.done $0x0  }
0x78: {  	s31 =	simm.s32 $0x1000;
	s15 =	simm.s32 $0x5200;
	[sflag:s28] =	ssyncadd.s32 $0xFFFFFC00  }
0x79: {  	[spmem:s2] =	stream.indirect.scatter.add.f32 [tilespmem:s23], [sflag:$0x2], $0x8, s15, s16, $0xb8;
	[tilespmem:$0xFB40] =	vst v63  }
0x7a: {  	p6 =	por $0x0, $0x0;
	s19 =	simm.s32 $0x5280;
	s21 =	simm.s32 $0x5300  }
0x7b: {  	[spmem:s2] =	stream.indirect.scatter.add.f32 [tilespmem:s24], [sflag:$0x2], $0x8, s19, s16, $0xb8;
	[tilespmem:$0xFB40] =	vst v63  }
0x7c: {  	s0 =	simm.s32 $0x2000;
	p0 =	por p6, p6;
	s1 =	simm.s32 $0x5380  }
0x7d: {  	[spmem:s2] =	stream.indirect.scatter.add.f32 [tilespmem:s25], [sflag:$0x2], $0x8, s21, s16, $0xb8;
	[tilespmem:$0xFB40] =	vst v63  }
.LBB2_2:
0x7e: {  	[spmem:s2] =	stream.indirect.scatter.add.f32 [tilespmem:s26], [sflag:$0x2], $0x8, s1, s16, $0xb8;
	[tilespmem:$0xFB40] =	vst v63  }
0x7f: {  	s15 =	smov.u32 s0  }
0x80: {  	s0 =	sadd.s32 $0x1000, s0;
	s19 =	simm.s32 @!p0 $0x2;
	p2 =	seq.s32 s15, $0x0  }
0x81: {  	p1 =	sne.s32 s0, $0x14000;
	_ =	swait.ge @!p0 [sflag:s19], $0x400  }
0x82: {  	[sflag:s19] =	ssyncset.done @!p0 $0x0  }
0x83: {  	[sflag:s19] =	ssyncadd.s32 @!p0 $0xFFFFFC00  }
0x84: {  	_ =	swait.ge @!p0 [sflag:s19], $0x400  }
0x85: {  	[sflag:s19] =	ssyncset.done @!p0 $0x0  }
0x86: {  	[sflag:s19] =	ssyncadd.s32 @!p0 $0xFFFFFC00  }
0x87: {  	_ =	swait.ge @!p0 [sflag:s19], $0x400  }
0x88: {  	[sflag:s19] =	ssyncset.done @!p0 $0x0  }
0x89: {  	[sflag:s19] =	ssyncadd.s32 @!p0 $0xFFFFFC00  }
0x8a: {  	_ =	swait.ge @!p0 [sflag:s19], $0x400  }
0x8b: {  	s1 =	sshra.s32 s31, $0x2;
	[sflag:s19] =	ssyncset.done @!p0 $0x0  }
0x8c: {  	[sflag:s19] =	ssyncadd.s32 @!p0 $0xFFFFFC00;
	s19 =	sadd.s32 $0x200, s1;
	p0 =	por p2, p2  }
0x8d: {  	[tilespmem:s23], [sflag:$0x1] =	stream.indirect.gather [spmem:s3], $0x8, s19, s16, $0xb8;
	[tilespmem:$0xFB40] =	vst v63  }
0x8e: {  	s19 =	sadd.s32 $0x280, s1  }
0x8f: {  	[tilespmem:s24], [sflag:$0x1] =	stream.indirect.gather [spmem:s3], $0x8, s19, s16, $0xb8;
	[tilespmem:$0xFB40] =	vst v63  }
0x90: {  	s19 =	sadd.s32 $0x300, s1  }
0x91: {  	[tilespmem:s25], [sflag:$0x1] =	stream.indirect.gather [spmem:s3], $0x8, s19, s16, $0xb8;
	[tilespmem:$0xFB40] =	vst v63  }
0x92: {  	s19 =	sadd.s32 $0x380, s1  }
0x93: {  	[tilespmem:s26], [sflag:$0x1] =	stream.indirect.gather [spmem:s3], $0x8, s19, s16, $0xb8;
	[tilespmem:$0xFB40] =	vst v63  }
0x94: {  	_ =	swait.ge [sflag:s28], $0x400  }
0x95: {  	[sflag:s28] =	ssyncset.done $0x0  }
0x96: {  	[sflag:s28] =	ssyncadd.s32 $0xFFFFFC00  }
0x97: {  	_ =	swait.ge [sflag:s28], $0x400  }
0x98: {  	[sflag:s28] =	ssyncset.done $0x0  }
0x99: {  	[sflag:s28] =	ssyncadd.s32 $0xFFFFFC00  }
0x9a: {  	_ =	swait.ge [sflag:s28], $0x400  }
0x9b: {  	[sflag:s28] =	ssyncset.done $0x0  }
0x9c: {  	[sflag:s28] =	ssyncadd.s32 $0xFFFFFC00  }
0x9d: {  	_ =	swait.ge [sflag:s28], $0x400  }
0x9e: {  	[sflag:s28] =	ssyncset.done $0x0  }
0x9f: {  	s19 =	sadd.s32 $0x5000, s1;
	[sflag:s28] =	ssyncadd.s32 $0xFFFFFC00  }
0xa0: {  	[spmem:s2] =	stream.indirect.scatter.add.f32 [tilespmem:s17], [sflag:$0x2], $0x8, s19, s16, $0xb8;
	[tilespmem:$0xFB40] =	vst v63  }
0xa1: {  	s19 =	sadd.s32 $0x5080, s1  }
0xa2: {  	[spmem:s2] =	stream.indirect.scatter.add.f32 [tilespmem:s18], [sflag:$0x2], $0x8, s19, s16, $0xb8;
	[tilespmem:$0xFB40] =	vst v63  }
0xa3: {  	s19 =	sadd.s32 $0x5100, s1  }
0xa4: {  	[spmem:s2] =	stream.indirect.scatter.add.f32 [tilespmem:s20], [sflag:$0x2], $0x8, s19, s16, $0xb8;
	[tilespmem:$0xFB40] =	vst v63  }
0xa5: {  	s19 =	sadd.s32 $0x5180, s1  }
0xa6: {  	[spmem:s2] =	stream.indirect.scatter.add.f32 [tilespmem:s22], [sflag:$0x2], $0x8, s19, s16, $0xb8;
	[tilespmem:$0xFB40] =	vst v63  }
0xa7: {  	_ =	swait.ge [sflag:s29], $0x400  }
0xa8: {  	[sflag:s29] =	ssyncset.done $0x0  }
0xa9: {  	[sflag:s29] =	ssyncadd.s32 $0xFFFFFC00  }
0xaa: {  	_ =	swait.ge [sflag:s29], $0x400  }
0xab: {  	[sflag:s29] =	ssyncset.done $0x0  }
0xac: {  	[sflag:s29] =	ssyncadd.s32 $0xFFFFFC00  }
0xad: {  	_ =	swait.ge [sflag:s29], $0x400  }
0xae: {  	[sflag:s29] =	ssyncset.done $0x0  }
0xaf: {  	[sflag:s29] =	ssyncadd.s32 $0xFFFFFC00  }
0xb0: {  	p2 =	seq.s32 s31, $0x13000;
	_ =	swait.ge [sflag:s29], $0x400  }
0xb1: {  	s19 =	sshra.s32 @!p2 s31, $0x2;
	s31 =	simm.s32 @!p2 $0xA000;
	[sflag:s29] =	ssyncset.done $0x0  }
0xb2: {  	s5 =	simm.s32 @!p2 $0x80;
	s21 =	sadd.s32 @!p2 $0x400, s19;
	[sflag:s29] =	ssyncadd.s32 $0xFFFFFC00  }
0xb3: {  	[tilespmem:s31], [sflag:$0x1] =	stream.indirect.gather @!p2 [spmem:s3], $0x8, s21, s5, $0xb8;
	[tilespmem:$0xFB40] =	vst v63  }
0xb4: {  	s7 =	sadd.s32 @!p2 $0x500, s19;
	s21 =	sadd.s32 @!p2 $0x480, s19;
	s31 =	simm.s32 @!p2 $0xA400  }
0xb5: {  	[tilespmem:s31], [sflag:$0x1] =	stream.indirect.gather @!p2 [spmem:s3], $0x8, s21, s5, $0xb8;
	[tilespmem:$0xFB40] =	vst v63  }
0xb6: {  	s19 =	sadd.s32 @!p2 $0x580, s19;
	s21 =	simm.s32 @!p2 $0xA800;
	s31 =	smov.u32 s15  }
0xb7: {  	[tilespmem:s21], [sflag:$0x1] =	stream.indirect.gather @!p2 [spmem:s3], $0x8, s7, s5, $0xb8;
	[tilespmem:$0xFB40] =	vst v63  }
0xb8: {  	s7 =	simm.s32 @!p2 $0xAC00  }
0xb9: {  	[tilespmem:s7], [sflag:$0x1] =	stream.indirect.gather @!p2 [spmem:s3], $0x8, s19, s5, $0xb8;
	[tilespmem:$0xFB40] =	vst v63  }
0xba: {  	_ =	swait.ge [sflag:s28], $0x400  }
0xbb: {  	[sflag:s28] =	ssyncset.done $0x0  }
0xbc: {  	[sflag:s28] =	ssyncadd.s32 $0xFFFFFC00  }
0xbd: {  	_ =	swait.ge [sflag:s28], $0x400  }
0xbe: {  	[sflag:s28] =	ssyncset.done $0x0  }
0xbf: {  	[sflag:s28] =	ssyncadd.s32 $0xFFFFFC00  }
0xc0: {  	_ =	swait.ge [sflag:s28], $0x400  }
0xc1: {  	[sflag:s28] =	ssyncset.done $0x0  }
0xc2: {  	[sflag:s28] =	ssyncadd.s32 $0xFFFFFC00  }
0xc3: {  	_ =	swait.ge [sflag:s28], $0x400  }
0xc4: {  	[sflag:s28] =	ssyncset.done $0x0  }
0xc5: {  	s5 =	sadd.s32 $0x5200, s1;
	[sflag:s28] =	ssyncadd.s32 $0xFFFFFC00  }
0xc6: {  	[spmem:s2] =	stream.indirect.scatter.add.f32 [tilespmem:s23], [sflag:$0x2], $0x8, s5, s16, $0xb8;
	[tilespmem:$0xFB40] =	vst v63  }
.Ltmp0:
0xc7: {  	s5 =	sadd.s32 $0x5280, s1;
	(pc) =	sbr.rel @p1 .LBB2_2-.Ltmp0, $4  }
0xc8: {  	[spmem:s2] =	stream.indirect.scatter.add.f32 [tilespmem:s24], [sflag:$0x2], $0x8, s5, s16, $0xb8;
	[tilespmem:$0xFB40] =	vst v63  }
0xc9: {  	s5 =	sadd.s32 $0x5300, s1  }
0xca: {  	[spmem:s2] =	stream.indirect.scatter.add.f32 [tilespmem:s25], [sflag:$0x2], $0x8, s5, s16, $0xb8;
	[tilespmem:$0xFB40] =	vst v63  }
0xcb: {  	s1 =	sadd.s32 $0x5380, s1  }
0xcc: {  	[spmem:s2] =	stream.indirect.scatter.add.f32 [tilespmem:s26], [sflag:$0x2], $0x8, s1, s16, $0xb8;
	[tilespmem:$0xFB40] =	vst v63  }
0xcd: {  	s1 =	simm.s32 @!p0 $0x2  }
0xce: {  	_ =	swait.ge @!p0 [sflag:s1], $0x400  }
0xcf: {  	[sflag:s1] =	ssyncset.done @!p0 $0x0  }
0xd0: {  	[sflag:s1] =	ssyncadd.s32 @!p0 $0xFFFFFC00  }
0xd1: {  	_ =	swait.ge @!p0 [sflag:s1], $0x400  }
0xd2: {  	[sflag:s1] =	ssyncset.done @!p0 $0x0  }
0xd3: {  	[sflag:s1] =	ssyncadd.s32 @!p0 $0xFFFFFC00  }
0xd4: {  	_ =	swait.ge @!p0 [sflag:s1], $0x400  }
0xd5: {  	[sflag:s1] =	ssyncset.done @!p0 $0x0  }
0xd6: {  	[sflag:s1] =	ssyncadd.s32 @!p0 $0xFFFFFC00  }
0xd7: {  	_ =	swait.ge @!p0 [sflag:s1], $0x400  }
0xd8: {  	s0 =	sshra.s32 s31, $0x2;
	[sflag:s1] =	ssyncset.done @!p0 $0x0  }
0xd9: {  	s5 =	sadd.s32 $0x200, s0;
	[sflag:s1] =	ssyncadd.s32 @!p0 $0xFFFFFC00  }
0xda: {  	[tilespmem:s23], [sflag:$0x1] =	stream.indirect.gather [spmem:s3], $0x8, s5, s16, $0xb8;
	[tilespmem:$0xFB40] =	vst v63  }
0xdb: {  	s7 =	sadd.s32 $0x280, s0  }
0xdc: {  	[tilespmem:s24], [sflag:$0x1] =	stream.indirect.gather [spmem:s3], $0x8, s7, s16, $0xb8;
	[tilespmem:$0xFB40] =	vst v63  }
0xdd: {  	s15 =	sadd.s32 $0x300, s0  }
0xde: {  	[tilespmem:s25], [sflag:$0x1] =	stream.indirect.gather [spmem:s3], $0x8, s15, s16, $0xb8;
	[tilespmem:$0xFB40] =	vst v63  }
0xdf: {  	s19 =	sadd.s32 $0x380, s0  }
0xe0: {  	[tilespmem:s26], [sflag:$0x1] =	stream.indirect.gather [spmem:s3], $0x8, s19, s16, $0xb8;
	[tilespmem:$0xFB40] =	vst v63  }
0xe1: {  	_ =	swait.ge [sflag:s28], $0x400  }
0xe2: {  	[sflag:s28] =	ssyncset.done $0x0  }
0xe3: {  	[sflag:s28] =	ssyncadd.s32 $0xFFFFFC00  }
0xe4: {  	_ =	swait.ge [sflag:s28], $0x400  }
0xe5: {  	[sflag:s28] =	ssyncset.done $0x0  }
0xe6: {  	[sflag:s28] =	ssyncadd.s32 $0xFFFFFC00  }
0xe7: {  	_ =	swait.ge [sflag:s28], $0x400  }
0xe8: {  	[sflag:s28] =	ssyncset.done $0x0  }
0xe9: {  	[sflag:s28] =	ssyncadd.s32 $0xFFFFFC00  }
0xea: {  	_ =	swait.ge [sflag:s28], $0x400  }
0xeb: {  	[sflag:s28] =	ssyncset.done $0x0  }
0xec: {  	s21 =	sadd.s32 $0x5000, s0;
	[sflag:s28] =	ssyncadd.s32 $0xFFFFFC00  }
0xed: {  	[spmem:s2] =	stream.indirect.scatter.add.f32 [tilespmem:s17], [sflag:$0x2], $0x8, s21, s16, $0xb8;
	[tilespmem:$0xFB40] =	vst v63  }
0xee: {  	s5 =	sadd.s32 $0x5080, s0  }
0xef: {  	[spmem:s2] =	stream.indirect.scatter.add.f32 [tilespmem:s18], [sflag:$0x2], $0x8, s5, s16, $0xb8;
	[tilespmem:$0xFB40] =	vst v63  }
0xf0: {  	s7 =	sadd.s32 $0x5100, s0  }
0xf1: {  	[spmem:s2] =	stream.indirect.scatter.add.f32 [tilespmem:s20], [sflag:$0x2], $0x8, s7, s16, $0xb8;
	[tilespmem:$0xFB40] =	vst v63  }
0xf2: {  	s15 =	sadd.s32 $0x5180, s0  }
0xf3: {  	[spmem:s2] =	stream.indirect.scatter.add.f32 [tilespmem:s22], [sflag:$0x2], $0x8, s15, s16, $0xb8;
	[tilespmem:$0xFB40] =	vst v63  }
0xf4: {  	_ =	swait.ge [sflag:s29], $0x400  }
0xf5: {  	[sflag:s29] =	ssyncset.done $0x0  }
0xf6: {  	[sflag:s29] =	ssyncadd.s32 $0xFFFFFC00  }
0xf7: {  	_ =	swait.ge [sflag:s29], $0x400  }
0xf8: {  	[sflag:s29] =	ssyncset.done $0x0  }
0xf9: {  	[sflag:s29] =	ssyncadd.s32 $0xFFFFFC00  }
0xfa: {  	_ =	swait.ge [sflag:s29], $0x400  }
0xfb: {  	[sflag:s29] =	ssyncset.done $0x0  }
0xfc: {  	[sflag:s29] =	ssyncadd.s32 $0xFFFFFC00  }
0xfd: {  	p0 =	seq.s32 s31, $0x13000;
	_ =	swait.ge [sflag:s29], $0x400  }
0xfe: {  	s1 =	sshra.s32 @!p0 s31, $0x2;
	s5 =	simm.s32 @!p0 $0xA000;
	[sflag:s29] =	ssyncset.done $0x0  }
0xff: {  	s7 =	sadd.s32 @!p0 $0x400, s1;
	s15 =	simm.s32 @!p0 $0x80;
	[sflag:s29] =	ssyncadd.s32 $0xFFFFFC00  }
0x100: {  	[tilespmem:s5], [sflag:$0x1] =	stream.indirect.gather @!p0 [spmem:s3], $0x8, s7, s15, $0xb8;
	[tilespmem:$0xFB40] =	vst v63  }
0x101: {  	s5 =	sadd.s32 @!p0 $0x480, s1;
	s7 =	simm.s32 @!p0 $0xA400  }
0x102: {  	[tilespmem:s7], [sflag:$0x1] =	stream.indirect.gather @!p0 [spmem:s3], $0x8, s5, s15, $0xb8;
	[tilespmem:$0xFB40] =	vst v63  }
0x103: {  	s5 =	sadd.s32 @!p0 $0x500, s1;
	s7 =	simm.s32 @!p0 $0xA800  }
0x104: {  	[tilespmem:s7], [sflag:$0x1] =	stream.indirect.gather @!p0 [spmem:s3], $0x8, s5, s15, $0xb8;
	[tilespmem:$0xFB40] =	vst v63  }
0x105: {  	s1 =	sadd.s32 @!p0 $0x580, s1;
	s5 =	simm.s32 @!p0 $0xAC00  }
0x106: {  	[tilespmem:s5], [sflag:$0x1] =	stream.indirect.gather @!p0 [spmem:s3], $0x8, s1, s15, $0xb8;
	[tilespmem:$0xFB40] =	vst v63  }
0x107: {  	_ =	swait.ge [sflag:s28], $0x400  }
0x108: {  	[sflag:s28] =	ssyncset.done $0x0  }
0x109: {  	[sflag:s28] =	ssyncadd.s32 $0xFFFFFC00  }
0x10a: {  	_ =	swait.ge [sflag:s28], $0x400  }
0x10b: {  	[sflag:s28] =	ssyncset.done $0x0  }
0x10c: {  	[sflag:s28] =	ssyncadd.s32 $0xFFFFFC00  }
0x10d: {  	_ =	swait.ge [sflag:s28], $0x400  }
0x10e: {  	[sflag:s28] =	ssyncset.done $0x0  }
0x10f: {  	[sflag:s28] =	ssyncadd.s32 $0xFFFFFC00  }
0x110: {  	_ =	swait.ge [sflag:s28], $0x400  }
0x111: {  	[sflag:s28] =	ssyncset.done $0x0  }
0x112: {  	s19 =	sadd.s32 $0x5200, s0;
	[sflag:s28] =	ssyncadd.s32 $0xFFFFFC00  }
0x113: {  	[spmem:s2] =	stream.indirect.scatter.add.f32 [tilespmem:s23], [sflag:$0x2], $0x8, s19, s16, $0xb8;
	[tilespmem:$0xFB40] =	vst v63  }
0x114: {  	s21 =	sadd.s32 $0x5280, s0  }
0x115: {  	[spmem:s2] =	stream.indirect.scatter.add.f32 [tilespmem:s24], [sflag:$0x2], $0x8, s21, s16, $0xb8;
	[tilespmem:$0xFB40] =	vst v63  }
0x116: {  	s31 =	sadd.s32 $0x5300, s0  }
0x117: {  	[spmem:s2] =	stream.indirect.scatter.add.f32 [tilespmem:s25], [sflag:$0x2], $0x8, s31, s16, $0xb8;
	[tilespmem:$0xFB40] =	vst v63  }
0x118: {  	s0 =	sadd.s32 $0x5380, s0  }
0x119: {  	[spmem:s2] =	stream.indirect.scatter.add.f32 [tilespmem:s26], [sflag:$0x2], $0x8, s0, s16, $0xb8;
	[tilespmem:$0xFB40] =	vst v63  }
0x11a: {  	_ =	swait.ge [sflag:s29], $0x400  }
0x11b: {  	[sflag:s29] =	ssyncset.done $0x0  }
0x11c: {  	[sflag:s29] =	ssyncadd.s32 $0xFFFFFC00  }
0x11d: {  	_ =	swait.ge [sflag:s29], $0x400  }
0x11e: {  	[sflag:s29] =	ssyncset.done $0x0  }
0x11f: {  	[sflag:s29] =	ssyncadd.s32 $0xFFFFFC00  }
0x120: {  	_ =	swait.ge [sflag:s29], $0x400  }
0x121: {  	[sflag:s29] =	ssyncset.done $0x0  }
0x122: {  	[sflag:s29] =	ssyncadd.s32 $0xFFFFFC00  }
0x123: {  	_ =	swait.ge [sflag:s29], $0x400  }
0x124: {  	[sflag:s29] =	ssyncset.done $0x0  }
0x125: {  	[sflag:s29] =	ssyncadd.s32 $0xFFFFFC00  }
0x126: {  	[bflag:$0x0] =	sbarrier.arrive $0xFFFF  }
0x127: {  	[tilespmem:s13], [sflag:$0x3] =	stream.linear.gather [spmem:s6], $0x13C0, $0x38;
	[tilespmem:$0xFB40] =	vst v63  }
0x128: {  	s30 =	sadd.s32 $0x1, s30;
	_ =	swait.ge [sflag:s14], $0x13C0  }
0x129: {  	p0 =	sne.s32 s30, s12;
	[sflag:s14] =	ssyncset.done $0x0  }
.Ltmp1:
0x12a: {  	[sflag:s14] =	ssyncadd.s32 $0xFFFFEC40;
	(pc) =	sbr.rel @p0 .LBB2_1-.Ltmp1, $4  }
0x12b: {  	[hbm4b:s11+s4] =	stream.linear.scatter [tilespmem:s13], [sflag:$0x3], $0x13C0, $0x38;
	[tilespmem:$0xFB40] =	vst v63  }
0x12c: {  	_ =	swait.ge [sflag:s14], $0x13C0  }
0x12d: {  	[sflag:s14] =	ssyncset.done $0x0  }
0x12e: {  	[sflag:s14] =	ssyncadd.s32 $0xFFFFEC40  }
0x12f: {  	_ =	sfence.sel $0x180000  }
0x130: {  	[bflag:$0x0] =	sbarrier.arrive $0xFFFF  }
0x131: {  	_ =	strace $0x9000004D  }
0x132: {  	s0 =	stileid.u32;
	[bflag:$0x2] =	sbarrier.arrive $0xFFFF  }
0x133: {  	p0 =	sne.s32 s0, $0x0;
	s0 =	rddreg [dreg:$0x3]  }
0x134: {  	s0 =	sadd.s32 @!p0 $0x100000, s0  }
0x135: {  	[sflag:s0] =	ssyncadd.tile.s32 @!p0 $0x1;
	_ =	shalt  }
.Lfunc_end2:
_tile_overlayer_lowered:
.L_overlay_start_2:
0x136: {  	(tag) =	ssettag $0x2  }
0x137: {  	s0 =	rddreg [dreg:$0x0];
	s2 =	stileid.u32  }
0x138: {  	s1 =	rddreg [dreg:$0x1];
	p0 =	sne.s32 s2, $0x0  }
0x139: {  	s3 =	rddreg [dreg:$0x2];
	[bflag:$0x3] =	sbarrier.arrive $0xFFFF;
	s2 =	simm.s32 @!p0 $0x1C03  }
0x13a: {  	[timem:s3], [sflag:s2] =	dma.local @!p0 [hbm:s0], s1  }
0x13b: {  	s0 =	simm.s32 @!p0 $0x3  }
0x13c: {  	_ =	swait.ge @!p0 [sflag:s0], s1  }
0x13d: {  	s1 =	ssub.s32 @!p0 $0x0, s1;
	[sflag:s0] =	ssyncset.done @!p0 $0x0  }
0x13e: {  	[sflag:s0] =	ssyncadd.s32 @!p0 s1  }
0x13f: {  	[bflag:$0x3] =	sbarrier.arrive $0xFFFF  }
0x140: {  	_ =	shalt  }

// kernel: kernel.20.cloned.1.call-start
scs
__scs_entry_jumppad:
0x0: {  	(pc) =	sbr.rel $0x88, $3  }
0x1: {  	(tag) =	ssettag $0x0;
	lr =	simm.s32 $0x1  }
0x2: {  	[smem:$0x3F97] =	sst lr;
	_ =	strace $0xD0000000  }
0x3: {  	_ = 	snop  }
0x4: {  	_ = 	snop  }
0x5: {  	_ = 	snop  }
0x6: {  	_ = 	snop  }
0x7: {  	_ = 	snop  }
__scs_overlays_trampoline_lowered:
0x8: {  	[smem:$0x3FA6] =	sst s0  }
0x9: {  	[smem:$0x3FA7] =	sst s1  }
0xa: {  	[smem:$0x3FA8] =	sst s2  }
0xb: {  	[smem:$0x3FA9] =	sst s3  }
0xc: {  	[smem:$0x3FAA] =	sst s4  }
0xd: {  	[smem:$0x3FAB] =	sst s5  }
0xe: {  	[smem:$0x3FAC] =	sst s6  }
0xf: {  	[smem:$0x3FAD] =	sst s7  }
0x10: {  	[smem:$0x3FAE] =	sst s8  }
0x11: {  	[smem:$0x3FAF] =	sst s9;
	s0 =	simm.s32 @!p0 $0x0  }
0x12: {  	s1 =	sld [smem:$0x3F95];
	s0 =	simm.s32 @p0 $0x1  }
0x13: {  	[smem:$0x3FB0] =	sst s0;
	s0 =	simm.s32 @!p1 $0x0  }
0x14: {  	s2 =	sld [smem:$0x3F94];
	s0 =	simm.s32 @p1 $0x1  }
0x15: {  	[smem:$0x3FB1] =	sst s0;
	s0 =	simm.s32 @!p2 $0x0  }
0x16: {  	s3 =	sld [smem:$0x3FDB];
	s0 =	simm.s32 @p2 $0x1  }
0x17: {  	s4 =	simm.s32 $0x1BF5;
	[smem:$0x3FB3] =	sst s0  }
0x18: {  	s0 =	sld [smem:$0x3F96];
	_ =	swait.ge [sflag:s4], $0x0  }
0x19: {  	s7 =	sld [smem:$0x3F97]  }
0x1a: {  	s8 =	sadd.s32 $0xFFFFE003, lr  }
0x1b: {  	s9 =	sadd.s32 $0xFFFFFEF7, lr;
	s5 =	simm.s32 $0xFFFFFFFF;
	p2 =	slt.u32 s8, $0xFFFFF086  }
0x1c: {  	p1 =	slt.u32 s9, $0xF7A;
	s5 =	simm.s32 @!p2 $0x0  }
0x1d: {  	s5 =	simm.s32 @p1 $0x1;
	p0 =	seq.s32 s7, s2  }
0x1e: {  	s7 =	smul.u32 @!p0 $0xF7A, s2;
	p2 =	seq.s32 @!p0 s5, $0x0  }
0x1f: {  	s9 =	smul.u32 $0xF7A, s1;
	s8 =	simm.s32 @!p0 $0x1BF5;
	p2 =	por !p2, p0  }
0x20: {  	[sflag:s8] =	ssyncset.s32 @!p0 $0xFFFFF086;
	s6 =	sadd.s32 @!p0 s3, s7;
	s7 =	simm.s32 @!p0 $0x108  }
0x21: {  	s3 =	sadd.s32 s3, s9;
	s6 =	sadd.s32 @!p0 $0x88, s6;
	s7 =	simm.s32 @p2 $0x1082  }
0x22: {  	[simem:s7], [sflag:s8] =	dma.local @!p0 [hbm:s6], $0xF7A  }
0x23: {  	s9 =	sor.u32 $0xD0000000, s2;
	s6 =	simm.s32 $0x108;
	_ =	swait.ge @!p0 [sflag:s8], $0x0  }
0x24: {  	s3 =	sadd.s32 $0x88, s3;
	s6 =	simm.s32 @!p1 $0x1082;
	[sflag:s4] =	ssyncset.s32 $0xFFFFF086  }
0x25: {  	[simem:s6], [sflag:s4] =	dma.local [hbm:s3], $0xF7A  }
0x26: {  	[smem:$0x3F97] =	sst s1;
	(tag) =	ssettag s2;
	_ =	strace s9  }
0x27: {  	s1 =	sld [smem:$0x3FA7]  }
0x28: {  	s2 =	sld [smem:$0x3FA8]  }
0x29: {  	s4 =	sld [smem:$0x3FAA]  }
0x2a: {  	p0 =	seq.s32 s5, $0x0;
	s5 =	sld [smem:$0x3FAB]  }
0x2b: {  	s6 =	sld [smem:$0x3FAC]  }
0x2c: {  	s7 =	sld [smem:$0x3FAD]  }
0x2d: {  	s3 =	simm.s32 $0x108;
	s8 =	sld [smem:$0x3FAE]  }
0x2e: {  	s3 =	simm.s32 @!p0 $0x1082;
	s9 =	sld [smem:$0x3FAF]  }
0x2f: {  	lr =	sadd.s32 s0, s3;
	s0 =	sld [smem:$0x3FA6]  }
0x30: {  	s3 =	sld [smem:$0x3FA9]  }
0x31: {  	[smem:$0x3FB2] =	sst s10  }
0x32: {  	s10 =	sld [smem:$0x3FB0];
	_ =	sdelay $0x3  }
0x33: {  	p0 =	seq.s32 s10, $0x1;
	s10 =	sld [smem:$0x3FB2];
	_ =	sdelay $0x3  }
0x34: {  	[smem:$0x3FB2] =	sst s10  }
0x35: {  	s10 =	sld [smem:$0x3FB1];
	_ =	sdelay $0x3  }
0x36: {  	p1 =	seq.s32 s10, $0x1;
	s10 =	sld [smem:$0x3FB2];
	_ =	sdelay $0x3  }
0x37: {  	[smem:$0x3FB2] =	sst s10  }
0x38: {  	s10 =	sld [smem:$0x3FB3]  }
0x39: {  	_ = 	snop;
	(pc) =	sbr.ind lr, $3  }
0x3a: {  	_ = 	snop  }
0x3b: {  	_ = 	snop  }
0x3c: {  	p2 =	seq.s32 s10, $0x1;
	s10 =	sld [smem:$0x3FB2]  }
0x3d: {  	_ =	shalt  }
0x3e: {  	_ =	shalt  }
0x3f: {  	_ =	shalt  }
0x40: {  	_ =	shalt  }
0x41: {  	_ =	shalt  }
0x42: {  	_ =	shalt  }
0x43: {  	_ =	shalt  }
0x44: {  	_ =	shalt  }
0x45: {  	_ =	shalt  }
0x46: {  	_ =	shalt  }
0x47: {  	_ =	shalt  }
0x48: {  	_ =	shalt  }
0x49: {  	_ =	shalt  }
0x4a: {  	_ =	shalt  }
0x4b: {  	_ =	shalt  }
0x4c: {  	_ =	shalt  }
0x4d: {  	_ =	shalt  }
0x4e: {  	_ =	shalt  }
0x4f: {  	_ =	shalt  }
0x50: {  	_ =	shalt  }
0x51: {  	_ =	shalt  }
0x52: {  	_ =	shalt  }
0x53: {  	_ =	shalt  }
0x54: {  	_ =	shalt  }
0x55: {  	_ =	shalt  }
0x56: {  	_ =	shalt  }
0x57: {  	_ =	shalt  }
0x58: {  	_ =	shalt  }
0x59: {  	_ =	shalt  }
0x5a: {  	_ =	shalt  }
0x5b: {  	_ =	shalt  }
0x5c: {  	_ =	shalt  }
0x5d: {  	_ =	shalt  }
0x5e: {  	_ =	shalt  }
0x5f: {  	_ =	shalt  }
0x60: {  	_ =	shalt  }
0x61: {  	_ =	shalt  }
0x62: {  	_ =	shalt  }
0x63: {  	_ =	shalt  }
0x64: {  	_ =	shalt  }
0x65: {  	_ =	shalt  }
0x66: {  	_ =	shalt  }
0x67: {  	_ =	shalt  }
0x68: {  	_ =	shalt  }
0x69: {  	_ =	shalt  }
0x6a: {  	_ =	shalt  }
0x6b: {  	_ =	shalt  }
0x6c: {  	_ =	shalt  }
0x6d: {  	_ =	shalt  }
0x6e: {  	_ =	shalt  }
0x6f: {  	_ =	shalt  }
0x70: {  	_ =	shalt  }
0x71: {  	_ =	shalt  }
0x72: {  	_ =	shalt  }
0x73: {  	_ =	shalt  }
0x74: {  	_ =	shalt  }
0x75: {  	_ =	shalt  }
0x76: {  	_ =	shalt  }
0x77: {  	_ =	shalt  }
0x78: {  	_ =	shalt  }
0x79: {  	_ =	shalt  }
0x7a: {  	_ =	shalt  }
0x7b: {  	_ =	shalt  }
0x7c: {  	_ =	shalt  }
0x7d: {  	_ =	shalt  }
0x7e: {  	_ =	shalt  }
0x7f: {  	_ =	shalt  }
0x80: {  	_ =	shalt  }
0x81: {  	_ =	shalt  }
0x82: {  	_ =	shalt  }
0x83: {  	_ =	shalt  }
0x84: {  	_ =	shalt  }
0x85: {  	_ =	shalt  }
0x86: {  	_ =	shalt  }
0x87: {  	_ =	shalt  }
.Lfunc_end0:
.L_simem_size_0:
called_computation.3_lowered:
.L_overlay_start_0:
0x88: {  	s2 =	sld [smem:$0x3FD9]  }
0x89: {  	s3 =	sld [smem:$0x3FFE];
	_ =	sdelay $0x1  }
0x8a: {  	s1 =	srdreg.scid  }
0x8b: {  	s0 =	sand.u32 $0x1, s1  }
0x8c: {  	s16 =	sshll.u32 s0, $0xA;
	s2 =	sadd.s32 s3, s2  }
0x8d: {  	s2 =	sadd.s32 s2, s16  }
0x8e: {  	[smem:$0x3FBE] =	sst s2  }
0x8f: {  	_ = 	snop  }
0x90: {  	(tm) =	ssettm $0x1  }
0x91: {  	s17 =	sld [smem:$0x3FFB];
	_ =	sdelay $0x3  }
0x92: {  	_ =	strace s17  }
0x93: {  	s2 =	sld [smem:$0x3FFC];
	_ =	sdelay $0x3  }
0x94: {  	_ =	strace s2  }
0x95: {  	s2 =	sld [smem:$0x3FFD];
	_ =	sdelay $0x3  }
0x96: {  	_ =	strace s2  }
0x97: {  	_ =	strace $0x8FFFFFFF  }
0x98: {  	s18 =	sld [smem:$0x3FDB];
	_ =	sdelay $0x1  }
0x99: {  	s19 =	simm.s32 $_scs_section_size  }
0x9a: {  	s4 =	simm.s32 $_size__tile_overlayer_lowered;
	s5 =	simm.s32 $_tile_overlayer_lowered  }
0x9b: {  	s22 =	simm.s32 $0x1BFF;
	s21 =	sshll.u32 s5, $0x1;
	s2 =	sadd.s32 s19, s18  }
0x9c: {  	s6 =	simm.s32 $0x0;
	s20 =	sshll.u32 s4, $0x1;
	s4 =	sadd.s32 s21, s2  }
0x9d: {  	[timem:s6], [sflag:s22] =	dma.local [hbm:s4], s20  }
0x9e: {  	_ =	swait.ge [sflag:s22], s20  }
0x9f: {  	s3 =	ssub.s32 $0x0, s20;
	[sflag:s22] =	ssyncset.done $0x0  }
0xa0: {  	[sflag:s22] =	ssyncadd.s32 s3;
	_ =	sdelay $0x1  }
0xa1: {  	s23 =	simm.s32 $0x1B8B  }
0xa2: {  	_ =	swait.ge [sflag:s23], $0x1  }
0xa3: {  	[sflag:s23] =	ssyncset.done $0x0  }
0xa4: {  	s25 =	simm.s32 $0x1B8E;
	s24 =	sld [smem:$0x3FFE];
	[sflag:s23] =	ssyncadd.s32 $0xFFFFFFFF  }
0xa5: {  	s26 =	simm.s32 $execute0_lowered;
	[smem:$0x3FD2] =	sst s25  }
0xa6: {  	s4 =	sshll.u32 s26, $0x1;
	_ =	strace $0x8000004F;
	[dreg:$0x1] =	wrdreg $0xFFFFFFFF  }
0xa7: {  	s28 =	simm.s32 $_size_execute0_lowered;
	s2 =	sadd.s32 s2, s4;
	[dreg:$0x0] =	wrdreg $0x0  }
0xa8: {  	s4 =	sshll.u32 s28, $0x1;
	[dreg:$0x2] =	wrdreg s2  }
0xa9: {  	[dreg:$0x3] =	wrdreg s4  }
0xaa: {  	[dreg:$0x4] =	wrdreg $0xC0  }
0xab: {  	_ =	task [dreg:s6], $0x5FFFF  }
0xac: {  	[dreg:$0x1] =	wrdreg $0xFFFFFFFF  }
0xad: {  	[dreg:$0x0] =	wrdreg $0x60  }
0xae: {  	[dreg:$0x2] =	wrdreg s24  }
0xaf: {  	[dreg:$0x3] =	wrdreg $0x9  }
0xb0: {  	_ =	task.clear_ibuf [dreg:s6], $0x4FFFF;
	_ =	strace $0x9000004F  }
0xb1: {  	s29 =	simm.s32 $0x9;
	_ =	strace $0x80000051  }
0xb2: {  	_ =	swait.ge [sflag:s29], $0x1  }
0xb3: {  	[sflag:s29] =	ssyncadd.s32 $0xFFFFFFFF  }
0xb4: {  	_ =	strace $0x90000051  }
0xb5: {  	_ =	sfence  }
0xb6: {  	s30 =	sld [smem:$0x0];
	_ =	sdelay $0x2  }
0xb7: {  	s31 =	sshll.u32 s1, $0xD;
	s1 =	sshrl.u32 s1, $0x2  }
0xb8: {  	s3 =	sand.u32 $0x4000, s31;
	s1 =	sadd.s32 s1, s30  }
0xb9: {  	s0 =	sor.u32 s3, s0;
	s1 =	sshll.u32 s1, $0x11  }
0xba: {  	s0 =	sor.u32 s1, s0  }
0xbb: {  	s0 =	sadd.s32 $0x8F2B, s0  }
0xbc: {  	[sflag:s0] =	ssyncadd.remote.s32 $0x1  }
0xbd: {  	_ =	sfence.sel $0xFFFF  }
0xbe: {  	[dreg:$0x0] =	wrdreg $0xFFFFFFFF;
	(pc) =	sbr.abs _section_cstart, $3  }
0xbf: {  	[dreg:$0x1] =	wrdreg $0xFFFFFFFF  }
0xc0: {  	_ =	task.clear_ibuf [dreg:s6], $0x2FFFF;
	_ =	strace $0x9FFFFFFF  }
0xc1: {  	(tm) =	ssettm $0x7FFFFFFF  }
tec
execute0_lowered:
.L_overlay_start_1:
0x0: {  	(tag) =	ssettag $0x1  }
0x1: {  	s0 =	srdreg.scid;
	s4 =	rddreg [dreg:$0x0];
	s2 =	simm.s32 $0x0  }
0x2: {  	s10 =	simm.s32 $0x5000;
	s11 =	simm.s32 $0xC780;
	s3 =	sand.u32 $0x1, s0  }
0x3: {  	s12 =	simm.s32 $0x0;
	s0 =	stileid.u32;
	s1 =	sshll.u32 s3, $0x4  }
0x4: {  	[smem:$0x7FF] =	sst s2;
	s7 =	ssub.s32 $0x2, s3;
	s5 =	sor.u32 s0, s1  }
0x5: {  	s3 =	sadd.s32 $0x29A00, s4;
	s1 =	rddreg [dreg:$0x1];
	s6 =	smul.u32 $0xA00, s5  }
0x6: {  	_ =	strace $0x80000050;
	s8 =	sshrl.u32 s7, $0x1;
	s5 =	smul.u32 $0x4F0, s5  }
0x7: {  	s7 =	ssub.s32 s7, s8;
	s8 =	simm.s32 $0xA000;
	s6 =	sadd.s32 s6, s4  }
0x8: {  	s7 =	smax.u32 s7, $0x1;
	s9 =	sadd.s32 s5, s4;
	s4 =	sadd.s32 $0x1A00, s6  }
0x9: {  	v0 =	vimm.f32 $0.0e+00;
	s5 =	sadd.s32 $0x15A00, s6;
	s6 =	sadd.s32 $0x2A000, s9;
	s9 =	simm.s32 $0x1  }
.LBB2_1:
0xa: {  	[tilespmem:s8], [sflag:$0x1] =	stream.linear.gather [hbm4b:s3+s2], $0x2780, $0x38;
	[tilespmem:$0xEF00] =	vst v63  }
0xb: {  	_ =	swait.ge [sflag:s9], $0x2780  }
0xc: {  	[sflag:s9] =	ssyncset.done $0x0  }
0xd: {  	[sflag:s9] =	ssyncadd.s32 $0xFFFFD880  }
0xe: {  	[tilespmem:s2], [sflag:$0x1] =	stream.linear.gather [hbm4b:s4+s2], $0x5000, $0x38;
	[tilespmem:$0xEF00] =	vst v63  }
0xf: {  	_ =	swait.ge [sflag:s9], $0x5000  }
0x10: {  	[sflag:s9] =	ssyncset.done $0x0  }
0x11: {  	[sflag:s9] =	ssyncadd.s32 $0xFFFFB000  }
0x12: {  	[tilespmem:s10], [sflag:$0x1] =	stream.linear.gather [hbm4b:s5+s2], $0x5000, $0x38;
	[tilespmem:$0xEF00] =	vst v63  }
0x13: {  	_ =	swait.ge [sflag:s9], $0x5000  }
0x14: {  	[sflag:s9] =	ssyncset.done $0x0  }
0x15: {  	s13 =	simm.s32 $0x0;
	[sflag:s9] =	ssyncadd.s32 $0xFFFFB000  }
.LBB2_2:
0x16: {  	p0 =	sne.s32 s13, $0x9DC0  }
.Ltmp0:
0x17: {  	_ = 	snop;
	(pc) =	sbr.rel @p0 .LBB2_2-.Ltmp0, $3  }
0x18: {  	_ =	sdelay $0x1  }
0x19: {  	s14 =	sshra.s32 s13, $0x2  }
0x1a: {  	s13 =	sadd.s32 $0x40, s13;
	[tilespmem:s14+$0xC780] =	vst v0  }
0x1b: {  	s14 =	simm.s32 $0x0;
	s13 =	simm.s32 $0x40  }
.LBB2_4:
0x1c: {  	p0 =	sne.s32 s13, $0x13FC0;
	v1 =	vld [tilespmem:s14+$0x0];
	_ =	sdelay $0x5  }
0x1d: {  	v2 =	vld [tilespmem:s14+$0x5000];
	_ =	sdelay $0x1  }
0x1e: {  	v1 =	vld.idx.msk [tilespmem:v1+s8+$0x0], $0xffff;
	_ =	sdelay $0x1  }
.Ltmp1:
0x1f: {  	(pc) =	sbr.rel @p0 .LBB2_4-.Ltmp1, $2  }
0x20: {  	_ =	sdelay $0x2  }
0x21: {  	s14 =	sshra.s32 s13, $0x2;
	s13 =	sadd.s32 $0x40, s13;
	[tilespmem:v2+s11+$0x0] =	vst.idx.add.f32.msk $0xffff, v1  }
0x22: {  	v1 =	vld [tilespmem:s14+$0x0];
	_ =	sdelay $0x4  }
0x23: {  	v2 =	vld [tilespmem:s14+$0x5000];
	_ =	sdelay $0x2  }
0x24: {  	v1 =	vld.idx.msk [tilespmem:v1+s8+$0x0], $0xffff;
	_ =	sdelay $0x2  }
0x25: {  	s12 =	sadd.s32 $0x1, s12  }
0x26: {  	p0 =	sne.s32 s12, s7  }
.Ltmp2:
0x27: {  	[tilespmem:v2+s11+$0x0] =	vst.idx.add.f32.msk $0xffff, v1;
	(pc) =	sbr.rel @p0 .LBB2_1-.Ltmp2, $4  }
0x28: {  	[hbm4b:s6+s2] =	stream.linear.scatter [tilespmem:s11], [sflag:$0x1], $0x2780, $0x38;
	[tilespmem:$0xEF00] =	vst v63  }
0x29: {  	_ =	swait.ge [sflag:s9], $0x2780  }
0x2a: {  	[sflag:s9] =	ssyncset.done $0x0  }
0x2b: {  	[sflag:s9] =	ssyncadd.s32 $0xFFFFD880  }
0x2c: {  	_ =	sfence.sel $0x180000  }
0x2d: {  	[bflag:$0x0] =	sbarrier.arrive $0xFFFF  }
0x2e: {  	p0 =	sne.s32 s0, $0x0;
	_ =	strace $0x90000050  }
0x2f: {  	s0 =	sadd.s32 @!p0 $0x100000, s1;
	[bflag:$0x2] =	sbarrier.arrive $0xFFFF  }
0x30: {  	[sflag:s0] =	ssyncadd.tile.s32 @!p0 $0x1;
	_ =	shalt  }
.Lfunc_end2:
_tile_overlayer_lowered:
.L_overlay_start_2:
0x31: {  	(tag) =	ssettag $0x2  }
0x32: {  	s0 =	rddreg [dreg:$0x0];
	s2 =	stileid.u32  }
0x33: {  	s1 =	rddreg [dreg:$0x1];
	p0 =	sne.s32 s2, $0x0  }
0x34: {  	s3 =	rddreg [dreg:$0x2];
	[bflag:$0x3] =	sbarrier.arrive $0xFFFF;
	s2 =	simm.s32 @!p0 $0x1C01  }
0x35: {  	[timem:s3], [sflag:s2] =	dma.local @!p0 [hbm:s0], s1  }
0x36: {  	s0 =	simm.s32 @!p0 $0x1  }
0x37: {  	_ =	swait.ge @!p0 [sflag:s0], s1  }
0x38: {  	s1 =	ssub.s32 @!p0 $0x0, s1;
	[sflag:s0] =	ssyncset.done @!p0 $0x0  }
0x39: {  	[sflag:s0] =	ssyncadd.s32 @!p0 s1  }
0x3a: {  	[bflag:$0x3] =	sbarrier.arrive $0xFFFF  }
0x3b: {  	_ =	shalt  }

</sc_bundles>
